<compile_context>
chip_gen: v7x
topology: tpu7x:2x2x1
jax: 0.10.2.dev20260603
libtpu: 0.0.44.dev20260713+nightly
codegen_flags: <defaults>
</compile_context>

<pallas_src>
import jax
import jax.numpy as jnp
from jax import lax
from jax.experimental import pallas as pl
from jax.experimental.pallas import tpu as pltpu
from jax.experimental.pallas import tpu_sc as plsc

NC = 2
NS = 16
NW = NC * NS
D = 64
CH = 128
L = 16


def _body(x_hbm, w_hbm, out_hbm, jv, ov, rawA, rawB, tbA, tbB, gA, gB, sA, sB):
    n_b1 = x_hbm.shape[0]
    wid = lax.axis_index("s") * NC + lax.axis_index("c")
    b0 = wid * CH

    pltpu.sync_copy(x_hbm.at[:, pl.ds(b0, CH)], jv)

    @pl.loop(0, n_b1)
    def _(b1):
        for g in range(CH // L):
            sl = pl.ds(g * L, L)
            v = jv[b1, sl]
            ov[b1, sl] = lax.shift_left(lax.bitwise_and(v, 1), 6)
            jv[b1, sl] = lax.shift_right_logical(v, 1)

    def fire_gather(b1, raw, sem):
        pltpu.async_copy(w_hbm.at[jv.at[b1]], raw, sem)

    def wait_gather(raw, sem):
        pltpu.make_async_copy(w_hbm.at[jv.at[0]], raw, sem).wait()

    tvec0 = lax.iota(jnp.int32, L)

    def transpose(b1, raw, tb):
        @pl.loop(0, CH // L, unroll=2)
        def _(g):
            tvec = tvec0 + g * L
            offv = ov[b1, pl.ds(g * L, L)]

            @pl.loop(0, D, unroll=32)
            def _(d):
                evec = lax.bitwise_and(tvec + d, D - 1)
                vals = plsc.load_gather(raw, [tvec, offv + evec])
                plsc.store_scatter(tb, [evec, tvec], vals)

    def fire_store(b1, tb, sem):
        pltpu.async_copy(
            tb.at[:, pl.ds(0, CH)], out_hbm.at[b1, :, pl.ds(b0, CH)], sem)

    def wait_store(tb, sem):
        pltpu.make_async_copy(
            tb.at[:, pl.ds(0, CH)], out_hbm.at[0, :, pl.ds(b0, CH)], sem
        ).wait()

    fire_gather(0, rawA, gA)

    @pl.loop(0, n_b1 // 2)
    def _(i):
        b1a = 2 * i
        b1b = 2 * i + 1
        fire_gather(b1b, rawB, gB)
        wait_gather(rawA, gA)

        @pl.when(i > 0)
        def _():
            wait_store(tbA, sA)

        transpose(b1a, rawA, tbA)
        fire_store(b1a, tbA, sA)

        @pl.when(b1b + 1 < n_b1)
        def _():
            fire_gather(b1b + 1, rawA, gA)

        wait_gather(rawB, gB)

        @pl.when(i > 0)
        def _():
            wait_store(tbB, sB)

        transpose(b1b, rawB, tbB)
        fire_store(b1b, tbB, sB)

    wait_store(tbA, sA)
    wait_store(tbB, sB)


def kernel(x, weight):
    b0n, b1n = x.shape
    nvoc, d = weight.shape
    assert d == D and b0n == NW * CH
    xT = x.T.astype(jnp.int32)
    w2 = weight.reshape(nvoc // 2, 2 * D)

    mesh = plsc.VectorSubcoreMesh(core_axis_name="c", subcore_axis_name="s")
    outT = pl.kernel(
        _body,
        out_type=jax.ShapeDtypeStruct((b1n, D, b0n), jnp.float32),
        mesh=mesh,
        scratch_types=[
            pltpu.VMEM((b1n, CH), jnp.int32),
            pltpu.VMEM((b1n, CH), jnp.int32),
            pltpu.VMEM((CH, 2 * D), jnp.float32),
            pltpu.VMEM((CH, 2 * D), jnp.float32),
            pltpu.VMEM((D, CH + 2), jnp.float32),
            pltpu.VMEM((D, CH + 2), jnp.float32),
            pltpu.SemaphoreType.DMA,
            pltpu.SemaphoreType.DMA,
            pltpu.SemaphoreType.DMA,
            pltpu.SemaphoreType.DMA,
        ],
        compiler_params=pltpu.CompilerParams(
            use_tc_tiling_on_sc=True, needs_layout_passes=False),
    )(xT, w2)
    return jnp.transpose(outT, (2, 0, 1))

# --- scband reference (transcript-rebuilt; emitter-appended) ---
"""Pipeline reference for scband-embedding-11562051961549 (READ-ONLY COPY).

The authoritative reference and input builder live on the scoring server;
editing this copy changes nothing except your own understanding.
"""

import jax, jax.numpy as jnp
import numpy as np

NUM_EMBEDDINGS = 1000000
EMBEDDING_DIM = 64

def setup_inputs(seed: int = 0) -> dict:
    key = jax.random.key(seed)
    k1, k2 = jax.random.split(key)
    x = jax.random.randint(k1, (4096, 200), 0, NUM_EMBEDDINGS, dtype=jnp.int64 if jax.config.jax_enable_x64 else jnp.int32)
    # truncated normal init, mean=0, std=1, a=-3, b=3
    weight = jax.random.truncated_normal(k2, -3.0, 3.0, (NUM_EMBEDDINGS, EMBEDDING_DIM), dtype=jnp.float32)
    return {"x": x, "weight": weight}

def reference(x, weight):
    # Embedding lookup: weight[x, :]
    return jnp.take(weight, x, axis=0)

if __name__ == "__main__":
    import jax
    _d = setup_inputs()
    print(jax.jit(kernel)(*tuple(_d.values())))

</pallas_src>

<mosaic_0001>
#map = affine_map<(d0, d1) -> (0, 0)>
#map1 = affine_map<(d0, d1) -> (0, 0, 0)>
module attributes {stable_mosaic.version = 14 : i64} {
  func.func @_body(%arg0: i32, %arg1: i32, %arg2: memref<200x4096xi32, #tpu.memory_space<hbm>>, %arg3: memref<500000x128xf32, #tpu.memory_space<hbm>>, %arg4: memref<200x64x4096xf32, #tpu.memory_space<hbm>>, %arg5: memref<200x128xi32, #tpu.memory_space<vmem>>, %arg6: memref<200x128xi32, #tpu.memory_space<vmem>>, %arg7: memref<128x128xf32, #tpu.memory_space<vmem>>, %arg8: memref<128x128xf32, #tpu.memory_space<vmem>>, %arg9: memref<64x130xf32, #tpu.memory_space<vmem>>, %arg10: memref<64x130xf32, #tpu.memory_space<vmem>>, %arg11: memref<!tpu.dma_semaphore, #tpu.memory_space<semaphore_mem>>, %arg12: memref<!tpu.dma_semaphore, #tpu.memory_space<semaphore_mem>>, %arg13: memref<!tpu.dma_semaphore, #tpu.memory_space<semaphore_mem>>, %arg14: memref<!tpu.dma_semaphore, #tpu.memory_space<semaphore_mem>>) attributes {dimension_semantics = [#tpu.dimension_semantics<core_parallel>, #tpu.dimension_semantics<subcore_parallel>], iteration_bounds = array<i64: 2, 16>, scalar_prefetch = 0 : i64, scratch_operands = 10 : i64, tpu.core_type = #tpu.core_type<sc_vector_subcore>, window_params = [{transform_indices = #map}, {transform_indices = #map}, {transform_indices = #map1}]} {
    %mul3A = arith.constant 2 : i32
    %mul3A_0 = arith.muli %arg1, %mul3A : i32
    %add3A = arith.addi %mul3A_0, %arg0 : i32
    %mul3A_1 = arith.constant 128 : i32
    %mul3A_2 = arith.muli %add3A, %mul3A_1 : i32
    "tpu.region"() ({
      %run_scoped3A = tpu.sem_alloc : memref<!tpu.dma_semaphore, #tpu.memory_space<semaphore_mem>>
      %dma_start3A_43 = arith.constant 0 : i32
      %dma_start3A_44 = tpu.memref_slice %arg2[%dma_start3A_43, %mul3A_2] : memref<200x4096xi32, #tpu.memory_space<hbm>> -> memref<200x128xi32, #tpu.memory_space<hbm>>
      %dma_start3A_45 = arith.constant 0 : i32
      %dma_start3A_46 = tpu.memref_slice %arg2[%dma_start3A_45, %mul3A_2] : memref<200x4096xi32, #tpu.memory_space<hbm>> -> memref<200x128xi32, #tpu.memory_space<hbm>>
      tpu.enqueue_dma source(%dma_start3A_46 : memref<200x128xi32, #tpu.memory_space<hbm>>) target(%arg5 : memref<200x128xi32, #tpu.memory_space<vmem>>) target_semaphore(%run_scoped3A : memref<!tpu.dma_semaphore, #tpu.memory_space<semaphore_mem>>)
      %dma_wait3A_47 = arith.constant 0 : i32
      %dma_wait3A_48 = tpu.memref_slice %arg2[%dma_wait3A_47, %mul3A_2] : memref<200x4096xi32, #tpu.memory_space<hbm>> -> memref<200x128xi32, #tpu.memory_space<hbm>>
      %dma_wait3A_49 = arith.constant 0 : i32
      %dma_wait3A_50 = tpu.memref_slice %arg2[%dma_wait3A_49, %mul3A_2] : memref<200x4096xi32, #tpu.memory_space<hbm>> -> memref<200x128xi32, #tpu.memory_space<hbm>>
      tpu.wait_dma2 semaphore(%run_scoped3A : memref<!tpu.dma_semaphore, #tpu.memory_space<semaphore_mem>>) src(%dma_wait3A_50 : memref<200x128xi32, #tpu.memory_space<hbm>>) dst(%arg5 : memref<200x128xi32, #tpu.memory_space<vmem>>)
      tpu.yield
    }) : () -> ()
    %scan3A = arith.constant 0 : i32
    %scan3A_3 = arith.constant 200 : i32
    %scan3A_4 = arith.addi %scan3A, %scan3A_3 : i32
    %scan3A_5 = arith.constant 1 : i32
    scf.for %scan3A_43 = %scan3A to %scan3A_4 step %scan3A_5  : i32 {
      %mul3A_44 = arith.constant 1 : i32
      %mul3A_45 = arith.muli %scan3A_43, %mul3A_44 : i32
      %add3A_46 = arith.constant 0 : i32
      %add3A_47 = arith.addi %add3A_46, %mul3A_45 : i32
      %get3A = arith.index_cast %add3A_47 : i32 to index
      %get3A_48 = arith.constant 0 : index
      %get3A_49 = tpu.vector_load %arg5[%get3A, %get3A_48] {strides = array<i32>} : memref<200x128xi32, #tpu.memory_space<vmem>>, vector<16xi32>,
      %and3A = arith.constant 1 : i32
      %and3A_50 = vector.broadcast %and3A : i32 to vector<16xi32>
      %and3A_51 = arith.andi %get3A_49, %and3A_50 : vector<16xi32>
      %shift_left3A = arith.constant 6 : i32
      %shift_left3A_52 = vector.broadcast %shift_left3A : i32 to vector<16xi32>
      %shift_left3A_53 = arith.shli %and3A_51, %shift_left3A_52 : vector<16xi32>
      %swap3A = arith.index_cast %add3A_47 : i32 to index
      %swap3A_54 = arith.constant 0 : index
      %swap3A_55 = tpu.vector_load %arg6[%swap3A, %swap3A_54] {strides = array<i32>} : memref<200x128xi32, #tpu.memory_space<vmem>>, vector<16xi32>,
      tpu.vector_store %arg6[%swap3A, %swap3A_54], %shift_left3A_53 {strides = array<i32>} : memref<200x128xi32, #tpu.memory_space<vmem>>, vector<16xi32>,
      %shift_right_logical3A = arith.constant 1 : i32
      %shift_right_logical3A_56 = vector.broadcast %shift_right_logical3A : i32 to vector<16xi32>
      %shift_right_logical3A_57 = arith.shrui %get3A_49, %shift_right_logical3A_56 : vector<16xi32>
      %swap3A_58 = arith.index_cast %add3A_47 : i32 to index
      %swap3A_59 = arith.constant 0 : index
      %swap3A_60 = tpu.vector_load %arg5[%swap3A_58, %swap3A_59] {strides = array<i32>} : memref<200x128xi32, #tpu.memory_space<vmem>>, vector<16xi32>,
      tpu.vector_store %arg5[%swap3A_58, %swap3A_59], %shift_right_logical3A_57 {strides = array<i32>} : memref<200x128xi32, #tpu.memory_space<vmem>>, vector<16xi32>,
      %get3A_61 = arith.index_cast %add3A_47 : i32 to index
      %get3A_62 = arith.constant 16 : index
      %get3A_63 = tpu.vector_load %arg5[%get3A_61, %get3A_62] {strides = array<i32>} : memref<200x128xi32, #tpu.memory_space<vmem>>, vector<16xi32>,
      %and3A_64 = arith.constant 1 : i32
      %and3A_65 = vector.broadcast %and3A_64 : i32 to vector<16xi32>
      %and3A_66 = arith.andi %get3A_63, %and3A_65 : vector<16xi32>
      %shift_left3A_67 = arith.constant 6 : i32
      %shift_left3A_68 = vector.broadcast %shift_left3A_67 : i32 to vector<16xi32>
      %shift_left3A_69 = arith.shli %and3A_66, %shift_left3A_68 : vector<16xi32>
      %swap3A_70 = arith.index_cast %add3A_47 : i32 to index
      %swap3A_71 = arith.constant 16 : index
      %swap3A_72 = tpu.vector_load %arg6[%swap3A_70, %swap3A_71] {strides = array<i32>} : memref<200x128xi32, #tpu.memory_space<vmem>>, vector<16xi32>,
      tpu.vector_store %arg6[%swap3A_70, %swap3A_71], %shift_left3A_69 {strides = array<i32>} : memref<200x128xi32, #tpu.memory_space<vmem>>, vector<16xi32>,
      %shift_right_logical3A_73 = arith.constant 1 : i32
      %shift_right_logical3A_74 = vector.broadcast %shift_right_logical3A_73 : i32 to vector<16xi32>
      %shift_right_logical3A_75 = arith.shrui %get3A_63, %shift_right_logical3A_74 : vector<16xi32>
      %swap3A_76 = arith.index_cast %add3A_47 : i32 to index
      %swap3A_77 = arith.constant 16 : index
      %swap3A_78 = tpu.vector_load %arg5[%swap3A_76, %swap3A_77] {strides = array<i32>} : memref<200x128xi32, #tpu.memory_space<vmem>>, vector<16xi32>,
      tpu.vector_store %arg5[%swap3A_76, %swap3A_77], %shift_right_logical3A_75 {strides = array<i32>} : memref<200x128xi32, #tpu.memory_space<vmem>>, vector<16xi32>,
      %get3A_79 = arith.index_cast %add3A_47 : i32 to index
      %get3A_80 = arith.constant 32 : index
      %get3A_81 = tpu.vector_load %arg5[%get3A_79, %get3A_80] {strides = array<i32>} : memref<200x128xi32, #tpu.memory_space<vmem>>, vector<16xi32>,
      %and3A_82 = arith.constant 1 : i32
      %and3A_83 = vector.broadcast %and3A_82 : i32 to vector<16xi32>
      %and3A_84 = arith.andi %get3A_81, %and3A_83 : vector<16xi32>
      %shift_left3A_85 = arith.constant 6 : i32
      %shift_left3A_86 = vector.broadcast %shift_left3A_85 : i32 to vector<16xi32>
      %shift_left3A_87 = arith.shli %and3A_84, %shift_left3A_86 : vector<16xi32>
      %swap3A_88 = arith.index_cast %add3A_47 : i32 to index
      %swap3A_89 = arith.constant 32 : index
      %swap3A_90 = tpu.vector_load %arg6[%swap3A_88, %swap3A_89] {strides = array<i32>} : memref<200x128xi32, #tpu.memory_space<vmem>>, vector<16xi32>,
      tpu.vector_store %arg6[%swap3A_88, %swap3A_89], %shift_left3A_87 {strides = array<i32>} : memref<200x128xi32, #tpu.memory_space<vmem>>, vector<16xi32>,
      %shift_right_logical3A_91 = arith.constant 1 : i32
      %shift_right_logical3A_92 = vector.broadcast %shift_right_logical3A_91 : i32 to vector<16xi32>
      %shift_right_logical3A_93 = arith.shrui %get3A_81, %shift_right_logical3A_92 : vector<16xi32>
      %swap3A_94 = arith.index_cast %add3A_47 : i32 to index
      %swap3A_95 = arith.constant 32 : index
      %swap3A_96 = tpu.vector_load %arg5[%swap3A_94, %swap3A_95] {strides = array<i32>} : memref<200x128xi32, #tpu.memory_space<vmem>>, vector<16xi32>,
      tpu.vector_store %arg5[%swap3A_94, %swap3A_95], %shift_right_logical3A_93 {strides = array<i32>} : memref<200x128xi32, #tpu.memory_space<vmem>>, vector<16xi32>,
      %get3A_97 = arith.index_cast %add3A_47 : i32 to index
      %get3A_98 = arith.constant 48 : index
      %get3A_99 = tpu.vector_load %arg5[%get3A_97, %get3A_98] {strides = array<i32>} : memref<200x128xi32, #tpu.memory_space<vmem>>, vector<16xi32>,
      %and3A_100 = arith.constant 1 : i32
      %and3A_101 = vector.broadcast %and3A_100 : i32 to vector<16xi32>
      %and3A_102 = arith.andi %get3A_99, %and3A_101 : vector<16xi32>
      %shift_left3A_103 = arith.constant 6 : i32
      %shift_left3A_104 = vector.broadcast %shift_left3A_103 : i32 to vector<16xi32>
      %shift_left3A_105 = arith.shli %and3A_102, %shift_left3A_104 : vector<16xi32>
      %swap3A_106 = arith.index_cast %add3A_47 : i32 to index
      %swap3A_107 = arith.constant 48 : index
      %swap3A_108 = tpu.vector_load %arg6[%swap3A_106, %swap3A_107] {strides = array<i32>} : memref<200x128xi32, #tpu.memory_space<vmem>>, vector<16xi32>,
      tpu.vector_store %arg6[%swap3A_106, %swap3A_107], %shift_left3A_105 {strides = array<i32>} : memref<200x128xi32, #tpu.memory_space<vmem>>, vector<16xi32>,
      %shift_right_logical3A_109 = arith.constant 1 : i32
      %shift_right_logical3A_110 = vector.broadcast %shift_right_logical3A_109 : i32 to vector<16xi32>
      %shift_right_logical3A_111 = arith.shrui %get3A_99, %shift_right_logical3A_110 : vector<16xi32>
      %swap3A_112 = arith.index_cast %add3A_47 : i32 to index
      %swap3A_113 = arith.constant 48 : index
      %swap3A_114 = tpu.vector_load %arg5[%swap3A_112, %swap3A_113] {strides = array<i32>} : memref<200x128xi32, #tpu.memory_space<vmem>>, vector<16xi32>,
      tpu.vector_store %arg5[%swap3A_112, %swap3A_113], %shift_right_logical3A_111 {strides = array<i32>} : memref<200x128xi32, #tpu.memory_space<vmem>>, vector<16xi32>,
      %get3A_115 = arith.index_cast %add3A_47 : i32 to index
      %get3A_116 = arith.constant 64 : index
      %get3A_117 = tpu.vector_load %arg5[%get3A_115, %get3A_116] {strides = array<i32>} : memref<200x128xi32, #tpu.memory_space<vmem>>, vector<16xi32>,
      %and3A_118 = arith.constant 1 : i32
      %and3A_119 = vector.broadcast %and3A_118 : i32 to vector<16xi32>
      %and3A_120 = arith.andi %get3A_117, %and3A_119 : vector<16xi32>
      %shift_left3A_121 = arith.constant 6 : i32
      %shift_left3A_122 = vector.broadcast %shift_left3A_121 : i32 to vector<16xi32>
      %shift_left3A_123 = arith.shli %and3A_120, %shift_left3A_122 : vector<16xi32>
      %swap3A_124 = arith.index_cast %add3A_47 : i32 to index
      %swap3A_125 = arith.constant 64 : index
      %swap3A_126 = tpu.vector_load %arg6[%swap3A_124, %swap3A_125] {strides = array<i32>} : memref<200x128xi32, #tpu.memory_space<vmem>>, vector<16xi32>,
      tpu.vector_store %arg6[%swap3A_124, %swap3A_125], %shift_left3A_123 {strides = array<i32>} : memref<200x128xi32, #tpu.memory_space<vmem>>, vector<16xi32>,
      %shift_right_logical3A_127 = arith.constant 1 : i32
      %shift_right_logical3A_128 = vector.broadcast %shift_right_logical3A_127 : i32 to vector<16xi32>
      %shift_right_logical3A_129 = arith.shrui %get3A_117, %shift_right_logical3A_128 : vector<16xi32>
      %swap3A_130 = arith.index_cast %add3A_47 : i32 to index
      %swap3A_131 = arith.constant 64 : index
      %swap3A_132 = tpu.vector_load %arg5[%swap3A_130, %swap3A_131] {strides = array<i32>} : memref<200x128xi32, #tpu.memory_space<vmem>>, vector<16xi32>,
      tpu.vector_store %arg5[%swap3A_130, %swap3A_131], %shift_right_logical3A_129 {strides = array<i32>} : memref<200x128xi32, #tpu.memory_space<vmem>>, vector<16xi32>,
      %get3A_133 = arith.index_cast %add3A_47 : i32 to index
      %get3A_134 = arith.constant 80 : index
      %get3A_135 = tpu.vector_load %arg5[%get3A_133, %get3A_134] {strides = array<i32>} : memref<200x128xi32, #tpu.memory_space<vmem>>, vector<16xi32>,
      %and3A_136 = arith.constant 1 : i32
      %and3A_137 = vector.broadcast %and3A_136 : i32 to vector<16xi32>
      %and3A_138 = arith.andi %get3A_135, %and3A_137 : vector<16xi32>
      %shift_left3A_139 = arith.constant 6 : i32
      %shift_left3A_140 = vector.broadcast %shift_left3A_139 : i32 to vector<16xi32>
      %shift_left3A_141 = arith.shli %and3A_138, %shift_left3A_140 : vector<16xi32>
      %swap3A_142 = arith.index_cast %add3A_47 : i32 to index
      %swap3A_143 = arith.constant 80 : index
      %swap3A_144 = tpu.vector_load %arg6[%swap3A_142, %swap3A_143] {strides = array<i32>} : memref<200x128xi32, #tpu.memory_space<vmem>>, vector<16xi32>,
      tpu.vector_store %arg6[%swap3A_142, %swap3A_143], %shift_left3A_141 {strides = array<i32>} : memref<200x128xi32, #tpu.memory_space<vmem>>, vector<16xi32>,
      %shift_right_logical3A_145 = arith.constant 1 : i32
      %shift_right_logical3A_146 = vector.broadcast %shift_right_logical3A_145 : i32 to vector<16xi32>
      %shift_right_logical3A_147 = arith.shrui %get3A_135, %shift_right_logical3A_146 : vector<16xi32>
      %swap3A_148 = arith.index_cast %add3A_47 : i32 to index
      %swap3A_149 = arith.constant 80 : index
      %swap3A_150 = tpu.vector_load %arg5[%swap3A_148, %swap3A_149] {strides = array<i32>} : memref<200x128xi32, #tpu.memory_space<vmem>>, vector<16xi32>,
      tpu.vector_store %arg5[%swap3A_148, %swap3A_149], %shift_right_logical3A_147 {strides = array<i32>} : memref<200x128xi32, #tpu.memory_space<vmem>>, vector<16xi32>,
      %get3A_151 = arith.index_cast %add3A_47 : i32 to index
      %get3A_152 = arith.constant 96 : index
      %get3A_153 = tpu.vector_load %arg5[%get3A_151, %get3A_152] {strides = array<i32>} : memref<200x128xi32, #tpu.memory_space<vmem>>, vector<16xi32>,
      %and3A_154 = arith.constant 1 : i32
      %and3A_155 = vector.broadcast %and3A_154 : i32 to vector<16xi32>
      %and3A_156 = arith.andi %get3A_153, %and3A_155 : vector<16xi32>
      %shift_left3A_157 = arith.constant 6 : i32
      %shift_left3A_158 = vector.broadcast %shift_left3A_157 : i32 to vector<16xi32>
      %shift_left3A_159 = arith.shli %and3A_156, %shift_left3A_158 : vector<16xi32>
      %swap3A_160 = arith.index_cast %add3A_47 : i32 to index
      %swap3A_161 = arith.constant 96 : index
      %swap3A_162 = tpu.vector_load %arg6[%swap3A_160, %swap3A_161] {strides = array<i32>} : memref<200x128xi32, #tpu.memory_space<vmem>>, vector<16xi32>,
      tpu.vector_store %arg6[%swap3A_160, %swap3A_161], %shift_left3A_159 {strides = array<i32>} : memref<200x128xi32, #tpu.memory_space<vmem>>, vector<16xi32>,
      %shift_right_logical3A_163 = arith.constant 1 : i32
      %shift_right_logical3A_164 = vector.broadcast %shift_right_logical3A_163 : i32 to vector<16xi32>
      %shift_right_logical3A_165 = arith.shrui %get3A_153, %shift_right_logical3A_164 : vector<16xi32>
      %swap3A_166 = arith.index_cast %add3A_47 : i32 to index
      %swap3A_167 = arith.constant 96 : index
      %swap3A_168 = tpu.vector_load %arg5[%swap3A_166, %swap3A_167] {strides = array<i32>} : memref<200x128xi32, #tpu.memory_space<vmem>>, vector<16xi32>,
      tpu.vector_store %arg5[%swap3A_166, %swap3A_167], %shift_right_logical3A_165 {strides = array<i32>} : memref<200x128xi32, #tpu.memory_space<vmem>>, vector<16xi32>,
      %get3A_169 = arith.index_cast %add3A_47 : i32 to index
      %get3A_170 = arith.constant 112 : index
      %get3A_171 = tpu.vector_load %arg5[%get3A_169, %get3A_170] {strides = array<i32>} : memref<200x128xi32, #tpu.memory_space<vmem>>, vector<16xi32>,
      %and3A_172 = arith.constant 1 : i32
      %and3A_173 = vector.broadcast %and3A_172 : i32 to vector<16xi32>
      %and3A_174 = arith.andi %get3A_171, %and3A_173 : vector<16xi32>
      %shift_left3A_175 = arith.constant 6 : i32
      %shift_left3A_176 = vector.broadcast %shift_left3A_175 : i32 to vector<16xi32>
      %shift_left3A_177 = arith.shli %and3A_174, %shift_left3A_176 : vector<16xi32>
      %swap3A_178 = arith.index_cast %add3A_47 : i32 to index
      %swap3A_179 = arith.constant 112 : index
      %swap3A_180 = tpu.vector_load %arg6[%swap3A_178, %swap3A_179] {strides = array<i32>} : memref<200x128xi32, #tpu.memory_space<vmem>>, vector<16xi32>,
      tpu.vector_store %arg6[%swap3A_178, %swap3A_179], %shift_left3A_177 {strides = array<i32>} : memref<200x128xi32, #tpu.memory_space<vmem>>, vector<16xi32>,
      %shift_right_logical3A_181 = arith.constant 1 : i32
      %shift_right_logical3A_182 = vector.broadcast %shift_right_logical3A_181 : i32 to vector<16xi32>
      %shift_right_logical3A_183 = arith.shrui %get3A_171, %shift_right_logical3A_182 : vector<16xi32>
      %swap3A_184 = arith.index_cast %add3A_47 : i32 to index
      %swap3A_185 = arith.constant 112 : index
      %swap3A_186 = tpu.vector_load %arg5[%swap3A_184, %swap3A_185] {strides = array<i32>} : memref<200x128xi32, #tpu.memory_space<vmem>>, vector<16xi32>,
      tpu.vector_store %arg5[%swap3A_184, %swap3A_185], %shift_right_logical3A_183 {strides = array<i32>} : memref<200x128xi32, #tpu.memory_space<vmem>>, vector<16xi32>,
    }
    %scan3A_6 = arith.constant 200 : i32
    %iota3A = tpu.iota {dimensions = array<i32: 0>} : vector<16xi32>
    %dma_start3A = arith.constant 0 : i32
    %dma_start3A_7 = arith.constant 0 : i32
    %dma_start3A_8 = tpu.memref_slice %arg5[%dma_start3A, %dma_start3A_7] : memref<200x128xi32, #tpu.memory_space<vmem>> -> memref<1x128xi32, #tpu.memory_space<vmem>>
    %dma_start3A_9 = tpu.memref_squeeze %dma_start3A_8 : memref<1x128xi32, #tpu.memory_space<vmem>> -> memref<128xi32, #tpu.memory_space<vmem>>
    %dma_start3A_10 = arith.constant 0 : i32
    %dma_start3A_11 = arith.constant 0 : i32
    %dma_start3A_12 = tpu.memref_slice %arg3[%dma_start3A_10, %dma_start3A_11] : memref<500000x128xf32, #tpu.memory_space<hbm>> -> memref<500000x128xf32, #tpu.memory_space<hbm>>
    tpu.enqueue_indirect_dma source(%dma_start3A_12 : memref<500000x128xf32, #tpu.memory_space<hbm>>) target(%arg7 : memref<128x128xf32, #tpu.memory_space<vmem>>) offsets(%dma_start3A_9 : memref<128xi32, #tpu.memory_space<vmem>>) semaphore(%arg11 : memref<!tpu.dma_semaphore, #tpu.memory_space<semaphore_mem>>)
    %scan3A_13 = arith.constant 0 : i32
    %scan3A_14 = arith.constant 100 : i32
    %scan3A_15 = arith.addi %scan3A_13, %scan3A_14 : i32
    %scan3A_16 = arith.constant 1 : i32
    scf.for %scan3A_43 = %scan3A_13 to %scan3A_15 step %scan3A_16  : i32 {
      %mul3A_44 = arith.constant 1 : i32
      %mul3A_45 = arith.muli %scan3A_43, %mul3A_44 : i32
      %add3A_46 = arith.constant 0 : i32
      %add3A_47 = arith.addi %add3A_46, %mul3A_45 : i32
      %mul3A_48 = arith.constant 2 : i32
      %mul3A_49 = arith.muli %mul3A_48, %add3A_47 : i32
      %mul3A_50 = arith.constant 2 : i32
      %mul3A_51 = arith.muli %mul3A_50, %add3A_47 : i32
      %add3A_52 = arith.constant 1 : i32
      %add3A_53 = arith.addi %mul3A_51, %add3A_52 : i32
      %dma_start3A_54 = arith.constant 0 : i32
      %dma_start3A_55 = tpu.memref_slice %arg5[%add3A_53, %dma_start3A_54] : memref<200x128xi32, #tpu.memory_space<vmem>> -> memref<1x128xi32, #tpu.memory_space<vmem>>
      %dma_start3A_56 = tpu.memref_squeeze %dma_start3A_55 : memref<1x128xi32, #tpu.memory_space<vmem>> -> memref<128xi32, #tpu.memory_space<vmem>>
      %dma_start3A_57 = arith.constant 0 : i32
      %dma_start3A_58 = arith.constant 0 : i32
      %dma_start3A_59 = tpu.memref_slice %arg3[%dma_start3A_57, %dma_start3A_58] : memref<500000x128xf32, #tpu.memory_space<hbm>> -> memref<500000x128xf32, #tpu.memory_space<hbm>>
      tpu.enqueue_indirect_dma source(%dma_start3A_59 : memref<500000x128xf32, #tpu.memory_space<hbm>>) target(%arg8 : memref<128x128xf32, #tpu.memory_space<vmem>>) offsets(%dma_start3A_56 : memref<128xi32, #tpu.memory_space<vmem>>) semaphore(%arg12 : memref<!tpu.dma_semaphore, #tpu.memory_space<semaphore_mem>>)
      %dma_wait3A_60 = arith.constant 0 : i32
      %dma_wait3A_61 = arith.constant 0 : i32
      %dma_wait3A_62 = tpu.memref_slice %arg5[%dma_wait3A_60, %dma_wait3A_61] : memref<200x128xi32, #tpu.memory_space<vmem>> -> memref<1x128xi32, #tpu.memory_space<vmem>>
      %dma_wait3A_63 = tpu.memref_squeeze %dma_wait3A_62 : memref<1x128xi32, #tpu.memory_space<vmem>> -> memref<128xi32, #tpu.memory_space<vmem>>
      %dma_wait3A_64 = arith.constant 0 : i32
      %dma_wait3A_65 = arith.constant 0 : i32
      %dma_wait3A_66 = tpu.memref_slice %arg3[%dma_wait3A_64, %dma_wait3A_65] : memref<500000x128xf32, #tpu.memory_space<hbm>> -> memref<500000x128xf32, #tpu.memory_space<hbm>>
      tpu.wait_indirect_dma semaphore(%arg11 : memref<!tpu.dma_semaphore, #tpu.memory_space<semaphore_mem>>) src(%dma_wait3A_66 : memref<500000x128xf32, #tpu.memory_space<hbm>>) dst(%arg7 : memref<128x128xf32, #tpu.memory_space<vmem>>)
      %gt3A = arith.constant 0 : i32
      %gt3A_67 = arith.cmpi sgt, %add3A_47, %gt3A : i32
      %convert_element_type3A = arith.extui %gt3A_67 : i1 to i32
      %cond3A = arith.constant 0 : i32
      %cond3A_68 = arith.cmpi ne, %convert_element_type3A, %cond3A : i32
      scf.if %cond3A_68 {
        %dma_wait3A_121 = arith.constant 0 : i32
        %dma_wait3A_122 = arith.constant 0 : i32
        %dma_wait3A_123 = arith.constant 0 : i32
        %dma_wait3A_124 = tpu.memref_slice %arg9[%dma_wait3A_122, %dma_wait3A_123] : memref<64x130xf32, #tpu.memory_space<vmem>> -> memref<64x128xf32, #tpu.memory_space<vmem>>
        %dma_wait3A_125 = arith.constant 0 : i32
        %dma_wait3A_126 = tpu.memref_slice %arg4[%dma_wait3A_121, %dma_wait3A_125, %mul3A_2] : memref<200x64x4096xf32, #tpu.memory_space<hbm>> -> memref<1x64x128xf32, #tpu.memory_space<hbm>>
        %dma_wait3A_127 = tpu.memref_squeeze %dma_wait3A_126 : memref<1x64x128xf32, #tpu.memory_space<hbm>> -> memref<64x128xf32, #tpu.memory_space<hbm>>
        %dma_wait3A_128 = arith.constant 0 : i32
        %dma_wait3A_129 = tpu.memref_slice %arg4[%dma_wait3A_121, %dma_wait3A_128, %mul3A_2] : memref<200x64x4096xf32, #tpu.memory_space<hbm>> -> memref<1x64x128xf32, #tpu.memory_space<hbm>>
        %dma_wait3A_130 = tpu.memref_squeeze %dma_wait3A_129 : memref<1x64x128xf32, #tpu.memory_space<hbm>> -> memref<64x128xf32, #tpu.memory_space<hbm>>
        %dma_wait3A_131 = arith.constant 0 : i32
        %dma_wait3A_132 = arith.constant 0 : i32
        %dma_wait3A_133 = tpu.memref_slice %arg9[%dma_wait3A_131, %dma_wait3A_132] : memref<64x130xf32, #tpu.memory_space<vmem>> -> memref<64x128xf32, #tpu.memory_space<vmem>>
        tpu.wait_dma2 semaphore(%arg13 : memref<!tpu.dma_semaphore, #tpu.memory_space<semaphore_mem>>) src(%dma_wait3A_133 : memref<64x128xf32, #tpu.memory_space<vmem>>) dst(%dma_wait3A_130 : memref<64x128xf32, #tpu.memory_space<hbm>>)
      } else {
      }
      %scan3A_69 = arith.constant 0 : i32
      %scan3A_70 = arith.constant 8 : i32
      %scan3A_71 = arith.addi %scan3A_69, %scan3A_70 : i32
      %scan3A_72 = arith.constant 2 : i32
      scf.for %scan3A_121 = %scan3A_69 to %scan3A_71 step %scan3A_72  : i32 {
        %mul3A_122 = arith.constant 1 : i32
        %mul3A_123 = arith.muli %scan3A_121, %mul3A_122 : i32
        %add3A_124 = arith.constant 0 : i32
        %add3A_125 = arith.addi %add3A_124, %mul3A_123 : i32
        %mul3A_126 = arith.constant 16 : i32
        %mul3A_127 = arith.muli %add3A_125, %mul3A_126 : i32
        %add3A_128 = vector.broadcast %mul3A_127 : i32 to vector<16xi32>
        %add3A_129 = arith.addi %iota3A, %add3A_128 : vector<16xi32>
        %mul3A_130 = arith.constant 16 : i32
        %mul3A_131 = arith.muli %add3A_125, %mul3A_130 : i32
        %get3A = arith.index_cast %mul3A_49 : i32 to index
        %get3A_132 = arith.index_cast %mul3A_131 : i32 to index
        %get3A_133 = tpu.vector_load %arg6[%get3A, %get3A_132] {strides = array<i32>} : memref<200x128xi32, #tpu.memory_space<vmem>>, vector<16xi32>,
        %scan3A_134 = arith.constant 0 : i32
        %scan3A_135 = arith.constant 64 : i32
        %scan3A_136 = arith.addi %scan3A_134, %scan3A_135 : i32
        %scan3A_137 = arith.constant 32 : i32
        scf.for %scan3A_159 = %scan3A_134 to %scan3A_136 step %scan3A_137  : i32 {
          %mul3A_160 = arith.constant 1 : i32
          %mul3A_161 = arith.muli %scan3A_159, %mul3A_160 : i32
          %add3A_162 = arith.constant 0 : i32
          %add3A_163 = arith.addi %add3A_162, %mul3A_161 : i32
          %add3A_164 = vector.broadcast %add3A_163 : i32 to vector<16xi32>
          %add3A_165 = arith.addi %add3A_129, %add3A_164 : vector<16xi32>
          %and3A = arith.constant 63 : i32
          %and3A_166 = vector.broadcast %and3A : i32 to vector<16xi32>
          %and3A_167 = arith.andi %add3A_165, %and3A_166 : vector<16xi32>
          %add3A_168 = arith.addi %get3A_133, %and3A_167 : vector<16xi32>
          %gather3A = tpu.vector_load_idx %arg7[%add3A_129, %add3A_168] : memref<128x128xf32, #tpu.memory_space<vmem>>[vector<16xi32>, vector<16xi32>], vector<16xf32>,
          tpu.vector_store_idx %arg9[%and3A_167, %add3A_129], %gather3A : memref<64x130xf32, #tpu.memory_space<vmem>>[vector<16xi32>, vector<16xi32>], vector<16xf32>,
          %scan3A_169 = arith.constant 1 : i32
          %scan3A_170 = arith.addi %scan3A_159, %scan3A_169 : i32
          %mul3A_171 = arith.constant 1 : i32
          %mul3A_172 = arith.muli %scan3A_170, %mul3A_171 : i32
          %add3A_173 = arith.constant 0 : i32
          %add3A_174 = arith.addi %add3A_173, %mul3A_172 : i32
          %add3A_175 = vector.broadcast %add3A_174 : i32 to vector<16xi32>
          %add3A_176 = arith.addi %add3A_129, %add3A_175 : vector<16xi32>
          %and3A_177 = arith.constant 63 : i32
          %and3A_178 = vector.broadcast %and3A_177 : i32 to vector<16xi32>
          %and3A_179 = arith.andi %add3A_176, %and3A_178 : vector<16xi32>
          %add3A_180 = arith.addi %get3A_133, %and3A_179 : vector<16xi32>
          %gather3A_181 = tpu.vector_load_idx %arg7[%add3A_129, %add3A_180] : memref<128x128xf32, #tpu.memory_space<vmem>>[vector<16xi32>, vector<16xi32>], vector<16xf32>,
          tpu.vector_store_idx %arg9[%and3A_179, %add3A_129], %gather3A_181 : memref<64x130xf32, #tpu.memory_space<vmem>>[vector<16xi32>, vector<16xi32>], vector<16xf32>,
          %scan3A_182 = arith.constant 2 : i32
          %scan3A_183 = arith.addi %scan3A_159, %scan3A_182 : i32
          %mul3A_184 = arith.constant 1 : i32
          %mul3A_185 = arith.muli %scan3A_183, %mul3A_184 : i32
          %add3A_186 = arith.constant 0 : i32
          %add3A_187 = arith.addi %add3A_186, %mul3A_185 : i32
          %add3A_188 = vector.broadcast %add3A_187 : i32 to vector<16xi32>
          %add3A_189 = arith.addi %add3A_129, %add3A_188 : vector<16xi32>
          %and3A_190 = arith.constant 63 : i32
          %and3A_191 = vector.broadcast %and3A_190 : i32 to vector<16xi32>
          %and3A_192 = arith.andi %add3A_189, %and3A_191 : vector<16xi32>
          %add3A_193 = arith.addi %get3A_133, %and3A_192 : vector<16xi32>
          %gather3A_194 = tpu.vector_load_idx %arg7[%add3A_129, %add3A_193] : memref<128x128xf32, #tpu.memory_space<vmem>>[vector<16xi32>, vector<16xi32>], vector<16xf32>,
          tpu.vector_store_idx %arg9[%and3A_192, %add3A_129], %gather3A_194 : memref<64x130xf32, #tpu.memory_space<vmem>>[vector<16xi32>, vector<16xi32>], vector<16xf32>,
          %scan3A_195 = arith.constant 3 : i32
          %scan3A_196 = arith.addi %scan3A_159, %scan3A_195 : i32
          %mul3A_197 = arith.constant 1 : i32
          %mul3A_198 = arith.muli %scan3A_196, %mul3A_197 : i32
          %add3A_199 = arith.constant 0 : i32
          %add3A_200 = arith.addi %add3A_199, %mul3A_198 : i32
          %add3A_201 = vector.broadcast %add3A_200 : i32 to vector<16xi32>
          %add3A_202 = arith.addi %add3A_129, %add3A_201 : vector<16xi32>
          %and3A_203 = arith.constant 63 : i32
          %and3A_204 = vector.broadcast %and3A_203 : i32 to vector<16xi32>
          %and3A_205 = arith.andi %add3A_202, %and3A_204 : vector<16xi32>
          %add3A_206 = arith.addi %get3A_133, %and3A_205 : vector<16xi32>
          %gather3A_207 = tpu.vector_load_idx %arg7[%add3A_129, %add3A_206] : memref<128x128xf32, #tpu.memory_space<vmem>>[vector<16xi32>, vector<16xi32>], vector<16xf32>,
          tpu.vector_store_idx %arg9[%and3A_205, %add3A_129], %gather3A_207 : memref<64x130xf32, #tpu.memory_space<vmem>>[vector<16xi32>, vector<16xi32>], vector<16xf32>,
          %scan3A_208 = arith.constant 4 : i32
          %scan3A_209 = arith.addi %scan3A_159, %scan3A_208 : i32
          %mul3A_210 = arith.constant 1 : i32
          %mul3A_211 = arith.muli %scan3A_209, %mul3A_210 : i32
          %add3A_212 = arith.constant 0 : i32
          %add3A_213 = arith.addi %add3A_212, %mul3A_211 : i32
          %add3A_214 = vector.broadcast %add3A_213 : i32 to vector<16xi32>
          %add3A_215 = arith.addi %add3A_129, %add3A_214 : vector<16xi32>
          %and3A_216 = arith.constant 63 : i32
          %and3A_217 = vector.broadcast %and3A_216 : i32 to vector<16xi32>
          %and3A_218 = arith.andi %add3A_215, %and3A_217 : vector<16xi32>
          %add3A_219 = arith.addi %get3A_133, %and3A_218 : vector<16xi32>
          %gather3A_220 = tpu.vector_load_idx %arg7[%add3A_129, %add3A_219] : memref<128x128xf32, #tpu.memory_space<vmem>>[vector<16xi32>, vector<16xi32>], vector<16xf32>,
          tpu.vector_store_idx %arg9[%and3A_218, %add3A_129], %gather3A_220 : memref<64x130xf32, #tpu.memory_space<vmem>>[vector<16xi32>, vector<16xi32>], vector<16xf32>,
          %scan3A_221 = arith.constant 5 : i32
          %scan3A_222 = arith.addi %scan3A_159, %scan3A_221 : i32
          %mul3A_223 = arith.constant 1 : i32
          %mul3A_224 = arith.muli %scan3A_222, %mul3A_223 : i32
          %add3A_225 = arith.constant 0 : i32
          %add3A_226 = arith.addi %add3A_225, %mul3A_224 : i32
          %add3A_227 = vector.broadcast %add3A_226 : i32 to vector<16xi32>
          %add3A_228 = arith.addi %add3A_129, %add3A_227 : vector<16xi32>
          %and3A_229 = arith.constant 63 : i32
          %and3A_230 = vector.broadcast %and3A_229 : i32 to vector<16xi32>
          %and3A_231 = arith.andi %add3A_228, %and3A_230 : vector<16xi32>
          %add3A_232 = arith.addi %get3A_133, %and3A_231 : vector<16xi32>
          %gather3A_233 = tpu.vector_load_idx %arg7[%add3A_129, %add3A_232] : memref<128x128xf32, #tpu.memory_space<vmem>>[vector<16xi32>, vector<16xi32>], vector<16xf32>,
          tpu.vector_store_idx %arg9[%and3A_231, %add3A_129], %gather3A_233 : memref<64x130xf32, #tpu.memory_space<vmem>>[vector<16xi32>, vector<16xi32>], vector<16xf32>,
          %scan3A_234 = arith.constant 6 : i32
          %scan3A_235 = arith.addi %scan3A_159, %scan3A_234 : i32
          %mul3A_236 = arith.constant 1 : i32
          %mul3A_237 = arith.muli %scan3A_235, %mul3A_236 : i32
          %add3A_238 = arith.constant 0 : i32
          %add3A_239 = arith.addi %add3A_238, %mul3A_237 : i32
          %add3A_240 = vector.broadcast %add3A_239 : i32 to vector<16xi32>
          %add3A_241 = arith.addi %add3A_129, %add3A_240 : vector<16xi32>
          %and3A_242 = arith.constant 63 : i32
          %and3A_243 = vector.broadcast %and3A_242 : i32 to vector<16xi32>
          %and3A_244 = arith.andi %add3A_241, %and3A_243 : vector<16xi32>
          %add3A_245 = arith.addi %get3A_133, %and3A_244 : vector<16xi32>
          %gather3A_246 = tpu.vector_load_idx %arg7[%add3A_129, %add3A_245] : memref<128x128xf32, #tpu.memory_space<vmem>>[vector<16xi32>, vector<16xi32>], vector<16xf32>,
          tpu.vector_store_idx %arg9[%and3A_244, %add3A_129], %gather3A_246 : memref<64x130xf32, #tpu.memory_space<vmem>>[vector<16xi32>, vector<16xi32>], vector<16xf32>,
          %scan3A_247 = arith.constant 7 : i32
          %scan3A_248 = arith.addi %scan3A_159, %scan3A_247 : i32
          %mul3A_249 = arith.constant 1 : i32
          %mul3A_250 = arith.muli %scan3A_248, %mul3A_249 : i32
          %add3A_251 = arith.constant 0 : i32
          %add3A_252 = arith.addi %add3A_251, %mul3A_250 : i32
          %add3A_253 = vector.broadcast %add3A_252 : i32 to vector<16xi32>
          %add3A_254 = arith.addi %add3A_129, %add3A_253 : vector<16xi32>
          %and3A_255 = arith.constant 63 : i32
          %and3A_256 = vector.broadcast %and3A_255 : i32 to vector<16xi32>
          %and3A_257 = arith.andi %add3A_254, %and3A_256 : vector<16xi32>
          %add3A_258 = arith.addi %get3A_133, %and3A_257 : vector<16xi32>
          %gather3A_259 = tpu.vector_load_idx %arg7[%add3A_129, %add3A_258] : memref<128x128xf32, #tpu.memory_space<vmem>>[vector<16xi32>, vector<16xi32>], vector<16xf32>,
          tpu.vector_store_idx %arg9[%and3A_257, %add3A_129], %gather3A_259 : memref<64x130xf32, #tpu.memory_space<vmem>>[vector<16xi32>, vector<16xi32>], vector<16xf32>,
          %scan3A_260 = arith.constant 8 : i32
          %scan3A_261 = arith.addi %scan3A_159, %scan3A_260 : i32
          %mul3A_262 = arith.constant 1 : i32
          %mul3A_263 = arith.muli %scan3A_261, %mul3A_262 : i32
          %add3A_264 = arith.constant 0 : i32
          %add3A_265 = arith.addi %add3A_264, %mul3A_263 : i32
          %add3A_266 = vector.broadcast %add3A_265 : i32 to vector<16xi32>
          %add3A_267 = arith.addi %add3A_129, %add3A_266 : vector<16xi32>
          %and3A_268 = arith.constant 63 : i32
          %and3A_269 = vector.broadcast %and3A_268 : i32 to vector<16xi32>
          %and3A_270 = arith.andi %add3A_267, %and3A_269 : vector<16xi32>
          %add3A_271 = arith.addi %get3A_133, %and3A_270 : vector<16xi32>
          %gather3A_272 = tpu.vector_load_idx %arg7[%add3A_129, %add3A_271] : memref<128x128xf32, #tpu.memory_space<vmem>>[vector<16xi32>, vector<16xi32>], vector<16xf32>,
          tpu.vector_store_idx %arg9[%and3A_270, %add3A_129], %gather3A_272 : memref<64x130xf32, #tpu.memory_space<vmem>>[vector<16xi32>, vector<16xi32>], vector<16xf32>,
          %scan3A_273 = arith.constant 9 : i32
          %scan3A_274 = arith.addi %scan3A_159, %scan3A_273 : i32
          %mul3A_275 = arith.constant 1 : i32
          %mul3A_276 = arith.muli %scan3A_274, %mul3A_275 : i32
          %add3A_277 = arith.constant 0 : i32
          %add3A_278 = arith.addi %add3A_277, %mul3A_276 : i32
          %add3A_279 = vector.broadcast %add3A_278 : i32 to vector<16xi32>
          %add3A_280 = arith.addi %add3A_129, %add3A_279 : vector<16xi32>
          %and3A_281 = arith.constant 63 : i32
          %and3A_282 = vector.broadcast %and3A_281 : i32 to vector<16xi32>
          %and3A_283 = arith.andi %add3A_280, %and3A_282 : vector<16xi32>
          %add3A_284 = arith.addi %get3A_133, %and3A_283 : vector<16xi32>
          %gather3A_285 = tpu.vector_load_idx %arg7[%add3A_129, %add3A_284] : memref<128x128xf32, #tpu.memory_space<vmem>>[vector<16xi32>, vector<16xi32>], vector<16xf32>,
          tpu.vector_store_idx %arg9[%and3A_283, %add3A_129], %gather3A_285 : memref<64x130xf32, #tpu.memory_space<vmem>>[vector<16xi32>, vector<16xi32>], vector<16xf32>,
          %scan3A_286 = arith.constant 10 : i32
          %scan3A_287 = arith.addi %scan3A_159, %scan3A_286 : i32
          %mul3A_288 = arith.constant 1 : i32
          %mul3A_289 = arith.muli %scan3A_287, %mul3A_288 : i32
          %add3A_290 = arith.constant 0 : i32
          %add3A_291 = arith.addi %add3A_290, %mul3A_289 : i32
          %add3A_292 = vector.broadcast %add3A_291 : i32 to vector<16xi32>
          %add3A_293 = arith.addi %add3A_129, %add3A_292 : vector<16xi32>
          %and3A_294 = arith.constant 63 : i32
          %and3A_295 = vector.broadcast %and3A_294 : i32 to vector<16xi32>
          %and3A_296 = arith.andi %add3A_293, %and3A_295 : vector<16xi32>
          %add3A_297 = arith.addi %get3A_133, %and3A_296 : vector<16xi32>
          %gather3A_298 = tpu.vector_load_idx %arg7[%add3A_129, %add3A_297] : memref<128x128xf32, #tpu.memory_space<vmem>>[vector<16xi32>, vector<16xi32>], vector<16xf32>,
          tpu.vector_store_idx %arg9[%and3A_296, %add3A_129], %gather3A_298 : memref<64x130xf32, #tpu.memory_space<vmem>>[vector<16xi32>, vector<16xi32>], vector<16xf32>,
          %scan3A_299 = arith.constant 11 : i32
          %scan3A_300 = arith.addi %scan3A_159, %scan3A_299 : i32
          %mul3A_301 = arith.constant 1 : i32
          %mul3A_302 = arith.muli %scan3A_300, %mul3A_301 : i32
          %add3A_303 = arith.constant 0 : i32
          %add3A_304 = arith.addi %add3A_303, %mul3A_302 : i32
          %add3A_305 = vector.broadcast %add3A_304 : i32 to vector<16xi32>
          %add3A_306 = arith.addi %add3A_129, %add3A_305 : vector<16xi32>
          %and3A_307 = arith.constant 63 : i32
          %and3A_308 = vector.broadcast %and3A_307 : i32 to vector<16xi32>
          %and3A_309 = arith.andi %add3A_306, %and3A_308 : vector<16xi32>
          %add3A_310 = arith.addi %get3A_133, %and3A_309 : vector<16xi32>
          %gather3A_311 = tpu.vector_load_idx %arg7[%add3A_129, %add3A_310] : memref<128x128xf32, #tpu.memory_space<vmem>>[vector<16xi32>, vector<16xi32>], vector<16xf32>,
          tpu.vector_store_idx %arg9[%and3A_309, %add3A_129], %gather3A_311 : memref<64x130xf32, #tpu.memory_space<vmem>>[vector<16xi32>, vector<16xi32>], vector<16xf32>,
          %scan3A_312 = arith.constant 12 : i32
          %scan3A_313 = arith.addi %scan3A_159, %scan3A_312 : i32
          %mul3A_314 = arith.constant 1 : i32
          %mul3A_315 = arith.muli %scan3A_313, %mul3A_314 : i32
          %add3A_316 = arith.constant 0 : i32
          %add3A_317 = arith.addi %add3A_316, %mul3A_315 : i32
          %add3A_318 = vector.broadcast %add3A_317 : i32 to vector<16xi32>
          %add3A_319 = arith.addi %add3A_129, %add3A_318 : vector<16xi32>
          %and3A_320 = arith.constant 63 : i32
          %and3A_321 = vector.broadcast %and3A_320 : i32 to vector<16xi32>
          %and3A_322 = arith.andi %add3A_319, %and3A_321 : vector<16xi32>
          %add3A_323 = arith.addi %get3A_133, %and3A_322 : vector<16xi32>
          %gather3A_324 = tpu.vector_load_idx %arg7[%add3A_129, %add3A_323] : memref<128x128xf32, #tpu.memory_space<vmem>>[vector<16xi32>, vector<16xi32>], vector<16xf32>,
          tpu.vector_store_idx %arg9[%and3A_322, %add3A_129], %gather3A_324 : memref<64x130xf32, #tpu.memory_space<vmem>>[vector<16xi32>, vector<16xi32>], vector<16xf32>,
          %scan3A_325 = arith.constant 13 : i32
          %scan3A_326 = arith.addi %scan3A_159, %scan3A_325 : i32
          %mul3A_327 = arith.constant 1 : i32
          %mul3A_328 = arith.muli %scan3A_326, %mul3A_327 : i32
          %add3A_329 = arith.constant 0 : i32
          %add3A_330 = arith.addi %add3A_329, %mul3A_328 : i32
          %add3A_331 = vector.broadcast %add3A_330 : i32 to vector<16xi32>
          %add3A_332 = arith.addi %add3A_129, %add3A_331 : vector<16xi32>
          %and3A_333 = arith.constant 63 : i32
          %and3A_334 = vector.broadcast %and3A_333 : i32 to vector<16xi32>
          %and3A_335 = arith.andi %add3A_332, %and3A_334 : vector<16xi32>
          %add3A_336 = arith.addi %get3A_133, %and3A_335 : vector<16xi32>
          %gather3A_337 = tpu.vector_load_idx %arg7[%add3A_129, %add3A_336] : memref<128x128xf32, #tpu.memory_space<vmem>>[vector<16xi32>, vector<16xi32>], vector<16xf32>,
          tpu.vector_store_idx %arg9[%and3A_335, %add3A_129], %gather3A_337 : memref<64x130xf32, #tpu.memory_space<vmem>>[vector<16xi32>, vector<16xi32>], vector<16xf32>,
          %scan3A_338 = arith.constant 14 : i32
          %scan3A_339 = arith.addi %scan3A_159, %scan3A_338 : i32
          %mul3A_340 = arith.constant 1 : i32
          %mul3A_341 = arith.muli %scan3A_339, %mul3A_340 : i32
          %add3A_342 = arith.constant 0 : i32
          %add3A_343 = arith.addi %add3A_342, %mul3A_341 : i32
          %add3A_344 = vector.broadcast %add3A_343 : i32 to vector<16xi32>
          %add3A_345 = arith.addi %add3A_129, %add3A_344 : vector<16xi32>
          %and3A_346 = arith.constant 63 : i32
          %and3A_347 = vector.broadcast %and3A_346 : i32 to vector<16xi32>
          %and3A_348 = arith.andi %add3A_345, %and3A_347 : vector<16xi32>
          %add3A_349 = arith.addi %get3A_133, %and3A_348 : vector<16xi32>
          %gather3A_350 = tpu.vector_load_idx %arg7[%add3A_129, %add3A_349] : memref<128x128xf32, #tpu.memory_space<vmem>>[vector<16xi32>, vector<16xi32>], vector<16xf32>,
          tpu.vector_store_idx %arg9[%and3A_348, %add3A_129], %gather3A_350 : memref<64x130xf32, #tpu.memory_space<vmem>>[vector<16xi32>, vector<16xi32>], vector<16xf32>,
          %scan3A_351 = arith.constant 15 : i32
          %scan3A_352 = arith.addi %scan3A_159, %scan3A_351 : i32
          %mul3A_353 = arith.constant 1 : i32
          %mul3A_354 = arith.muli %scan3A_352, %mul3A_353 : i32
          %add3A_355 = arith.constant 0 : i32
          %add3A_356 = arith.addi %add3A_355, %mul3A_354 : i32
          %add3A_357 = vector.broadcast %add3A_356 : i32 to vector<16xi32>
          %add3A_358 = arith.addi %add3A_129, %add3A_357 : vector<16xi32>
          %and3A_359 = arith.constant 63 : i32
          %and3A_360 = vector.broadcast %and3A_359 : i32 to vector<16xi32>
          %and3A_361 = arith.andi %add3A_358, %and3A_360 : vector<16xi32>
          %add3A_362 = arith.addi %get3A_133, %and3A_361 : vector<16xi32>
          %gather3A_363 = tpu.vector_load_idx %arg7[%add3A_129, %add3A_362] : memref<128x128xf32, #tpu.memory_space<vmem>>[vector<16xi32>, vector<16xi32>], vector<16xf32>,
          tpu.vector_store_idx %arg9[%and3A_361, %add3A_129], %gather3A_363 : memref<64x130xf32, #tpu.memory_space<vmem>>[vector<16xi32>, vector<16xi32>], vector<16xf32>,
          %scan3A_364 = arith.constant 16 : i32
          %scan3A_365 = arith.addi %scan3A_159, %scan3A_364 : i32
          %mul3A_366 = arith.constant 1 : i32
          %mul3A_367 = arith.muli %scan3A_365, %mul3A_366 : i32
          %add3A_368 = arith.constant 0 : i32
          %add3A_369 = arith.addi %add3A_368, %mul3A_367 : i32
          %add3A_370 = vector.broadcast %add3A_369 : i32 to vector<16xi32>
          %add3A_371 = arith.addi %add3A_129, %add3A_370 : vector<16xi32>
          %and3A_372 = arith.constant 63 : i32
          %and3A_373 = vector.broadcast %and3A_372 : i32 to vector<16xi32>
          %and3A_374 = arith.andi %add3A_371, %and3A_373 : vector<16xi32>
          %add3A_375 = arith.addi %get3A_133, %and3A_374 : vector<16xi32>
          %gather3A_376 = tpu.vector_load_idx %arg7[%add3A_129, %add3A_375] : memref<128x128xf32, #tpu.memory_space<vmem>>[vector<16xi32>, vector<16xi32>], vector<16xf32>,
          tpu.vector_store_idx %arg9[%and3A_374, %add3A_129], %gather3A_376 : memref<64x130xf32, #tpu.memory_space<vmem>>[vector<16xi32>, vector<16xi32>], vector<16xf32>,
          %scan3A_377 = arith.constant 17 : i32
          %scan3A_378 = arith.addi %scan3A_159, %scan3A_377 : i32
          %mul3A_379 = arith.constant 1 : i32
          %mul3A_380 = arith.muli %scan3A_378, %mul3A_379 : i32
          %add3A_381 = arith.constant 0 : i32
          %add3A_382 = arith.addi %add3A_381, %mul3A_380 : i32
          %add3A_383 = vector.broadcast %add3A_382 : i32 to vector<16xi32>
          %add3A_384 = arith.addi %add3A_129, %add3A_383 : vector<16xi32>
          %and3A_385 = arith.constant 63 : i32
          %and3A_386 = vector.broadcast %and3A_385 : i32 to vector<16xi32>
          %and3A_387 = arith.andi %add3A_384, %and3A_386 : vector<16xi32>
          %add3A_388 = arith.addi %get3A_133, %and3A_387 : vector<16xi32>
          %gather3A_389 = tpu.vector_load_idx %arg7[%add3A_129, %add3A_388] : memref<128x128xf32, #tpu.memory_space<vmem>>[vector<16xi32>, vector<16xi32>], vector<16xf32>,
          tpu.vector_store_idx %arg9[%and3A_387, %add3A_129], %gather3A_389 : memref<64x130xf32, #tpu.memory_space<vmem>>[vector<16xi32>, vector<16xi32>], vector<16xf32>,
          %scan3A_390 = arith.constant 18 : i32
          %scan3A_391 = arith.addi %scan3A_159, %scan3A_390 : i32
          %mul3A_392 = arith.constant 1 : i32
          %mul3A_393 = arith.muli %scan3A_391, %mul3A_392 : i32
          %add3A_394 = arith.constant 0 : i32
          %add3A_395 = arith.addi %add3A_394, %mul3A_393 : i32
          %add3A_396 = vector.broadcast %add3A_395 : i32 to vector<16xi32>
          %add3A_397 = arith.addi %add3A_129, %add3A_396 : vector<16xi32>
          %and3A_398 = arith.constant 63 : i32
          %and3A_399 = vector.broadcast %and3A_398 : i32 to vector<16xi32>
          %and3A_400 = arith.andi %add3A_397, %and3A_399 : vector<16xi32>
          %add3A_401 = arith.addi %get3A_133, %and3A_400 : vector<16xi32>
          %gather3A_402 = tpu.vector_load_idx %arg7[%add3A_129, %add3A_401] : memref<128x128xf32, #tpu.memory_space<vmem>>[vector<16xi32>, vector<16xi32>], vector<16xf32>,
          tpu.vector_store_idx %arg9[%and3A_400, %add3A_129], %gather3A_402 : memref<64x130xf32, #tpu.memory_space<vmem>>[vector<16xi32>, vector<16xi32>], vector<16xf32>,
          %scan3A_403 = arith.constant 19 : i32
          %scan3A_404 = arith.addi %scan3A_159, %scan3A_403 : i32
          %mul3A_405 = arith.constant 1 : i32
          %mul3A_406 = arith.muli %scan3A_404, %mul3A_405 : i32
          %add3A_407 = arith.constant 0 : i32
          %add3A_408 = arith.addi %add3A_407, %mul3A_406 : i32
          %add3A_409 = vector.broadcast %add3A_408 : i32 to vector<16xi32>
          %add3A_410 = arith.addi %add3A_129, %add3A_409 : vector<16xi32>
          %and3A_411 = arith.constant 63 : i32
          %and3A_412 = vector.broadcast %and3A_411 : i32 to vector<16xi32>
          %and3A_413 = arith.andi %add3A_410, %and3A_412 : vector<16xi32>
          %add3A_414 = arith.addi %get3A_133, %and3A_413 : vector<16xi32>
          %gather3A_415 = tpu.vector_load_idx %arg7[%add3A_129, %add3A_414] : memref<128x128xf32, #tpu.memory_space<vmem>>[vector<16xi32>, vector<16xi32>], vector<16xf32>,
          tpu.vector_store_idx %arg9[%and3A_413, %add3A_129], %gather3A_415 : memref<64x130xf32, #tpu.memory_space<vmem>>[vector<16xi32>, vector<16xi32>], vector<16xf32>,
          %scan3A_416 = arith.constant 20 : i32
          %scan3A_417 = arith.addi %scan3A_159, %scan3A_416 : i32
          %mul3A_418 = arith.constant 1 : i32
          %mul3A_419 = arith.muli %scan3A_417, %mul3A_418 : i32
          %add3A_420 = arith.constant 0 : i32
          %add3A_421 = arith.addi %add3A_420, %mul3A_419 : i32
          %add3A_422 = vector.broadcast %add3A_421 : i32 to vector<16xi32>
          %add3A_423 = arith.addi %add3A_129, %add3A_422 : vector<16xi32>
          %and3A_424 = arith.constant 63 : i32
          %and3A_425 = vector.broadcast %and3A_424 : i32 to vector<16xi32>
          %and3A_426 = arith.andi %add3A_423, %and3A_425 : vector<16xi32>
          %add3A_427 = arith.addi %get3A_133, %and3A_426 : vector<16xi32>
          %gather3A_428 = tpu.vector_load_idx %arg7[%add3A_129, %add3A_427] : memref<128x128xf32, #tpu.memory_space<vmem>>[vector<16xi32>, vector<16xi32>], vector<16xf32>,
          tpu.vector_store_idx %arg9[%and3A_426, %add3A_129], %gather3A_428 : memref<64x130xf32, #tpu.memory_space<vmem>>[vector<16xi32>, vector<16xi32>], vector<16xf32>,
          %scan3A_429 = arith.constant 21 : i32
          %scan3A_430 = arith.addi %scan3A_159, %scan3A_429 : i32
          %mul3A_431 = arith.constant 1 : i32
          %mul3A_432 = arith.muli %scan3A_430, %mul3A_431 : i32
          %add3A_433 = arith.constant 0 : i32
          %add3A_434 = arith.addi %add3A_433, %mul3A_432 : i32
          %add3A_435 = vector.broadcast %add3A_434 : i32 to vector<16xi32>
          %add3A_436 = arith.addi %add3A_129, %add3A_435 : vector<16xi32>
          %and3A_437 = arith.constant 63 : i32
          %and3A_438 = vector.broadcast %and3A_437 : i32 to vector<16xi32>
          %and3A_439 = arith.andi %add3A_436, %and3A_438 : vector<16xi32>
          %add3A_440 = arith.addi %get3A_133, %and3A_439 : vector<16xi32>
          %gather3A_441 = tpu.vector_load_idx %arg7[%add3A_129, %add3A_440] : memref<128x128xf32, #tpu.memory_space<vmem>>[vector<16xi32>, vector<16xi32>], vector<16xf32>,
          tpu.vector_store_idx %arg9[%and3A_439, %add3A_129], %gather3A_441 : memref<64x130xf32, #tpu.memory_space<vmem>>[vector<16xi32>, vector<16xi32>], vector<16xf32>,
          %scan3A_442 = arith.constant 22 : i32
          %scan3A_443 = arith.addi %scan3A_159, %scan3A_442 : i32
          %mul3A_444 = arith.constant 1 : i32
          %mul3A_445 = arith.muli %scan3A_443, %mul3A_444 : i32
          %add3A_446 = arith.constant 0 : i32
          %add3A_447 = arith.addi %add3A_446, %mul3A_445 : i32
          %add3A_448 = vector.broadcast %add3A_447 : i32 to vector<16xi32>
          %add3A_449 = arith.addi %add3A_129, %add3A_448 : vector<16xi32>
          %and3A_450 = arith.constant 63 : i32
          %and3A_451 = vector.broadcast %and3A_450 : i32 to vector<16xi32>
          %and3A_452 = arith.andi %add3A_449, %and3A_451 : vector<16xi32>
          %add3A_453 = arith.addi %get3A_133, %and3A_452 : vector<16xi32>
          %gather3A_454 = tpu.vector_load_idx %arg7[%add3A_129, %add3A_453] : memref<128x128xf32, #tpu.memory_space<vmem>>[vector<16xi32>, vector<16xi32>], vector<16xf32>,
          tpu.vector_store_idx %arg9[%and3A_452, %add3A_129], %gather3A_454 : memref<64x130xf32, #tpu.memory_space<vmem>>[vector<16xi32>, vector<16xi32>], vector<16xf32>,
          %scan3A_455 = arith.constant 23 : i32
          %scan3A_456 = arith.addi %scan3A_159, %scan3A_455 : i32
          %mul3A_457 = arith.constant 1 : i32
          %mul3A_458 = arith.muli %scan3A_456, %mul3A_457 : i32
          %add3A_459 = arith.constant 0 : i32
          %add3A_460 = arith.addi %add3A_459, %mul3A_458 : i32
          %add3A_461 = vector.broadcast %add3A_460 : i32 to vector<16xi32>
          %add3A_462 = arith.addi %add3A_129, %add3A_461 : vector<16xi32>
          %and3A_463 = arith.constant 63 : i32
          %and3A_464 = vector.broadcast %and3A_463 : i32 to vector<16xi32>
          %and3A_465 = arith.andi %add3A_462, %and3A_464 : vector<16xi32>
          %add3A_466 = arith.addi %get3A_133, %and3A_465 : vector<16xi32>
          %gather3A_467 = tpu.vector_load_idx %arg7[%add3A_129, %add3A_466] : memref<128x128xf32, #tpu.memory_space<vmem>>[vector<16xi32>, vector<16xi32>], vector<16xf32>,
          tpu.vector_store_idx %arg9[%and3A_465, %add3A_129], %gather3A_467 : memref<64x130xf32, #tpu.memory_space<vmem>>[vector<16xi32>, vector<16xi32>], vector<16xf32>,
          %scan3A_468 = arith.constant 24 : i32
          %scan3A_469 = arith.addi %scan3A_159, %scan3A_468 : i32
          %mul3A_470 = arith.constant 1 : i32
          %mul3A_471 = arith.muli %scan3A_469, %mul3A_470 : i32
          %add3A_472 = arith.constant 0 : i32
          %add3A_473 = arith.addi %add3A_472, %mul3A_471 : i32
          %add3A_474 = vector.broadcast %add3A_473 : i32 to vector<16xi32>
          %add3A_475 = arith.addi %add3A_129, %add3A_474 : vector<16xi32>
          %and3A_476 = arith.constant 63 : i32
          %and3A_477 = vector.broadcast %and3A_476 : i32 to vector<16xi32>
          %and3A_478 = arith.andi %add3A_475, %and3A_477 : vector<16xi32>
          %add3A_479 = arith.addi %get3A_133, %and3A_478 : vector<16xi32>
          %gather3A_480 = tpu.vector_load_idx %arg7[%add3A_129, %add3A_479] : memref<128x128xf32, #tpu.memory_space<vmem>>[vector<16xi32>, vector<16xi32>], vector<16xf32>,
          tpu.vector_store_idx %arg9[%and3A_478, %add3A_129], %gather3A_480 : memref<64x130xf32, #tpu.memory_space<vmem>>[vector<16xi32>, vector<16xi32>], vector<16xf32>,
          %scan3A_481 = arith.constant 25 : i32
          %scan3A_482 = arith.addi %scan3A_159, %scan3A_481 : i32
          %mul3A_483 = arith.constant 1 : i32
          %mul3A_484 = arith.muli %scan3A_482, %mul3A_483 : i32
          %add3A_485 = arith.constant 0 : i32
          %add3A_486 = arith.addi %add3A_485, %mul3A_484 : i32
          %add3A_487 = vector.broadcast %add3A_486 : i32 to vector<16xi32>
          %add3A_488 = arith.addi %add3A_129, %add3A_487 : vector<16xi32>
          %and3A_489 = arith.constant 63 : i32
          %and3A_490 = vector.broadcast %and3A_489 : i32 to vector<16xi32>
          %and3A_491 = arith.andi %add3A_488, %and3A_490 : vector<16xi32>
          %add3A_492 = arith.addi %get3A_133, %and3A_491 : vector<16xi32>
          %gather3A_493 = tpu.vector_load_idx %arg7[%add3A_129, %add3A_492] : memref<128x128xf32, #tpu.memory_space<vmem>>[vector<16xi32>, vector<16xi32>], vector<16xf32>,
          tpu.vector_store_idx %arg9[%and3A_491, %add3A_129], %gather3A_493 : memref<64x130xf32, #tpu.memory_space<vmem>>[vector<16xi32>, vector<16xi32>], vector<16xf32>,
          %scan3A_494 = arith.constant 26 : i32
          %scan3A_495 = arith.addi %scan3A_159, %scan3A_494 : i32
          %mul3A_496 = arith.constant 1 : i32
          %mul3A_497 = arith.muli %scan3A_495, %mul3A_496 : i32
          %add3A_498 = arith.constant 0 : i32
          %add3A_499 = arith.addi %add3A_498, %mul3A_497 : i32
          %add3A_500 = vector.broadcast %add3A_499 : i32 to vector<16xi32>
          %add3A_501 = arith.addi %add3A_129, %add3A_500 : vector<16xi32>
          %and3A_502 = arith.constant 63 : i32
          %and3A_503 = vector.broadcast %and3A_502 : i32 to vector<16xi32>
          %and3A_504 = arith.andi %add3A_501, %and3A_503 : vector<16xi32>
          %add3A_505 = arith.addi %get3A_133, %and3A_504 : vector<16xi32>
          %gather3A_506 = tpu.vector_load_idx %arg7[%add3A_129, %add3A_505] : memref<128x128xf32, #tpu.memory_space<vmem>>[vector<16xi32>, vector<16xi32>], vector<16xf32>,
          tpu.vector_store_idx %arg9[%and3A_504, %add3A_129], %gather3A_506 : memref<64x130xf32, #tpu.memory_space<vmem>>[vector<16xi32>, vector<16xi32>], vector<16xf32>,
          %scan3A_507 = arith.constant 27 : i32
          %scan3A_508 = arith.addi %scan3A_159, %scan3A_507 : i32
          %mul3A_509 = arith.constant 1 : i32
          %mul3A_510 = arith.muli %scan3A_508, %mul3A_509 : i32
          %add3A_511 = arith.constant 0 : i32
          %add3A_512 = arith.addi %add3A_511, %mul3A_510 : i32
          %add3A_513 = vector.broadcast %add3A_512 : i32 to vector<16xi32>
          %add3A_514 = arith.addi %add3A_129, %add3A_513 : vector<16xi32>
          %and3A_515 = arith.constant 63 : i32
          %and3A_516 = vector.broadcast %and3A_515 : i32 to vector<16xi32>
          %and3A_517 = arith.andi %add3A_514, %and3A_516 : vector<16xi32>
          %add3A_518 = arith.addi %get3A_133, %and3A_517 : vector<16xi32>
          %gather3A_519 = tpu.vector_load_idx %arg7[%add3A_129, %add3A_518] : memref<128x128xf32, #tpu.memory_space<vmem>>[vector<16xi32>, vector<16xi32>], vector<16xf32>,
          tpu.vector_store_idx %arg9[%and3A_517, %add3A_129], %gather3A_519 : memref<64x130xf32, #tpu.memory_space<vmem>>[vector<16xi32>, vector<16xi32>], vector<16xf32>,
          %scan3A_520 = arith.constant 28 : i32
          %scan3A_521 = arith.addi %scan3A_159, %scan3A_520 : i32
          %mul3A_522 = arith.constant 1 : i32
          %mul3A_523 = arith.muli %scan3A_521, %mul3A_522 : i32
          %add3A_524 = arith.constant 0 : i32
          %add3A_525 = arith.addi %add3A_524, %mul3A_523 : i32
          %add3A_526 = vector.broadcast %add3A_525 : i32 to vector<16xi32>
          %add3A_527 = arith.addi %add3A_129, %add3A_526 : vector<16xi32>
          %and3A_528 = arith.constant 63 : i32
          %and3A_529 = vector.broadcast %and3A_528 : i32 to vector<16xi32>
          %and3A_530 = arith.andi %add3A_527, %and3A_529 : vector<16xi32>
          %add3A_531 = arith.addi %get3A_133, %and3A_530 : vector<16xi32>
          %gather3A_532 = tpu.vector_load_idx %arg7[%add3A_129, %add3A_531] : memref<128x128xf32, #tpu.memory_space<vmem>>[vector<16xi32>, vector<16xi32>], vector<16xf32>,
          tpu.vector_store_idx %arg9[%and3A_530, %add3A_129], %gather3A_532 : memref<64x130xf32, #tpu.memory_space<vmem>>[vector<16xi32>, vector<16xi32>], vector<16xf32>,
          %scan3A_533 = arith.constant 29 : i32
          %scan3A_534 = arith.addi %scan3A_159, %scan3A_533 : i32
          %mul3A_535 = arith.constant 1 : i32
          %mul3A_536 = arith.muli %scan3A_534, %mul3A_535 : i32
          %add3A_537 = arith.constant 0 : i32
          %add3A_538 = arith.addi %add3A_537, %mul3A_536 : i32
          %add3A_539 = vector.broadcast %add3A_538 : i32 to vector<16xi32>
          %add3A_540 = arith.addi %add3A_129, %add3A_539 : vector<16xi32>
          %and3A_541 = arith.constant 63 : i32
          %and3A_542 = vector.broadcast %and3A_541 : i32 to vector<16xi32>
          %and3A_543 = arith.andi %add3A_540, %and3A_542 : vector<16xi32>
          %add3A_544 = arith.addi %get3A_133, %and3A_543 : vector<16xi32>
          %gather3A_545 = tpu.vector_load_idx %arg7[%add3A_129, %add3A_544] : memref<128x128xf32, #tpu.memory_space<vmem>>[vector<16xi32>, vector<16xi32>], vector<16xf32>,
          tpu.vector_store_idx %arg9[%and3A_543, %add3A_129], %gather3A_545 : memref<64x130xf32, #tpu.memory_space<vmem>>[vector<16xi32>, vector<16xi32>], vector<16xf32>,
          %scan3A_546 = arith.constant 30 : i32
          %scan3A_547 = arith.addi %scan3A_159, %scan3A_546 : i32
          %mul3A_548 = arith.constant 1 : i32
          %mul3A_549 = arith.muli %scan3A_547, %mul3A_548 : i32
          %add3A_550 = arith.constant 0 : i32
          %add3A_551 = arith.addi %add3A_550, %mul3A_549 : i32
          %add3A_552 = vector.broadcast %add3A_551 : i32 to vector<16xi32>
          %add3A_553 = arith.addi %add3A_129, %add3A_552 : vector<16xi32>
          %and3A_554 = arith.constant 63 : i32
          %and3A_555 = vector.broadcast %and3A_554 : i32 to vector<16xi32>
          %and3A_556 = arith.andi %add3A_553, %and3A_555 : vector<16xi32>
          %add3A_557 = arith.addi %get3A_133, %and3A_556 : vector<16xi32>
          %gather3A_558 = tpu.vector_load_idx %arg7[%add3A_129, %add3A_557] : memref<128x128xf32, #tpu.memory_space<vmem>>[vector<16xi32>, vector<16xi32>], vector<16xf32>,
          tpu.vector_store_idx %arg9[%and3A_556, %add3A_129], %gather3A_558 : memref<64x130xf32, #tpu.memory_space<vmem>>[vector<16xi32>, vector<16xi32>], vector<16xf32>,
          %scan3A_559 = arith.constant 31 : i32
          %scan3A_560 = arith.addi %scan3A_159, %scan3A_559 : i32
          %mul3A_561 = arith.constant 1 : i32
          %mul3A_562 = arith.muli %scan3A_560, %mul3A_561 : i32
          %add3A_563 = arith.constant 0 : i32
          %add3A_564 = arith.addi %add3A_563, %mul3A_562 : i32
          %add3A_565 = vector.broadcast %add3A_564 : i32 to vector<16xi32>
          %add3A_566 = arith.addi %add3A_129, %add3A_565 : vector<16xi32>
          %and3A_567 = arith.constant 63 : i32
          %and3A_568 = vector.broadcast %and3A_567 : i32 to vector<16xi32>
          %and3A_569 = arith.andi %add3A_566, %and3A_568 : vector<16xi32>
          %add3A_570 = arith.addi %get3A_133, %and3A_569 : vector<16xi32>
          %gather3A_571 = tpu.vector_load_idx %arg7[%add3A_129, %add3A_570] : memref<128x128xf32, #tpu.memory_space<vmem>>[vector<16xi32>, vector<16xi32>], vector<16xf32>,
          tpu.vector_store_idx %arg9[%and3A_569, %add3A_129], %gather3A_571 : memref<64x130xf32, #tpu.memory_space<vmem>>[vector<16xi32>, vector<16xi32>], vector<16xf32>,
        }
        %scan3A_138 = arith.constant 64 : i32
        %scan3A_139 = arith.constant 1 : i32
        %scan3A_140 = arith.addi %scan3A_121, %scan3A_139 : i32
        %mul3A_141 = arith.constant 1 : i32
        %mul3A_142 = arith.muli %scan3A_140, %mul3A_141 : i32
        %add3A_143 = arith.constant 0 : i32
        %add3A_144 = arith.addi %add3A_143, %mul3A_142 : i32
        %mul3A_145 = arith.constant 16 : i32
        %mul3A_146 = arith.muli %add3A_144, %mul3A_145 : i32
        %add3A_147 = vector.broadcast %mul3A_146 : i32 to vector<16xi32>
        %add3A_148 = arith.addi %iota3A, %add3A_147 : vector<16xi32>
        %mul3A_149 = arith.constant 16 : i32
        %mul3A_150 = arith.muli %add3A_144, %mul3A_149 : i32
        %get3A_151 = arith.index_cast %mul3A_49 : i32 to index
        %get3A_152 = arith.index_cast %mul3A_150 : i32 to index
        %get3A_153 = tpu.vector_load %arg6[%get3A_151, %get3A_152] {strides = array<i32>} : memref<200x128xi32, #tpu.memory_space<vmem>>, vector<16xi32>,
        %scan3A_154 = arith.constant 0 : i32
        %scan3A_155 = arith.constant 64 : i32
        %scan3A_156 = arith.addi %scan3A_154, %scan3A_155 : i32
        %scan3A_157 = arith.constant 32 : i32
        scf.for %scan3A_159 = %scan3A_154 to %scan3A_156 step %scan3A_157  : i32 {
          %mul3A_160 = arith.constant 1 : i32
          %mul3A_161 = arith.muli %scan3A_159, %mul3A_160 : i32
          %add3A_162 = arith.constant 0 : i32
          %add3A_163 = arith.addi %add3A_162, %mul3A_161 : i32
          %add3A_164 = vector.broadcast %add3A_163 : i32 to vector<16xi32>
          %add3A_165 = arith.addi %add3A_148, %add3A_164 : vector<16xi32>
          %and3A = arith.constant 63 : i32
          %and3A_166 = vector.broadcast %and3A : i32 to vector<16xi32>
          %and3A_167 = arith.andi %add3A_165, %and3A_166 : vector<16xi32>
          %add3A_168 = arith.addi %get3A_153, %and3A_167 : vector<16xi32>
          %gather3A = tpu.vector_load_idx %arg7[%add3A_148, %add3A_168] : memref<128x128xf32, #tpu.memory_space<vmem>>[vector<16xi32>, vector<16xi32>], vector<16xf32>,
          tpu.vector_store_idx %arg9[%and3A_167, %add3A_148], %gather3A : memref<64x130xf32, #tpu.memory_space<vmem>>[vector<16xi32>, vector<16xi32>], vector<16xf32>,
          %scan3A_169 = arith.constant 1 : i32
          %scan3A_170 = arith.addi %scan3A_159, %scan3A_169 : i32
          %mul3A_171 = arith.constant 1 : i32
          %mul3A_172 = arith.muli %scan3A_170, %mul3A_171 : i32
          %add3A_173 = arith.constant 0 : i32
          %add3A_174 = arith.addi %add3A_173, %mul3A_172 : i32
          %add3A_175 = vector.broadcast %add3A_174 : i32 to vector<16xi32>
          %add3A_176 = arith.addi %add3A_148, %add3A_175 : vector<16xi32>
          %and3A_177 = arith.constant 63 : i32
          %and3A_178 = vector.broadcast %and3A_177 : i32 to vector<16xi32>
          %and3A_179 = arith.andi %add3A_176, %and3A_178 : vector<16xi32>
          %add3A_180 = arith.addi %get3A_153, %and3A_179 : vector<16xi32>
          %gather3A_181 = tpu.vector_load_idx %arg7[%add3A_148, %add3A_180] : memref<128x128xf32, #tpu.memory_space<vmem>>[vector<16xi32>, vector<16xi32>], vector<16xf32>,
          tpu.vector_store_idx %arg9[%and3A_179, %add3A_148], %gather3A_181 : memref<64x130xf32, #tpu.memory_space<vmem>>[vector<16xi32>, vector<16xi32>], vector<16xf32>,
          %scan3A_182 = arith.constant 2 : i32
          %scan3A_183 = arith.addi %scan3A_159, %scan3A_182 : i32
          %mul3A_184 = arith.constant 1 : i32
          %mul3A_185 = arith.muli %scan3A_183, %mul3A_184 : i32
          %add3A_186 = arith.constant 0 : i32
          %add3A_187 = arith.addi %add3A_186, %mul3A_185 : i32
          %add3A_188 = vector.broadcast %add3A_187 : i32 to vector<16xi32>
          %add3A_189 = arith.addi %add3A_148, %add3A_188 : vector<16xi32>
          %and3A_190 = arith.constant 63 : i32
          %and3A_191 = vector.broadcast %and3A_190 : i32 to vector<16xi32>
          %and3A_192 = arith.andi %add3A_189, %and3A_191 : vector<16xi32>
          %add3A_193 = arith.addi %get3A_153, %and3A_192 : vector<16xi32>
          %gather3A_194 = tpu.vector_load_idx %arg7[%add3A_148, %add3A_193] : memref<128x128xf32, #tpu.memory_space<vmem>>[vector<16xi32>, vector<16xi32>], vector<16xf32>,
          tpu.vector_store_idx %arg9[%and3A_192, %add3A_148], %gather3A_194 : memref<64x130xf32, #tpu.memory_space<vmem>>[vector<16xi32>, vector<16xi32>], vector<16xf32>,
          %scan3A_195 = arith.constant 3 : i32
          %scan3A_196 = arith.addi %scan3A_159, %scan3A_195 : i32
          %mul3A_197 = arith.constant 1 : i32
          %mul3A_198 = arith.muli %scan3A_196, %mul3A_197 : i32
          %add3A_199 = arith.constant 0 : i32
          %add3A_200 = arith.addi %add3A_199, %mul3A_198 : i32
          %add3A_201 = vector.broadcast %add3A_200 : i32 to vector<16xi32>
          %add3A_202 = arith.addi %add3A_148, %add3A_201 : vector<16xi32>
          %and3A_203 = arith.constant 63 : i32
          %and3A_204 = vector.broadcast %and3A_203 : i32 to vector<16xi32>
          %and3A_205 = arith.andi %add3A_202, %and3A_204 : vector<16xi32>
          %add3A_206 = arith.addi %get3A_153, %and3A_205 : vector<16xi32>
          %gather3A_207 = tpu.vector_load_idx %arg7[%add3A_148, %add3A_206] : memref<128x128xf32, #tpu.memory_space<vmem>>[vector<16xi32>, vector<16xi32>], vector<16xf32>,
          tpu.vector_store_idx %arg9[%and3A_205, %add3A_148], %gather3A_207 : memref<64x130xf32, #tpu.memory_space<vmem>>[vector<16xi32>, vector<16xi32>], vector<16xf32>,
          %scan3A_208 = arith.constant 4 : i32
          %scan3A_209 = arith.addi %scan3A_159, %scan3A_208 : i32
          %mul3A_210 = arith.constant 1 : i32
          %mul3A_211 = arith.muli %scan3A_209, %mul3A_210 : i32
          %add3A_212 = arith.constant 0 : i32
          %add3A_213 = arith.addi %add3A_212, %mul3A_211 : i32
          %add3A_214 = vector.broadcast %add3A_213 : i32 to vector<16xi32>
          %add3A_215 = arith.addi %add3A_148, %add3A_214 : vector<16xi32>
          %and3A_216 = arith.constant 63 : i32
          %and3A_217 = vector.broadcast %and3A_216 : i32 to vector<16xi32>
          %and3A_218 = arith.andi %add3A_215, %and3A_217 : vector<16xi32>
          %add3A_219 = arith.addi %get3A_153, %and3A_218 : vector<16xi32>
          %gather3A_220 = tpu.vector_load_idx %arg7[%add3A_148, %add3A_219] : memref<128x128xf32, #tpu.memory_space<vmem>>[vector<16xi32>, vector<16xi32>], vector<16xf32>,
          tpu.vector_store_idx %arg9[%and3A_218, %add3A_148], %gather3A_220 : memref<64x130xf32, #tpu.memory_space<vmem>>[vector<16xi32>, vector<16xi32>], vector<16xf32>,
          %scan3A_221 = arith.constant 5 : i32
          %scan3A_222 = arith.addi %scan3A_159, %scan3A_221 : i32
          %mul3A_223 = arith.constant 1 : i32
          %mul3A_224 = arith.muli %scan3A_222, %mul3A_223 : i32
          %add3A_225 = arith.constant 0 : i32
          %add3A_226 = arith.addi %add3A_225, %mul3A_224 : i32
          %add3A_227 = vector.broadcast %add3A_226 : i32 to vector<16xi32>
          %add3A_228 = arith.addi %add3A_148, %add3A_227 : vector<16xi32>
          %and3A_229 = arith.constant 63 : i32
          %and3A_230 = vector.broadcast %and3A_229 : i32 to vector<16xi32>
          %and3A_231 = arith.andi %add3A_228, %and3A_230 : vector<16xi32>
          %add3A_232 = arith.addi %get3A_153, %and3A_231 : vector<16xi32>
          %gather3A_233 = tpu.vector_load_idx %arg7[%add3A_148, %add3A_232] : memref<128x128xf32, #tpu.memory_space<vmem>>[vector<16xi32>, vector<16xi32>], vector<16xf32>,
          tpu.vector_store_idx %arg9[%and3A_231, %add3A_148], %gather3A_233 : memref<64x130xf32, #tpu.memory_space<vmem>>[vector<16xi32>, vector<16xi32>], vector<16xf32>,
          %scan3A_234 = arith.constant 6 : i32
          %scan3A_235 = arith.addi %scan3A_159, %scan3A_234 : i32
          %mul3A_236 = arith.constant 1 : i32
          %mul3A_237 = arith.muli %scan3A_235, %mul3A_236 : i32
          %add3A_238 = arith.constant 0 : i32
          %add3A_239 = arith.addi %add3A_238, %mul3A_237 : i32
          %add3A_240 = vector.broadcast %add3A_239 : i32 to vector<16xi32>
          %add3A_241 = arith.addi %add3A_148, %add3A_240 : vector<16xi32>
          %and3A_242 = arith.constant 63 : i32
          %and3A_243 = vector.broadcast %and3A_242 : i32 to vector<16xi32>
          %and3A_244 = arith.andi %add3A_241, %and3A_243 : vector<16xi32>
          %add3A_245 = arith.addi %get3A_153, %and3A_244 : vector<16xi32>
          %gather3A_246 = tpu.vector_load_idx %arg7[%add3A_148, %add3A_245] : memref<128x128xf32, #tpu.memory_space<vmem>>[vector<16xi32>, vector<16xi32>], vector<16xf32>,
          tpu.vector_store_idx %arg9[%and3A_244, %add3A_148], %gather3A_246 : memref<64x130xf32, #tpu.memory_space<vmem>>[vector<16xi32>, vector<16xi32>], vector<16xf32>,
          %scan3A_247 = arith.constant 7 : i32
          %scan3A_248 = arith.addi %scan3A_159, %scan3A_247 : i32
          %mul3A_249 = arith.constant 1 : i32
          %mul3A_250 = arith.muli %scan3A_248, %mul3A_249 : i32
          %add3A_251 = arith.constant 0 : i32
          %add3A_252 = arith.addi %add3A_251, %mul3A_250 : i32
          %add3A_253 = vector.broadcast %add3A_252 : i32 to vector<16xi32>
          %add3A_254 = arith.addi %add3A_148, %add3A_253 : vector<16xi32>
          %and3A_255 = arith.constant 63 : i32
          %and3A_256 = vector.broadcast %and3A_255 : i32 to vector<16xi32>
          %and3A_257 = arith.andi %add3A_254, %and3A_256 : vector<16xi32>
          %add3A_258 = arith.addi %get3A_153, %and3A_257 : vector<16xi32>
          %gather3A_259 = tpu.vector_load_idx %arg7[%add3A_148, %add3A_258] : memref<128x128xf32, #tpu.memory_space<vmem>>[vector<16xi32>, vector<16xi32>], vector<16xf32>,
          tpu.vector_store_idx %arg9[%and3A_257, %add3A_148], %gather3A_259 : memref<64x130xf32, #tpu.memory_space<vmem>>[vector<16xi32>, vector<16xi32>], vector<16xf32>,
          %scan3A_260 = arith.constant 8 : i32
          %scan3A_261 = arith.addi %scan3A_159, %scan3A_260 : i32
          %mul3A_262 = arith.constant 1 : i32
          %mul3A_263 = arith.muli %scan3A_261, %mul3A_262 : i32
          %add3A_264 = arith.constant 0 : i32
          %add3A_265 = arith.addi %add3A_264, %mul3A_263 : i32
          %add3A_266 = vector.broadcast %add3A_265 : i32 to vector<16xi32>
          %add3A_267 = arith.addi %add3A_148, %add3A_266 : vector<16xi32>
          %and3A_268 = arith.constant 63 : i32
          %and3A_269 = vector.broadcast %and3A_268 : i32 to vector<16xi32>
          %and3A_270 = arith.andi %add3A_267, %and3A_269 : vector<16xi32>
          %add3A_271 = arith.addi %get3A_153, %and3A_270 : vector<16xi32>
          %gather3A_272 = tpu.vector_load_idx %arg7[%add3A_148, %add3A_271] : memref<128x128xf32, #tpu.memory_space<vmem>>[vector<16xi32>, vector<16xi32>], vector<16xf32>,
          tpu.vector_store_idx %arg9[%and3A_270, %add3A_148], %gather3A_272 : memref<64x130xf32, #tpu.memory_space<vmem>>[vector<16xi32>, vector<16xi32>], vector<16xf32>,
          %scan3A_273 = arith.constant 9 : i32
          %scan3A_274 = arith.addi %scan3A_159, %scan3A_273 : i32
          %mul3A_275 = arith.constant 1 : i32
          %mul3A_276 = arith.muli %scan3A_274, %mul3A_275 : i32
          %add3A_277 = arith.constant 0 : i32
          %add3A_278 = arith.addi %add3A_277, %mul3A_276 : i32
          %add3A_279 = vector.broadcast %add3A_278 : i32 to vector<16xi32>
          %add3A_280 = arith.addi %add3A_148, %add3A_279 : vector<16xi32>
          %and3A_281 = arith.constant 63 : i32
          %and3A_282 = vector.broadcast %and3A_281 : i32 to vector<16xi32>
          %and3A_283 = arith.andi %add3A_280, %and3A_282 : vector<16xi32>
          %add3A_284 = arith.addi %get3A_153, %and3A_283 : vector<16xi32>
          %gather3A_285 = tpu.vector_load_idx %arg7[%add3A_148, %add3A_284] : memref<128x128xf32, #tpu.memory_space<vmem>>[vector<16xi32>, vector<16xi32>], vector<16xf32>,
          tpu.vector_store_idx %arg9[%and3A_283, %add3A_148], %gather3A_285 : memref<64x130xf32, #tpu.memory_space<vmem>>[vector<16xi32>, vector<16xi32>], vector<16xf32>,
          %scan3A_286 = arith.constant 10 : i32
          %scan3A_287 = arith.addi %scan3A_159, %scan3A_286 : i32
          %mul3A_288 = arith.constant 1 : i32
          %mul3A_289 = arith.muli %scan3A_287, %mul3A_288 : i32
          %add3A_290 = arith.constant 0 : i32
          %add3A_291 = arith.addi %add3A_290, %mul3A_289 : i32
          %add3A_292 = vector.broadcast %add3A_291 : i32 to vector<16xi32>
          %add3A_293 = arith.addi %add3A_148, %add3A_292 : vector<16xi32>
          %and3A_294 = arith.constant 63 : i32
          %and3A_295 = vector.broadcast %and3A_294 : i32 to vector<16xi32>
          %and3A_296 = arith.andi %add3A_293, %and3A_295 : vector<16xi32>
          %add3A_297 = arith.addi %get3A_153, %and3A_296 : vector<16xi32>
          %gather3A_298 = tpu.vector_load_idx %arg7[%add3A_148, %add3A_297] : memref<128x128xf32, #tpu.memory_space<vmem>>[vector<16xi32>, vector<16xi32>], vector<16xf32>,
          tpu.vector_store_idx %arg9[%and3A_296, %add3A_148], %gather3A_298 : memref<64x130xf32, #tpu.memory_space<vmem>>[vector<16xi32>, vector<16xi32>], vector<16xf32>,
          %scan3A_299 = arith.constant 11 : i32
          %scan3A_300 = arith.addi %scan3A_159, %scan3A_299 : i32
          %mul3A_301 = arith.constant 1 : i32
          %mul3A_302 = arith.muli %scan3A_300, %mul3A_301 : i32
          %add3A_303 = arith.constant 0 : i32
          %add3A_304 = arith.addi %add3A_303, %mul3A_302 : i32
          %add3A_305 = vector.broadcast %add3A_304 : i32 to vector<16xi32>
          %add3A_306 = arith.addi %add3A_148, %add3A_305 : vector<16xi32>
          %and3A_307 = arith.constant 63 : i32
          %and3A_308 = vector.broadcast %and3A_307 : i32 to vector<16xi32>
          %and3A_309 = arith.andi %add3A_306, %and3A_308 : vector<16xi32>
          %add3A_310 = arith.addi %get3A_153, %and3A_309 : vector<16xi32>
          %gather3A_311 = tpu.vector_load_idx %arg7[%add3A_148, %add3A_310] : memref<128x128xf32, #tpu.memory_space<vmem>>[vector<16xi32>, vector<16xi32>], vector<16xf32>,
          tpu.vector_store_idx %arg9[%and3A_309, %add3A_148], %gather3A_311 : memref<64x130xf32, #tpu.memory_space<vmem>>[vector<16xi32>, vector<16xi32>], vector<16xf32>,
          %scan3A_312 = arith.constant 12 : i32
          %scan3A_313 = arith.addi %scan3A_159, %scan3A_312 : i32
          %mul3A_314 = arith.constant 1 : i32
          %mul3A_315 = arith.muli %scan3A_313, %mul3A_314 : i32
          %add3A_316 = arith.constant 0 : i32
          %add3A_317 = arith.addi %add3A_316, %mul3A_315 : i32
          %add3A_318 = vector.broadcast %add3A_317 : i32 to vector<16xi32>
          %add3A_319 = arith.addi %add3A_148, %add3A_318 : vector<16xi32>
          %and3A_320 = arith.constant 63 : i32
          %and3A_321 = vector.broadcast %and3A_320 : i32 to vector<16xi32>
          %and3A_322 = arith.andi %add3A_319, %and3A_321 : vector<16xi32>
          %add3A_323 = arith.addi %get3A_153, %and3A_322 : vector<16xi32>
          %gather3A_324 = tpu.vector_load_idx %arg7[%add3A_148, %add3A_323] : memref<128x128xf32, #tpu.memory_space<vmem>>[vector<16xi32>, vector<16xi32>], vector<16xf32>,
          tpu.vector_store_idx %arg9[%and3A_322, %add3A_148], %gather3A_324 : memref<64x130xf32, #tpu.memory_space<vmem>>[vector<16xi32>, vector<16xi32>], vector<16xf32>,
          %scan3A_325 = arith.constant 13 : i32
          %scan3A_326 = arith.addi %scan3A_159, %scan3A_325 : i32
          %mul3A_327 = arith.constant 1 : i32
          %mul3A_328 = arith.muli %scan3A_326, %mul3A_327 : i32
          %add3A_329 = arith.constant 0 : i32
          %add3A_330 = arith.addi %add3A_329, %mul3A_328 : i32
          %add3A_331 = vector.broadcast %add3A_330 : i32 to vector<16xi32>
          %add3A_332 = arith.addi %add3A_148, %add3A_331 : vector<16xi32>
          %and3A_333 = arith.constant 63 : i32
          %and3A_334 = vector.broadcast %and3A_333 : i32 to vector<16xi32>
          %and3A_335 = arith.andi %add3A_332, %and3A_334 : vector<16xi32>
          %add3A_336 = arith.addi %get3A_153, %and3A_335 : vector<16xi32>
          %gather3A_337 = tpu.vector_load_idx %arg7[%add3A_148, %add3A_336] : memref<128x128xf32, #tpu.memory_space<vmem>>[vector<16xi32>, vector<16xi32>], vector<16xf32>,
          tpu.vector_store_idx %arg9[%and3A_335, %add3A_148], %gather3A_337 : memref<64x130xf32, #tpu.memory_space<vmem>>[vector<16xi32>, vector<16xi32>], vector<16xf32>,
          %scan3A_338 = arith.constant 14 : i32
          %scan3A_339 = arith.addi %scan3A_159, %scan3A_338 : i32
          %mul3A_340 = arith.constant 1 : i32
          %mul3A_341 = arith.muli %scan3A_339, %mul3A_340 : i32
          %add3A_342 = arith.constant 0 : i32
          %add3A_343 = arith.addi %add3A_342, %mul3A_341 : i32
          %add3A_344 = vector.broadcast %add3A_343 : i32 to vector<16xi32>
          %add3A_345 = arith.addi %add3A_148, %add3A_344 : vector<16xi32>
          %and3A_346 = arith.constant 63 : i32
          %and3A_347 = vector.broadcast %and3A_346 : i32 to vector<16xi32>
          %and3A_348 = arith.andi %add3A_345, %and3A_347 : vector<16xi32>
          %add3A_349 = arith.addi %get3A_153, %and3A_348 : vector<16xi32>
          %gather3A_350 = tpu.vector_load_idx %arg7[%add3A_148, %add3A_349] : memref<128x128xf32, #tpu.memory_space<vmem>>[vector<16xi32>, vector<16xi32>], vector<16xf32>,
          tpu.vector_store_idx %arg9[%and3A_348, %add3A_148], %gather3A_350 : memref<64x130xf32, #tpu.memory_space<vmem>>[vector<16xi32>, vector<16xi32>], vector<16xf32>,
          %scan3A_351 = arith.constant 15 : i32
          %scan3A_352 = arith.addi %scan3A_159, %scan3A_351 : i32
          %mul3A_353 = arith.constant 1 : i32
          %mul3A_354 = arith.muli %scan3A_352, %mul3A_353 : i32
          %add3A_355 = arith.constant 0 : i32
          %add3A_356 = arith.addi %add3A_355, %mul3A_354 : i32
          %add3A_357 = vector.broadcast %add3A_356 : i32 to vector<16xi32>
          %add3A_358 = arith.addi %add3A_148, %add3A_357 : vector<16xi32>
          %and3A_359 = arith.constant 63 : i32
          %and3A_360 = vector.broadcast %and3A_359 : i32 to vector<16xi32>
          %and3A_361 = arith.andi %add3A_358, %and3A_360 : vector<16xi32>
          %add3A_362 = arith.addi %get3A_153, %and3A_361 : vector<16xi32>
          %gather3A_363 = tpu.vector_load_idx %arg7[%add3A_148, %add3A_362] : memref<128x128xf32, #tpu.memory_space<vmem>>[vector<16xi32>, vector<16xi32>], vector<16xf32>,
          tpu.vector_store_idx %arg9[%and3A_361, %add3A_148], %gather3A_363 : memref<64x130xf32, #tpu.memory_space<vmem>>[vector<16xi32>, vector<16xi32>], vector<16xf32>,
          %scan3A_364 = arith.constant 16 : i32
          %scan3A_365 = arith.addi %scan3A_159, %scan3A_364 : i32
          %mul3A_366 = arith.constant 1 : i32
          %mul3A_367 = arith.muli %scan3A_365, %mul3A_366 : i32
          %add3A_368 = arith.constant 0 : i32
          %add3A_369 = arith.addi %add3A_368, %mul3A_367 : i32
          %add3A_370 = vector.broadcast %add3A_369 : i32 to vector<16xi32>
          %add3A_371 = arith.addi %add3A_148, %add3A_370 : vector<16xi32>
          %and3A_372 = arith.constant 63 : i32
          %and3A_373 = vector.broadcast %and3A_372 : i32 to vector<16xi32>
          %and3A_374 = arith.andi %add3A_371, %and3A_373 : vector<16xi32>
          %add3A_375 = arith.addi %get3A_153, %and3A_374 : vector<16xi32>
          %gather3A_376 = tpu.vector_load_idx %arg7[%add3A_148, %add3A_375] : memref<128x128xf32, #tpu.memory_space<vmem>>[vector<16xi32>, vector<16xi32>], vector<16xf32>,
          tpu.vector_store_idx %arg9[%and3A_374, %add3A_148], %gather3A_376 : memref<64x130xf32, #tpu.memory_space<vmem>>[vector<16xi32>, vector<16xi32>], vector<16xf32>,
          %scan3A_377 = arith.constant 17 : i32
          %scan3A_378 = arith.addi %scan3A_159, %scan3A_377 : i32
          %mul3A_379 = arith.constant 1 : i32
          %mul3A_380 = arith.muli %scan3A_378, %mul3A_379 : i32
          %add3A_381 = arith.constant 0 : i32
          %add3A_382 = arith.addi %add3A_381, %mul3A_380 : i32
          %add3A_383 = vector.broadcast %add3A_382 : i32 to vector<16xi32>
          %add3A_384 = arith.addi %add3A_148, %add3A_383 : vector<16xi32>
          %and3A_385 = arith.constant 63 : i32
          %and3A_386 = vector.broadcast %and3A_385 : i32 to vector<16xi32>
          %and3A_387 = arith.andi %add3A_384, %and3A_386 : vector<16xi32>
          %add3A_388 = arith.addi %get3A_153, %and3A_387 : vector<16xi32>
          %gather3A_389 = tpu.vector_load_idx %arg7[%add3A_148, %add3A_388] : memref<128x128xf32, #tpu.memory_space<vmem>>[vector<16xi32>, vector<16xi32>], vector<16xf32>,
          tpu.vector_store_idx %arg9[%and3A_387, %add3A_148], %gather3A_389 : memref<64x130xf32, #tpu.memory_space<vmem>>[vector<16xi32>, vector<16xi32>], vector<16xf32>,
          %scan3A_390 = arith.constant 18 : i32
          %scan3A_391 = arith.addi %scan3A_159, %scan3A_390 : i32
          %mul3A_392 = arith.constant 1 : i32
          %mul3A_393 = arith.muli %scan3A_391, %mul3A_392 : i32
          %add3A_394 = arith.constant 0 : i32
          %add3A_395 = arith.addi %add3A_394, %mul3A_393 : i32
          %add3A_396 = vector.broadcast %add3A_395 : i32 to vector<16xi32>
          %add3A_397 = arith.addi %add3A_148, %add3A_396 : vector<16xi32>
          %and3A_398 = arith.constant 63 : i32
          %and3A_399 = vector.broadcast %and3A_398 : i32 to vector<16xi32>
          %and3A_400 = arith.andi %add3A_397, %and3A_399 : vector<16xi32>
          %add3A_401 = arith.addi %get3A_153, %and3A_400 : vector<16xi32>
          %gather3A_402 = tpu.vector_load_idx %arg7[%add3A_148, %add3A_401] : memref<128x128xf32, #tpu.memory_space<vmem>>[vector<16xi32>, vector<16xi32>], vector<16xf32>,
          tpu.vector_store_idx %arg9[%and3A_400, %add3A_148], %gather3A_402 : memref<64x130xf32, #tpu.memory_space<vmem>>[vector<16xi32>, vector<16xi32>], vector<16xf32>,
          %scan3A_403 = arith.constant 19 : i32
          %scan3A_404 = arith.addi %scan3A_159, %scan3A_403 : i32
          %mul3A_405 = arith.constant 1 : i32
          %mul3A_406 = arith.muli %scan3A_404, %mul3A_405 : i32
          %add3A_407 = arith.constant 0 : i32
          %add3A_408 = arith.addi %add3A_407, %mul3A_406 : i32
          %add3A_409 = vector.broadcast %add3A_408 : i32 to vector<16xi32>
          %add3A_410 = arith.addi %add3A_148, %add3A_409 : vector<16xi32>
          %and3A_411 = arith.constant 63 : i32
          %and3A_412 = vector.broadcast %and3A_411 : i32 to vector<16xi32>
          %and3A_413 = arith.andi %add3A_410, %and3A_412 : vector<16xi32>
          %add3A_414 = arith.addi %get3A_153, %and3A_413 : vector<16xi32>
          %gather3A_415 = tpu.vector_load_idx %arg7[%add3A_148, %add3A_414] : memref<128x128xf32, #tpu.memory_space<vmem>>[vector<16xi32>, vector<16xi32>], vector<16xf32>,
          tpu.vector_store_idx %arg9[%and3A_413, %add3A_148], %gather3A_415 : memref<64x130xf32, #tpu.memory_space<vmem>>[vector<16xi32>, vector<16xi32>], vector<16xf32>,
          %scan3A_416 = arith.constant 20 : i32
          %scan3A_417 = arith.addi %scan3A_159, %scan3A_416 : i32
          %mul3A_418 = arith.constant 1 : i32
          %mul3A_419 = arith.muli %scan3A_417, %mul3A_418 : i32
          %add3A_420 = arith.constant 0 : i32
          %add3A_421 = arith.addi %add3A_420, %mul3A_419 : i32
          %add3A_422 = vector.broadcast %add3A_421 : i32 to vector<16xi32>
          %add3A_423 = arith.addi %add3A_148, %add3A_422 : vector<16xi32>
          %and3A_424 = arith.constant 63 : i32
          %and3A_425 = vector.broadcast %and3A_424 : i32 to vector<16xi32>
          %and3A_426 = arith.andi %add3A_423, %and3A_425 : vector<16xi32>
          %add3A_427 = arith.addi %get3A_153, %and3A_426 : vector<16xi32>
          %gather3A_428 = tpu.vector_load_idx %arg7[%add3A_148, %add3A_427] : memref<128x128xf32, #tpu.memory_space<vmem>>[vector<16xi32>, vector<16xi32>], vector<16xf32>,
          tpu.vector_store_idx %arg9[%and3A_426, %add3A_148], %gather3A_428 : memref<64x130xf32, #tpu.memory_space<vmem>>[vector<16xi32>, vector<16xi32>], vector<16xf32>,
          %scan3A_429 = arith.constant 21 : i32
          %scan3A_430 = arith.addi %scan3A_159, %scan3A_429 : i32
          %mul3A_431 = arith.constant 1 : i32
          %mul3A_432 = arith.muli %scan3A_430, %mul3A_431 : i32
          %add3A_433 = arith.constant 0 : i32
          %add3A_434 = arith.addi %add3A_433, %mul3A_432 : i32
          %add3A_435 = vector.broadcast %add3A_434 : i32 to vector<16xi32>
          %add3A_436 = arith.addi %add3A_148, %add3A_435 : vector<16xi32>
          %and3A_437 = arith.constant 63 : i32
          %and3A_438 = vector.broadcast %and3A_437 : i32 to vector<16xi32>
          %and3A_439 = arith.andi %add3A_436, %and3A_438 : vector<16xi32>
          %add3A_440 = arith.addi %get3A_153, %and3A_439 : vector<16xi32>
          %gather3A_441 = tpu.vector_load_idx %arg7[%add3A_148, %add3A_440] : memref<128x128xf32, #tpu.memory_space<vmem>>[vector<16xi32>, vector<16xi32>], vector<16xf32>,
          tpu.vector_store_idx %arg9[%and3A_439, %add3A_148], %gather3A_441 : memref<64x130xf32, #tpu.memory_space<vmem>>[vector<16xi32>, vector<16xi32>], vector<16xf32>,
          %scan3A_442 = arith.constant 22 : i32
          %scan3A_443 = arith.addi %scan3A_159, %scan3A_442 : i32
          %mul3A_444 = arith.constant 1 : i32
          %mul3A_445 = arith.muli %scan3A_443, %mul3A_444 : i32
          %add3A_446 = arith.constant 0 : i32
          %add3A_447 = arith.addi %add3A_446, %mul3A_445 : i32
          %add3A_448 = vector.broadcast %add3A_447 : i32 to vector<16xi32>
          %add3A_449 = arith.addi %add3A_148, %add3A_448 : vector<16xi32>
          %and3A_450 = arith.constant 63 : i32
          %and3A_451 = vector.broadcast %and3A_450 : i32 to vector<16xi32>
          %and3A_452 = arith.andi %add3A_449, %and3A_451 : vector<16xi32>
          %add3A_453 = arith.addi %get3A_153, %and3A_452 : vector<16xi32>
          %gather3A_454 = tpu.vector_load_idx %arg7[%add3A_148, %add3A_453] : memref<128x128xf32, #tpu.memory_space<vmem>>[vector<16xi32>, vector<16xi32>], vector<16xf32>,
          tpu.vector_store_idx %arg9[%and3A_452, %add3A_148], %gather3A_454 : memref<64x130xf32, #tpu.memory_space<vmem>>[vector<16xi32>, vector<16xi32>], vector<16xf32>,
          %scan3A_455 = arith.constant 23 : i32
          %scan3A_456 = arith.addi %scan3A_159, %scan3A_455 : i32
          %mul3A_457 = arith.constant 1 : i32
          %mul3A_458 = arith.muli %scan3A_456, %mul3A_457 : i32
          %add3A_459 = arith.constant 0 : i32
          %add3A_460 = arith.addi %add3A_459, %mul3A_458 : i32
          %add3A_461 = vector.broadcast %add3A_460 : i32 to vector<16xi32>
          %add3A_462 = arith.addi %add3A_148, %add3A_461 : vector<16xi32>
          %and3A_463 = arith.constant 63 : i32
          %and3A_464 = vector.broadcast %and3A_463 : i32 to vector<16xi32>
          %and3A_465 = arith.andi %add3A_462, %and3A_464 : vector<16xi32>
          %add3A_466 = arith.addi %get3A_153, %and3A_465 : vector<16xi32>
          %gather3A_467 = tpu.vector_load_idx %arg7[%add3A_148, %add3A_466] : memref<128x128xf32, #tpu.memory_space<vmem>>[vector<16xi32>, vector<16xi32>], vector<16xf32>,
          tpu.vector_store_idx %arg9[%and3A_465, %add3A_148], %gather3A_467 : memref<64x130xf32, #tpu.memory_space<vmem>>[vector<16xi32>, vector<16xi32>], vector<16xf32>,
          %scan3A_468 = arith.constant 24 : i32
          %scan3A_469 = arith.addi %scan3A_159, %scan3A_468 : i32
          %mul3A_470 = arith.constant 1 : i32
          %mul3A_471 = arith.muli %scan3A_469, %mul3A_470 : i32
          %add3A_472 = arith.constant 0 : i32
          %add3A_473 = arith.addi %add3A_472, %mul3A_471 : i32
          %add3A_474 = vector.broadcast %add3A_473 : i32 to vector<16xi32>
          %add3A_475 = arith.addi %add3A_148, %add3A_474 : vector<16xi32>
          %and3A_476 = arith.constant 63 : i32
          %and3A_477 = vector.broadcast %and3A_476 : i32 to vector<16xi32>
          %and3A_478 = arith.andi %add3A_475, %and3A_477 : vector<16xi32>
          %add3A_479 = arith.addi %get3A_153, %and3A_478 : vector<16xi32>
          %gather3A_480 = tpu.vector_load_idx %arg7[%add3A_148, %add3A_479] : memref<128x128xf32, #tpu.memory_space<vmem>>[vector<16xi32>, vector<16xi32>], vector<16xf32>,
          tpu.vector_store_idx %arg9[%and3A_478, %add3A_148], %gather3A_480 : memref<64x130xf32, #tpu.memory_space<vmem>>[vector<16xi32>, vector<16xi32>], vector<16xf32>,
          %scan3A_481 = arith.constant 25 : i32
          %scan3A_482 = arith.addi %scan3A_159, %scan3A_481 : i32
          %mul3A_483 = arith.constant 1 : i32
          %mul3A_484 = arith.muli %scan3A_482, %mul3A_483 : i32
          %add3A_485 = arith.constant 0 : i32
          %add3A_486 = arith.addi %add3A_485, %mul3A_484 : i32
          %add3A_487 = vector.broadcast %add3A_486 : i32 to vector<16xi32>
          %add3A_488 = arith.addi %add3A_148, %add3A_487 : vector<16xi32>
          %and3A_489 = arith.constant 63 : i32
          %and3A_490 = vector.broadcast %and3A_489 : i32 to vector<16xi32>
          %and3A_491 = arith.andi %add3A_488, %and3A_490 : vector<16xi32>
          %add3A_492 = arith.addi %get3A_153, %and3A_491 : vector<16xi32>
          %gather3A_493 = tpu.vector_load_idx %arg7[%add3A_148, %add3A_492] : memref<128x128xf32, #tpu.memory_space<vmem>>[vector<16xi32>, vector<16xi32>], vector<16xf32>,
          tpu.vector_store_idx %arg9[%and3A_491, %add3A_148], %gather3A_493 : memref<64x130xf32, #tpu.memory_space<vmem>>[vector<16xi32>, vector<16xi32>], vector<16xf32>,
          %scan3A_494 = arith.constant 26 : i32
          %scan3A_495 = arith.addi %scan3A_159, %scan3A_494 : i32
          %mul3A_496 = arith.constant 1 : i32
          %mul3A_497 = arith.muli %scan3A_495, %mul3A_496 : i32
          %add3A_498 = arith.constant 0 : i32
          %add3A_499 = arith.addi %add3A_498, %mul3A_497 : i32
          %add3A_500 = vector.broadcast %add3A_499 : i32 to vector<16xi32>
          %add3A_501 = arith.addi %add3A_148, %add3A_500 : vector<16xi32>
          %and3A_502 = arith.constant 63 : i32
          %and3A_503 = vector.broadcast %and3A_502 : i32 to vector<16xi32>
          %and3A_504 = arith.andi %add3A_501, %and3A_503 : vector<16xi32>
          %add3A_505 = arith.addi %get3A_153, %and3A_504 : vector<16xi32>
          %gather3A_506 = tpu.vector_load_idx %arg7[%add3A_148, %add3A_505] : memref<128x128xf32, #tpu.memory_space<vmem>>[vector<16xi32>, vector<16xi32>], vector<16xf32>,
          tpu.vector_store_idx %arg9[%and3A_504, %add3A_148], %gather3A_506 : memref<64x130xf32, #tpu.memory_space<vmem>>[vector<16xi32>, vector<16xi32>], vector<16xf32>,
          %scan3A_507 = arith.constant 27 : i32
          %scan3A_508 = arith.addi %scan3A_159, %scan3A_507 : i32
          %mul3A_509 = arith.constant 1 : i32
          %mul3A_510 = arith.muli %scan3A_508, %mul3A_509 : i32
          %add3A_511 = arith.constant 0 : i32
          %add3A_512 = arith.addi %add3A_511, %mul3A_510 : i32
          %add3A_513 = vector.broadcast %add3A_512 : i32 to vector<16xi32>
          %add3A_514 = arith.addi %add3A_148, %add3A_513 : vector<16xi32>
          %and3A_515 = arith.constant 63 : i32
          %and3A_516 = vector.broadcast %and3A_515 : i32 to vector<16xi32>
          %and3A_517 = arith.andi %add3A_514, %and3A_516 : vector<16xi32>
          %add3A_518 = arith.addi %get3A_153, %and3A_517 : vector<16xi32>
          %gather3A_519 = tpu.vector_load_idx %arg7[%add3A_148, %add3A_518] : memref<128x128xf32, #tpu.memory_space<vmem>>[vector<16xi32>, vector<16xi32>], vector<16xf32>,
          tpu.vector_store_idx %arg9[%and3A_517, %add3A_148], %gather3A_519 : memref<64x130xf32, #tpu.memory_space<vmem>>[vector<16xi32>, vector<16xi32>], vector<16xf32>,
          %scan3A_520 = arith.constant 28 : i32
          %scan3A_521 = arith.addi %scan3A_159, %scan3A_520 : i32
          %mul3A_522 = arith.constant 1 : i32
          %mul3A_523 = arith.muli %scan3A_521, %mul3A_522 : i32
          %add3A_524 = arith.constant 0 : i32
          %add3A_525 = arith.addi %add3A_524, %mul3A_523 : i32
          %add3A_526 = vector.broadcast %add3A_525 : i32 to vector<16xi32>
          %add3A_527 = arith.addi %add3A_148, %add3A_526 : vector<16xi32>
          %and3A_528 = arith.constant 63 : i32
          %and3A_529 = vector.broadcast %and3A_528 : i32 to vector<16xi32>
          %and3A_530 = arith.andi %add3A_527, %and3A_529 : vector<16xi32>
          %add3A_531 = arith.addi %get3A_153, %and3A_530 : vector<16xi32>
          %gather3A_532 = tpu.vector_load_idx %arg7[%add3A_148, %add3A_531] : memref<128x128xf32, #tpu.memory_space<vmem>>[vector<16xi32>, vector<16xi32>], vector<16xf32>,
          tpu.vector_store_idx %arg9[%and3A_530, %add3A_148], %gather3A_532 : memref<64x130xf32, #tpu.memory_space<vmem>>[vector<16xi32>, vector<16xi32>], vector<16xf32>,
          %scan3A_533 = arith.constant 29 : i32
          %scan3A_534 = arith.addi %scan3A_159, %scan3A_533 : i32
          %mul3A_535 = arith.constant 1 : i32
          %mul3A_536 = arith.muli %scan3A_534, %mul3A_535 : i32
          %add3A_537 = arith.constant 0 : i32
          %add3A_538 = arith.addi %add3A_537, %mul3A_536 : i32
          %add3A_539 = vector.broadcast %add3A_538 : i32 to vector<16xi32>
          %add3A_540 = arith.addi %add3A_148, %add3A_539 : vector<16xi32>
          %and3A_541 = arith.constant 63 : i32
          %and3A_542 = vector.broadcast %and3A_541 : i32 to vector<16xi32>
          %and3A_543 = arith.andi %add3A_540, %and3A_542 : vector<16xi32>
          %add3A_544 = arith.addi %get3A_153, %and3A_543 : vector<16xi32>
          %gather3A_545 = tpu.vector_load_idx %arg7[%add3A_148, %add3A_544] : memref<128x128xf32, #tpu.memory_space<vmem>>[vector<16xi32>, vector<16xi32>], vector<16xf32>,
          tpu.vector_store_idx %arg9[%and3A_543, %add3A_148], %gather3A_545 : memref<64x130xf32, #tpu.memory_space<vmem>>[vector<16xi32>, vector<16xi32>], vector<16xf32>,
          %scan3A_546 = arith.constant 30 : i32
          %scan3A_547 = arith.addi %scan3A_159, %scan3A_546 : i32
          %mul3A_548 = arith.constant 1 : i32
          %mul3A_549 = arith.muli %scan3A_547, %mul3A_548 : i32
          %add3A_550 = arith.constant 0 : i32
          %add3A_551 = arith.addi %add3A_550, %mul3A_549 : i32
          %add3A_552 = vector.broadcast %add3A_551 : i32 to vector<16xi32>
          %add3A_553 = arith.addi %add3A_148, %add3A_552 : vector<16xi32>
          %and3A_554 = arith.constant 63 : i32
          %and3A_555 = vector.broadcast %and3A_554 : i32 to vector<16xi32>
          %and3A_556 = arith.andi %add3A_553, %and3A_555 : vector<16xi32>
          %add3A_557 = arith.addi %get3A_153, %and3A_556 : vector<16xi32>
          %gather3A_558 = tpu.vector_load_idx %arg7[%add3A_148, %add3A_557] : memref<128x128xf32, #tpu.memory_space<vmem>>[vector<16xi32>, vector<16xi32>], vector<16xf32>,
          tpu.vector_store_idx %arg9[%and3A_556, %add3A_148], %gather3A_558 : memref<64x130xf32, #tpu.memory_space<vmem>>[vector<16xi32>, vector<16xi32>], vector<16xf32>,
          %scan3A_559 = arith.constant 31 : i32
          %scan3A_560 = arith.addi %scan3A_159, %scan3A_559 : i32
          %mul3A_561 = arith.constant 1 : i32
          %mul3A_562 = arith.muli %scan3A_560, %mul3A_561 : i32
          %add3A_563 = arith.constant 0 : i32
          %add3A_564 = arith.addi %add3A_563, %mul3A_562 : i32
          %add3A_565 = vector.broadcast %add3A_564 : i32 to vector<16xi32>
          %add3A_566 = arith.addi %add3A_148, %add3A_565 : vector<16xi32>
          %and3A_567 = arith.constant 63 : i32
          %and3A_568 = vector.broadcast %and3A_567 : i32 to vector<16xi32>
          %and3A_569 = arith.andi %add3A_566, %and3A_568 : vector<16xi32>
          %add3A_570 = arith.addi %get3A_153, %and3A_569 : vector<16xi32>
          %gather3A_571 = tpu.vector_load_idx %arg7[%add3A_148, %add3A_570] : memref<128x128xf32, #tpu.memory_space<vmem>>[vector<16xi32>, vector<16xi32>], vector<16xf32>,
          tpu.vector_store_idx %arg9[%and3A_569, %add3A_148], %gather3A_571 : memref<64x130xf32, #tpu.memory_space<vmem>>[vector<16xi32>, vector<16xi32>], vector<16xf32>,
        }
        %scan3A_158 = arith.constant 64 : i32
      }
      %scan3A_73 = arith.constant 8 : i32
      %dma_start3A_74 = arith.constant 0 : i32
      %dma_start3A_75 = arith.constant 0 : i32
      %dma_start3A_76 = tpu.memref_slice %arg9[%dma_start3A_74, %dma_start3A_75] : memref<64x130xf32, #tpu.memory_space<vmem>> -> memref<64x128xf32, #tpu.memory_space<vmem>>
      %dma_start3A_77 = arith.constant 0 : i32
      %dma_start3A_78 = tpu.memref_slice %arg4[%mul3A_49, %dma_start3A_77, %mul3A_2] : memref<200x64x4096xf32, #tpu.memory_space<hbm>> -> memref<1x64x128xf32, #tpu.memory_space<hbm>>
      %dma_start3A_79 = tpu.memref_squeeze %dma_start3A_78 : memref<1x64x128xf32, #tpu.memory_space<hbm>> -> memref<64x128xf32, #tpu.memory_space<hbm>>
      %dma_start3A_80 = arith.constant 0 : i32
      %dma_start3A_81 = tpu.memref_slice %arg4[%mul3A_49, %dma_start3A_80, %mul3A_2] : memref<200x64x4096xf32, #tpu.memory_space<hbm>> -> memref<1x64x128xf32, #tpu.memory_space<hbm>>
      %dma_start3A_82 = tpu.memref_squeeze %dma_start3A_81 : memref<1x64x128xf32, #tpu.memory_space<hbm>> -> memref<64x128xf32, #tpu.memory_space<hbm>>
      %dma_start3A_83 = arith.constant 0 : i32
      %dma_start3A_84 = arith.constant 0 : i32
      %dma_start3A_85 = tpu.memref_slice %arg9[%dma_start3A_83, %dma_start3A_84] : memref<64x130xf32, #tpu.memory_space<vmem>> -> memref<64x128xf32, #tpu.memory_space<vmem>>
      tpu.enqueue_dma source(%dma_start3A_85 : memref<64x128xf32, #tpu.memory_space<vmem>>) target(%dma_start3A_82 : memref<64x128xf32, #tpu.memory_space<hbm>>) target_semaphore(%arg13 : memref<!tpu.dma_semaphore, #tpu.memory_space<semaphore_mem>>)
      %add3A_86 = arith.constant 1 : i32
      %add3A_87 = arith.addi %add3A_53, %add3A_86 : i32
      %lt3A = arith.constant 200 : i32
      %lt3A_88 = arith.cmpi slt, %add3A_87, %lt3A : i32
      %convert_element_type3A_89 = arith.extui %lt3A_88 : i1 to i32
      %cond3A_90 = arith.constant 0 : i32
      %cond3A_91 = arith.cmpi ne, %convert_element_type3A_89, %cond3A_90 : i32
      scf.if %cond3A_91 {
        %add3A_121 = arith.constant 1 : i32
        %add3A_122 = arith.addi %add3A_53, %add3A_121 : i32
        %dma_start3A_123 = arith.constant 0 : i32
        %dma_start3A_124 = tpu.memref_slice %arg5[%add3A_122, %dma_start3A_123] : memref<200x128xi32, #tpu.memory_space<vmem>> -> memref<1x128xi32, #tpu.memory_space<vmem>>
        %dma_start3A_125 = tpu.memref_squeeze %dma_start3A_124 : memref<1x128xi32, #tpu.memory_space<vmem>> -> memref<128xi32, #tpu.memory_space<vmem>>
        %dma_start3A_126 = arith.constant 0 : i32
        %dma_start3A_127 = arith.constant 0 : i32
        %dma_start3A_128 = tpu.memref_slice %arg3[%dma_start3A_126, %dma_start3A_127] : memref<500000x128xf32, #tpu.memory_space<hbm>> -> memref<500000x128xf32, #tpu.memory_space<hbm>>
        tpu.enqueue_indirect_dma source(%dma_start3A_128 : memref<500000x128xf32, #tpu.memory_space<hbm>>) target(%arg7 : memref<128x128xf32, #tpu.memory_space<vmem>>) offsets(%dma_start3A_125 : memref<128xi32, #tpu.memory_space<vmem>>) semaphore(%arg11 : memref<!tpu.dma_semaphore, #tpu.memory_space<semaphore_mem>>)
      } else {
      }
      %dma_wait3A_92 = arith.constant 0 : i32
      %dma_wait3A_93 = arith.constant 0 : i32
      %dma_wait3A_94 = tpu.memref_slice %arg5[%dma_wait3A_92, %dma_wait3A_93] : memref<200x128xi32, #tpu.memory_space<vmem>> -> memref<1x128xi32, #tpu.memory_space<vmem>>
      %dma_wait3A_95 = tpu.memref_squeeze %dma_wait3A_94 : memref<1x128xi32, #tpu.memory_space<vmem>> -> memref<128xi32, #tpu.memory_space<vmem>>
      %dma_wait3A_96 = arith.constant 0 : i32
      %dma_wait3A_97 = arith.constant 0 : i32
      %dma_wait3A_98 = tpu.memref_slice %arg3[%dma_wait3A_96, %dma_wait3A_97] : memref<500000x128xf32, #tpu.memory_space<hbm>> -> memref<500000x128xf32, #tpu.memory_space<hbm>>
      tpu.wait_indirect_dma semaphore(%arg12 : memref<!tpu.dma_semaphore, #tpu.memory_space<semaphore_mem>>) src(%dma_wait3A_98 : memref<500000x128xf32, #tpu.memory_space<hbm>>) dst(%arg8 : memref<128x128xf32, #tpu.memory_space<vmem>>)
      %gt3A_99 = arith.constant 0 : i32
      %gt3A_100 = arith.cmpi sgt, %add3A_47, %gt3A_99 : i32
      %convert_element_type3A_101 = arith.extui %gt3A_100 : i1 to i32
      %cond3A_102 = arith.constant 0 : i32
      %cond3A_103 = arith.cmpi ne, %convert_element_type3A_101, %cond3A_102 : i32
      scf.if %cond3A_103 {
        %dma_wait3A_121 = arith.constant 0 : i32
        %dma_wait3A_122 = arith.constant 0 : i32
        %dma_wait3A_123 = arith.constant 0 : i32
        %dma_wait3A_124 = tpu.memref_slice %arg10[%dma_wait3A_122, %dma_wait3A_123] : memref<64x130xf32, #tpu.memory_space<vmem>> -> memref<64x128xf32, #tpu.memory_space<vmem>>
        %dma_wait3A_125 = arith.constant 0 : i32
        %dma_wait3A_126 = tpu.memref_slice %arg4[%dma_wait3A_121, %dma_wait3A_125, %mul3A_2] : memref<200x64x4096xf32, #tpu.memory_space<hbm>> -> memref<1x64x128xf32, #tpu.memory_space<hbm>>
        %dma_wait3A_127 = tpu.memref_squeeze %dma_wait3A_126 : memref<1x64x128xf32, #tpu.memory_space<hbm>> -> memref<64x128xf32, #tpu.memory_space<hbm>>
        %dma_wait3A_128 = arith.constant 0 : i32
        %dma_wait3A_129 = tpu.memref_slice %arg4[%dma_wait3A_121, %dma_wait3A_128, %mul3A_2] : memref<200x64x4096xf32, #tpu.memory_space<hbm>> -> memref<1x64x128xf32, #tpu.memory_space<hbm>>
        %dma_wait3A_130 = tpu.memref_squeeze %dma_wait3A_129 : memref<1x64x128xf32, #tpu.memory_space<hbm>> -> memref<64x128xf32, #tpu.memory_space<hbm>>
        %dma_wait3A_131 = arith.constant 0 : i32
        %dma_wait3A_132 = arith.constant 0 : i32
        %dma_wait3A_133 = tpu.memref_slice %arg10[%dma_wait3A_131, %dma_wait3A_132] : memref<64x130xf32, #tpu.memory_space<vmem>> -> memref<64x128xf32, #tpu.memory_space<vmem>>
        tpu.wait_dma2 semaphore(%arg14 : memref<!tpu.dma_semaphore, #tpu.memory_space<semaphore_mem>>) src(%dma_wait3A_133 : memref<64x128xf32, #tpu.memory_space<vmem>>) dst(%dma_wait3A_130 : memref<64x128xf32, #tpu.memory_space<hbm>>)
      } else {
      }
      %scan3A_104 = arith.constant 0 : i32
      %scan3A_105 = arith.constant 8 : i32
      %scan3A_106 = arith.addi %scan3A_104, %scan3A_105 : i32
      %scan3A_107 = arith.constant 2 : i32
      scf.for %scan3A_121 = %scan3A_104 to %scan3A_106 step %scan3A_107  : i32 {
        %mul3A_122 = arith.constant 1 : i32
        %mul3A_123 = arith.muli %scan3A_121, %mul3A_122 : i32
        %add3A_124 = arith.constant 0 : i32
        %add3A_125 = arith.addi %add3A_124, %mul3A_123 : i32
        %mul3A_126 = arith.constant 16 : i32
        %mul3A_127 = arith.muli %add3A_125, %mul3A_126 : i32
        %add3A_128 = vector.broadcast %mul3A_127 : i32 to vector<16xi32>
        %add3A_129 = arith.addi %iota3A, %add3A_128 : vector<16xi32>
        %mul3A_130 = arith.constant 16 : i32
        %mul3A_131 = arith.muli %add3A_125, %mul3A_130 : i32
        %get3A = arith.index_cast %add3A_53 : i32 to index
        %get3A_132 = arith.index_cast %mul3A_131 : i32 to index
        %get3A_133 = tpu.vector_load %arg6[%get3A, %get3A_132] {strides = array<i32>} : memref<200x128xi32, #tpu.memory_space<vmem>>, vector<16xi32>,
        %scan3A_134 = arith.constant 0 : i32
        %scan3A_135 = arith.constant 64 : i32
        %scan3A_136 = arith.addi %scan3A_134, %scan3A_135 : i32
        %scan3A_137 = arith.constant 32 : i32
        scf.for %scan3A_159 = %scan3A_134 to %scan3A_136 step %scan3A_137  : i32 {
          %mul3A_160 = arith.constant 1 : i32
          %mul3A_161 = arith.muli %scan3A_159, %mul3A_160 : i32
          %add3A_162 = arith.constant 0 : i32
          %add3A_163 = arith.addi %add3A_162, %mul3A_161 : i32
          %add3A_164 = vector.broadcast %add3A_163 : i32 to vector<16xi32>
          %add3A_165 = arith.addi %add3A_129, %add3A_164 : vector<16xi32>
          %and3A = arith.constant 63 : i32
          %and3A_166 = vector.broadcast %and3A : i32 to vector<16xi32>
          %and3A_167 = arith.andi %add3A_165, %and3A_166 : vector<16xi32>
          %add3A_168 = arith.addi %get3A_133, %and3A_167 : vector<16xi32>
          %gather3A = tpu.vector_load_idx %arg8[%add3A_129, %add3A_168] : memref<128x128xf32, #tpu.memory_space<vmem>>[vector<16xi32>, vector<16xi32>], vector<16xf32>,
          tpu.vector_store_idx %arg10[%and3A_167, %add3A_129], %gather3A : memref<64x130xf32, #tpu.memory_space<vmem>>[vector<16xi32>, vector<16xi32>], vector<16xf32>,
          %scan3A_169 = arith.constant 1 : i32
          %scan3A_170 = arith.addi %scan3A_159, %scan3A_169 : i32
          %mul3A_171 = arith.constant 1 : i32
          %mul3A_172 = arith.muli %scan3A_170, %mul3A_171 : i32
          %add3A_173 = arith.constant 0 : i32
          %add3A_174 = arith.addi %add3A_173, %mul3A_172 : i32
          %add3A_175 = vector.broadcast %add3A_174 : i32 to vector<16xi32>
          %add3A_176 = arith.addi %add3A_129, %add3A_175 : vector<16xi32>
          %and3A_177 = arith.constant 63 : i32
          %and3A_178 = vector.broadcast %and3A_177 : i32 to vector<16xi32>
          %and3A_179 = arith.andi %add3A_176, %and3A_178 : vector<16xi32>
          %add3A_180 = arith.addi %get3A_133, %and3A_179 : vector<16xi32>
          %gather3A_181 = tpu.vector_load_idx %arg8[%add3A_129, %add3A_180] : memref<128x128xf32, #tpu.memory_space<vmem>>[vector<16xi32>, vector<16xi32>], vector<16xf32>,
          tpu.vector_store_idx %arg10[%and3A_179, %add3A_129], %gather3A_181 : memref<64x130xf32, #tpu.memory_space<vmem>>[vector<16xi32>, vector<16xi32>], vector<16xf32>,
          %scan3A_182 = arith.constant 2 : i32
          %scan3A_183 = arith.addi %scan3A_159, %scan3A_182 : i32
          %mul3A_184 = arith.constant 1 : i32
          %mul3A_185 = arith.muli %scan3A_183, %mul3A_184 : i32
          %add3A_186 = arith.constant 0 : i32
          %add3A_187 = arith.addi %add3A_186, %mul3A_185 : i32
          %add3A_188 = vector.broadcast %add3A_187 : i32 to vector<16xi32>
          %add3A_189 = arith.addi %add3A_129, %add3A_188 : vector<16xi32>
          %and3A_190 = arith.constant 63 : i32
          %and3A_191 = vector.broadcast %and3A_190 : i32 to vector<16xi32>
          %and3A_192 = arith.andi %add3A_189, %and3A_191 : vector<16xi32>
          %add3A_193 = arith.addi %get3A_133, %and3A_192 : vector<16xi32>
          %gather3A_194 = tpu.vector_load_idx %arg8[%add3A_129, %add3A_193] : memref<128x128xf32, #tpu.memory_space<vmem>>[vector<16xi32>, vector<16xi32>], vector<16xf32>,
          tpu.vector_store_idx %arg10[%and3A_192, %add3A_129], %gather3A_194 : memref<64x130xf32, #tpu.memory_space<vmem>>[vector<16xi32>, vector<16xi32>], vector<16xf32>,
          %scan3A_195 = arith.constant 3 : i32
          %scan3A_196 = arith.addi %scan3A_159, %scan3A_195 : i32
          %mul3A_197 = arith.constant 1 : i32
          %mul3A_198 = arith.muli %scan3A_196, %mul3A_197 : i32
          %add3A_199 = arith.constant 0 : i32
          %add3A_200 = arith.addi %add3A_199, %mul3A_198 : i32
          %add3A_201 = vector.broadcast %add3A_200 : i32 to vector<16xi32>
          %add3A_202 = arith.addi %add3A_129, %add3A_201 : vector<16xi32>
          %and3A_203 = arith.constant 63 : i32
          %and3A_204 = vector.broadcast %and3A_203 : i32 to vector<16xi32>
          %and3A_205 = arith.andi %add3A_202, %and3A_204 : vector<16xi32>
          %add3A_206 = arith.addi %get3A_133, %and3A_205 : vector<16xi32>
          %gather3A_207 = tpu.vector_load_idx %arg8[%add3A_129, %add3A_206] : memref<128x128xf32, #tpu.memory_space<vmem>>[vector<16xi32>, vector<16xi32>], vector<16xf32>,
          tpu.vector_store_idx %arg10[%and3A_205, %add3A_129], %gather3A_207 : memref<64x130xf32, #tpu.memory_space<vmem>>[vector<16xi32>, vector<16xi32>], vector<16xf32>,
          %scan3A_208 = arith.constant 4 : i32
          %scan3A_209 = arith.addi %scan3A_159, %scan3A_208 : i32
          %mul3A_210 = arith.constant 1 : i32
          %mul3A_211 = arith.muli %scan3A_209, %mul3A_210 : i32
          %add3A_212 = arith.constant 0 : i32
          %add3A_213 = arith.addi %add3A_212, %mul3A_211 : i32
          %add3A_214 = vector.broadcast %add3A_213 : i32 to vector<16xi32>
          %add3A_215 = arith.addi %add3A_129, %add3A_214 : vector<16xi32>
          %and3A_216 = arith.constant 63 : i32
          %and3A_217 = vector.broadcast %and3A_216 : i32 to vector<16xi32>
          %and3A_218 = arith.andi %add3A_215, %and3A_217 : vector<16xi32>
          %add3A_219 = arith.addi %get3A_133, %and3A_218 : vector<16xi32>
          %gather3A_220 = tpu.vector_load_idx %arg8[%add3A_129, %add3A_219] : memref<128x128xf32, #tpu.memory_space<vmem>>[vector<16xi32>, vector<16xi32>], vector<16xf32>,
          tpu.vector_store_idx %arg10[%and3A_218, %add3A_129], %gather3A_220 : memref<64x130xf32, #tpu.memory_space<vmem>>[vector<16xi32>, vector<16xi32>], vector<16xf32>,
          %scan3A_221 = arith.constant 5 : i32
          %scan3A_222 = arith.addi %scan3A_159, %scan3A_221 : i32
          %mul3A_223 = arith.constant 1 : i32
          %mul3A_224 = arith.muli %scan3A_222, %mul3A_223 : i32
          %add3A_225 = arith.constant 0 : i32
          %add3A_226 = arith.addi %add3A_225, %mul3A_224 : i32
          %add3A_227 = vector.broadcast %add3A_226 : i32 to vector<16xi32>
          %add3A_228 = arith.addi %add3A_129, %add3A_227 : vector<16xi32>
          %and3A_229 = arith.constant 63 : i32
          %and3A_230 = vector.broadcast %and3A_229 : i32 to vector<16xi32>
          %and3A_231 = arith.andi %add3A_228, %and3A_230 : vector<16xi32>
          %add3A_232 = arith.addi %get3A_133, %and3A_231 : vector<16xi32>
          %gather3A_233 = tpu.vector_load_idx %arg8[%add3A_129, %add3A_232] : memref<128x128xf32, #tpu.memory_space<vmem>>[vector<16xi32>, vector<16xi32>], vector<16xf32>,
          tpu.vector_store_idx %arg10[%and3A_231, %add3A_129], %gather3A_233 : memref<64x130xf32, #tpu.memory_space<vmem>>[vector<16xi32>, vector<16xi32>], vector<16xf32>,
          %scan3A_234 = arith.constant 6 : i32
          %scan3A_235 = arith.addi %scan3A_159, %scan3A_234 : i32
          %mul3A_236 = arith.constant 1 : i32
          %mul3A_237 = arith.muli %scan3A_235, %mul3A_236 : i32
          %add3A_238 = arith.constant 0 : i32
          %add3A_239 = arith.addi %add3A_238, %mul3A_237 : i32
          %add3A_240 = vector.broadcast %add3A_239 : i32 to vector<16xi32>
          %add3A_241 = arith.addi %add3A_129, %add3A_240 : vector<16xi32>
          %and3A_242 = arith.constant 63 : i32
          %and3A_243 = vector.broadcast %and3A_242 : i32 to vector<16xi32>
          %and3A_244 = arith.andi %add3A_241, %and3A_243 : vector<16xi32>
          %add3A_245 = arith.addi %get3A_133, %and3A_244 : vector<16xi32>
          %gather3A_246 = tpu.vector_load_idx %arg8[%add3A_129, %add3A_245] : memref<128x128xf32, #tpu.memory_space<vmem>>[vector<16xi32>, vector<16xi32>], vector<16xf32>,
          tpu.vector_store_idx %arg10[%and3A_244, %add3A_129], %gather3A_246 : memref<64x130xf32, #tpu.memory_space<vmem>>[vector<16xi32>, vector<16xi32>], vector<16xf32>,
          %scan3A_247 = arith.constant 7 : i32
          %scan3A_248 = arith.addi %scan3A_159, %scan3A_247 : i32
          %mul3A_249 = arith.constant 1 : i32
          %mul3A_250 = arith.muli %scan3A_248, %mul3A_249 : i32
          %add3A_251 = arith.constant 0 : i32
          %add3A_252 = arith.addi %add3A_251, %mul3A_250 : i32
          %add3A_253 = vector.broadcast %add3A_252 : i32 to vector<16xi32>
          %add3A_254 = arith.addi %add3A_129, %add3A_253 : vector<16xi32>
          %and3A_255 = arith.constant 63 : i32
          %and3A_256 = vector.broadcast %and3A_255 : i32 to vector<16xi32>
          %and3A_257 = arith.andi %add3A_254, %and3A_256 : vector<16xi32>
          %add3A_258 = arith.addi %get3A_133, %and3A_257 : vector<16xi32>
          %gather3A_259 = tpu.vector_load_idx %arg8[%add3A_129, %add3A_258] : memref<128x128xf32, #tpu.memory_space<vmem>>[vector<16xi32>, vector<16xi32>], vector<16xf32>,
          tpu.vector_store_idx %arg10[%and3A_257, %add3A_129], %gather3A_259 : memref<64x130xf32, #tpu.memory_space<vmem>>[vector<16xi32>, vector<16xi32>], vector<16xf32>,
          %scan3A_260 = arith.constant 8 : i32
          %scan3A_261 = arith.addi %scan3A_159, %scan3A_260 : i32
          %mul3A_262 = arith.constant 1 : i32
          %mul3A_263 = arith.muli %scan3A_261, %mul3A_262 : i32
          %add3A_264 = arith.constant 0 : i32
          %add3A_265 = arith.addi %add3A_264, %mul3A_263 : i32
          %add3A_266 = vector.broadcast %add3A_265 : i32 to vector<16xi32>
          %add3A_267 = arith.addi %add3A_129, %add3A_266 : vector<16xi32>
          %and3A_268 = arith.constant 63 : i32
          %and3A_269 = vector.broadcast %and3A_268 : i32 to vector<16xi32>
          %and3A_270 = arith.andi %add3A_267, %and3A_269 : vector<16xi32>
          %add3A_271 = arith.addi %get3A_133, %and3A_270 : vector<16xi32>
          %gather3A_272 = tpu.vector_load_idx %arg8[%add3A_129, %add3A_271] : memref<128x128xf32, #tpu.memory_space<vmem>>[vector<16xi32>, vector<16xi32>], vector<16xf32>,
          tpu.vector_store_idx %arg10[%and3A_270, %add3A_129], %gather3A_272 : memref<64x130xf32, #tpu.memory_space<vmem>>[vector<16xi32>, vector<16xi32>], vector<16xf32>,
          %scan3A_273 = arith.constant 9 : i32
          %scan3A_274 = arith.addi %scan3A_159, %scan3A_273 : i32
          %mul3A_275 = arith.constant 1 : i32
          %mul3A_276 = arith.muli %scan3A_274, %mul3A_275 : i32
          %add3A_277 = arith.constant 0 : i32
          %add3A_278 = arith.addi %add3A_277, %mul3A_276 : i32
          %add3A_279 = vector.broadcast %add3A_278 : i32 to vector<16xi32>
          %add3A_280 = arith.addi %add3A_129, %add3A_279 : vector<16xi32>
          %and3A_281 = arith.constant 63 : i32
          %and3A_282 = vector.broadcast %and3A_281 : i32 to vector<16xi32>
          %and3A_283 = arith.andi %add3A_280, %and3A_282 : vector<16xi32>
          %add3A_284 = arith.addi %get3A_133, %and3A_283 : vector<16xi32>
          %gather3A_285 = tpu.vector_load_idx %arg8[%add3A_129, %add3A_284] : memref<128x128xf32, #tpu.memory_space<vmem>>[vector<16xi32>, vector<16xi32>], vector<16xf32>,
          tpu.vector_store_idx %arg10[%and3A_283, %add3A_129], %gather3A_285 : memref<64x130xf32, #tpu.memory_space<vmem>>[vector<16xi32>, vector<16xi32>], vector<16xf32>,
          %scan3A_286 = arith.constant 10 : i32
          %scan3A_287 = arith.addi %scan3A_159, %scan3A_286 : i32
          %mul3A_288 = arith.constant 1 : i32
          %mul3A_289 = arith.muli %scan3A_287, %mul3A_288 : i32
          %add3A_290 = arith.constant 0 : i32
          %add3A_291 = arith.addi %add3A_290, %mul3A_289 : i32
          %add3A_292 = vector.broadcast %add3A_291 : i32 to vector<16xi32>
          %add3A_293 = arith.addi %add3A_129, %add3A_292 : vector<16xi32>
          %and3A_294 = arith.constant 63 : i32
          %and3A_295 = vector.broadcast %and3A_294 : i32 to vector<16xi32>
          %and3A_296 = arith.andi %add3A_293, %and3A_295 : vector<16xi32>
          %add3A_297 = arith.addi %get3A_133, %and3A_296 : vector<16xi32>
          %gather3A_298 = tpu.vector_load_idx %arg8[%add3A_129, %add3A_297] : memref<128x128xf32, #tpu.memory_space<vmem>>[vector<16xi32>, vector<16xi32>], vector<16xf32>,
          tpu.vector_store_idx %arg10[%and3A_296, %add3A_129], %gather3A_298 : memref<64x130xf32, #tpu.memory_space<vmem>>[vector<16xi32>, vector<16xi32>], vector<16xf32>,
          %scan3A_299 = arith.constant 11 : i32
          %scan3A_300 = arith.addi %scan3A_159, %scan3A_299 : i32
          %mul3A_301 = arith.constant 1 : i32
          %mul3A_302 = arith.muli %scan3A_300, %mul3A_301 : i32
          %add3A_303 = arith.constant 0 : i32
          %add3A_304 = arith.addi %add3A_303, %mul3A_302 : i32
          %add3A_305 = vector.broadcast %add3A_304 : i32 to vector<16xi32>
          %add3A_306 = arith.addi %add3A_129, %add3A_305 : vector<16xi32>
          %and3A_307 = arith.constant 63 : i32
          %and3A_308 = vector.broadcast %and3A_307 : i32 to vector<16xi32>
          %and3A_309 = arith.andi %add3A_306, %and3A_308 : vector<16xi32>
          %add3A_310 = arith.addi %get3A_133, %and3A_309 : vector<16xi32>
          %gather3A_311 = tpu.vector_load_idx %arg8[%add3A_129, %add3A_310] : memref<128x128xf32, #tpu.memory_space<vmem>>[vector<16xi32>, vector<16xi32>], vector<16xf32>,
          tpu.vector_store_idx %arg10[%and3A_309, %add3A_129], %gather3A_311 : memref<64x130xf32, #tpu.memory_space<vmem>>[vector<16xi32>, vector<16xi32>], vector<16xf32>,
          %scan3A_312 = arith.constant 12 : i32
          %scan3A_313 = arith.addi %scan3A_159, %scan3A_312 : i32
          %mul3A_314 = arith.constant 1 : i32
          %mul3A_315 = arith.muli %scan3A_313, %mul3A_314 : i32
          %add3A_316 = arith.constant 0 : i32
          %add3A_317 = arith.addi %add3A_316, %mul3A_315 : i32
          %add3A_318 = vector.broadcast %add3A_317 : i32 to vector<16xi32>
          %add3A_319 = arith.addi %add3A_129, %add3A_318 : vector<16xi32>
          %and3A_320 = arith.constant 63 : i32
          %and3A_321 = vector.broadcast %and3A_320 : i32 to vector<16xi32>
          %and3A_322 = arith.andi %add3A_319, %and3A_321 : vector<16xi32>
          %add3A_323 = arith.addi %get3A_133, %and3A_322 : vector<16xi32>
          %gather3A_324 = tpu.vector_load_idx %arg8[%add3A_129, %add3A_323] : memref<128x128xf32, #tpu.memory_space<vmem>>[vector<16xi32>, vector<16xi32>], vector<16xf32>,
          tpu.vector_store_idx %arg10[%and3A_322, %add3A_129], %gather3A_324 : memref<64x130xf32, #tpu.memory_space<vmem>>[vector<16xi32>, vector<16xi32>], vector<16xf32>,
          %scan3A_325 = arith.constant 13 : i32
          %scan3A_326 = arith.addi %scan3A_159, %scan3A_325 : i32
          %mul3A_327 = arith.constant 1 : i32
          %mul3A_328 = arith.muli %scan3A_326, %mul3A_327 : i32
          %add3A_329 = arith.constant 0 : i32
          %add3A_330 = arith.addi %add3A_329, %mul3A_328 : i32
          %add3A_331 = vector.broadcast %add3A_330 : i32 to vector<16xi32>
          %add3A_332 = arith.addi %add3A_129, %add3A_331 : vector<16xi32>
          %and3A_333 = arith.constant 63 : i32
          %and3A_334 = vector.broadcast %and3A_333 : i32 to vector<16xi32>
          %and3A_335 = arith.andi %add3A_332, %and3A_334 : vector<16xi32>
          %add3A_336 = arith.addi %get3A_133, %and3A_335 : vector<16xi32>
          %gather3A_337 = tpu.vector_load_idx %arg8[%add3A_129, %add3A_336] : memref<128x128xf32, #tpu.memory_space<vmem>>[vector<16xi32>, vector<16xi32>], vector<16xf32>,
          tpu.vector_store_idx %arg10[%and3A_335, %add3A_129], %gather3A_337 : memref<64x130xf32, #tpu.memory_space<vmem>>[vector<16xi32>, vector<16xi32>], vector<16xf32>,
          %scan3A_338 = arith.constant 14 : i32
          %scan3A_339 = arith.addi %scan3A_159, %scan3A_338 : i32
          %mul3A_340 = arith.constant 1 : i32
          %mul3A_341 = arith.muli %scan3A_339, %mul3A_340 : i32
          %add3A_342 = arith.constant 0 : i32
          %add3A_343 = arith.addi %add3A_342, %mul3A_341 : i32
          %add3A_344 = vector.broadcast %add3A_343 : i32 to vector<16xi32>
          %add3A_345 = arith.addi %add3A_129, %add3A_344 : vector<16xi32>
          %and3A_346 = arith.constant 63 : i32
          %and3A_347 = vector.broadcast %and3A_346 : i32 to vector<16xi32>
          %and3A_348 = arith.andi %add3A_345, %and3A_347 : vector<16xi32>
          %add3A_349 = arith.addi %get3A_133, %and3A_348 : vector<16xi32>
          %gather3A_350 = tpu.vector_load_idx %arg8[%add3A_129, %add3A_349] : memref<128x128xf32, #tpu.memory_space<vmem>>[vector<16xi32>, vector<16xi32>], vector<16xf32>,
          tpu.vector_store_idx %arg10[%and3A_348, %add3A_129], %gather3A_350 : memref<64x130xf32, #tpu.memory_space<vmem>>[vector<16xi32>, vector<16xi32>], vector<16xf32>,
          %scan3A_351 = arith.constant 15 : i32
          %scan3A_352 = arith.addi %scan3A_159, %scan3A_351 : i32
          %mul3A_353 = arith.constant 1 : i32
          %mul3A_354 = arith.muli %scan3A_352, %mul3A_353 : i32
          %add3A_355 = arith.constant 0 : i32
          %add3A_356 = arith.addi %add3A_355, %mul3A_354 : i32
          %add3A_357 = vector.broadcast %add3A_356 : i32 to vector<16xi32>
          %add3A_358 = arith.addi %add3A_129, %add3A_357 : vector<16xi32>
          %and3A_359 = arith.constant 63 : i32
          %and3A_360 = vector.broadcast %and3A_359 : i32 to vector<16xi32>
          %and3A_361 = arith.andi %add3A_358, %and3A_360 : vector<16xi32>
          %add3A_362 = arith.addi %get3A_133, %and3A_361 : vector<16xi32>
          %gather3A_363 = tpu.vector_load_idx %arg8[%add3A_129, %add3A_362] : memref<128x128xf32, #tpu.memory_space<vmem>>[vector<16xi32>, vector<16xi32>], vector<16xf32>,
          tpu.vector_store_idx %arg10[%and3A_361, %add3A_129], %gather3A_363 : memref<64x130xf32, #tpu.memory_space<vmem>>[vector<16xi32>, vector<16xi32>], vector<16xf32>,
          %scan3A_364 = arith.constant 16 : i32
          %scan3A_365 = arith.addi %scan3A_159, %scan3A_364 : i32
          %mul3A_366 = arith.constant 1 : i32
          %mul3A_367 = arith.muli %scan3A_365, %mul3A_366 : i32
          %add3A_368 = arith.constant 0 : i32
          %add3A_369 = arith.addi %add3A_368, %mul3A_367 : i32
          %add3A_370 = vector.broadcast %add3A_369 : i32 to vector<16xi32>
          %add3A_371 = arith.addi %add3A_129, %add3A_370 : vector<16xi32>
          %and3A_372 = arith.constant 63 : i32
          %and3A_373 = vector.broadcast %and3A_372 : i32 to vector<16xi32>
          %and3A_374 = arith.andi %add3A_371, %and3A_373 : vector<16xi32>
          %add3A_375 = arith.addi %get3A_133, %and3A_374 : vector<16xi32>
          %gather3A_376 = tpu.vector_load_idx %arg8[%add3A_129, %add3A_375] : memref<128x128xf32, #tpu.memory_space<vmem>>[vector<16xi32>, vector<16xi32>], vector<16xf32>,
          tpu.vector_store_idx %arg10[%and3A_374, %add3A_129], %gather3A_376 : memref<64x130xf32, #tpu.memory_space<vmem>>[vector<16xi32>, vector<16xi32>], vector<16xf32>,
          %scan3A_377 = arith.constant 17 : i32
          %scan3A_378 = arith.addi %scan3A_159, %scan3A_377 : i32
          %mul3A_379 = arith.constant 1 : i32
          %mul3A_380 = arith.muli %scan3A_378, %mul3A_379 : i32
          %add3A_381 = arith.constant 0 : i32
          %add3A_382 = arith.addi %add3A_381, %mul3A_380 : i32
          %add3A_383 = vector.broadcast %add3A_382 : i32 to vector<16xi32>
          %add3A_384 = arith.addi %add3A_129, %add3A_383 : vector<16xi32>
          %and3A_385 = arith.constant 63 : i32
          %and3A_386 = vector.broadcast %and3A_385 : i32 to vector<16xi32>
          %and3A_387 = arith.andi %add3A_384, %and3A_386 : vector<16xi32>
          %add3A_388 = arith.addi %get3A_133, %and3A_387 : vector<16xi32>
          %gather3A_389 = tpu.vector_load_idx %arg8[%add3A_129, %add3A_388] : memref<128x128xf32, #tpu.memory_space<vmem>>[vector<16xi32>, vector<16xi32>], vector<16xf32>,
          tpu.vector_store_idx %arg10[%and3A_387, %add3A_129], %gather3A_389 : memref<64x130xf32, #tpu.memory_space<vmem>>[vector<16xi32>, vector<16xi32>], vector<16xf32>,
          %scan3A_390 = arith.constant 18 : i32
          %scan3A_391 = arith.addi %scan3A_159, %scan3A_390 : i32
          %mul3A_392 = arith.constant 1 : i32
          %mul3A_393 = arith.muli %scan3A_391, %mul3A_392 : i32
          %add3A_394 = arith.constant 0 : i32
          %add3A_395 = arith.addi %add3A_394, %mul3A_393 : i32
          %add3A_396 = vector.broadcast %add3A_395 : i32 to vector<16xi32>
          %add3A_397 = arith.addi %add3A_129, %add3A_396 : vector<16xi32>
          %and3A_398 = arith.constant 63 : i32
          %and3A_399 = vector.broadcast %and3A_398 : i32 to vector<16xi32>
          %and3A_400 = arith.andi %add3A_397, %and3A_399 : vector<16xi32>
          %add3A_401 = arith.addi %get3A_133, %and3A_400 : vector<16xi32>
          %gather3A_402 = tpu.vector_load_idx %arg8[%add3A_129, %add3A_401] : memref<128x128xf32, #tpu.memory_space<vmem>>[vector<16xi32>, vector<16xi32>], vector<16xf32>,
          tpu.vector_store_idx %arg10[%and3A_400, %add3A_129], %gather3A_402 : memref<64x130xf32, #tpu.memory_space<vmem>>[vector<16xi32>, vector<16xi32>], vector<16xf32>,
          %scan3A_403 = arith.constant 19 : i32
          %scan3A_404 = arith.addi %scan3A_159, %scan3A_403 : i32
          %mul3A_405 = arith.constant 1 : i32
          %mul3A_406 = arith.muli %scan3A_404, %mul3A_405 : i32
          %add3A_407 = arith.constant 0 : i32
          %add3A_408 = arith.addi %add3A_407, %mul3A_406 : i32
          %add3A_409 = vector.broadcast %add3A_408 : i32 to vector<16xi32>
          %add3A_410 = arith.addi %add3A_129, %add3A_409 : vector<16xi32>
          %and3A_411 = arith.constant 63 : i32
          %and3A_412 = vector.broadcast %and3A_411 : i32 to vector<16xi32>
          %and3A_413 = arith.andi %add3A_410, %and3A_412 : vector<16xi32>
          %add3A_414 = arith.addi %get3A_133, %and3A_413 : vector<16xi32>
          %gather3A_415 = tpu.vector_load_idx %arg8[%add3A_129, %add3A_414] : memref<128x128xf32, #tpu.memory_space<vmem>>[vector<16xi32>, vector<16xi32>], vector<16xf32>,
          tpu.vector_store_idx %arg10[%and3A_413, %add3A_129], %gather3A_415 : memref<64x130xf32, #tpu.memory_space<vmem>>[vector<16xi32>, vector<16xi32>], vector<16xf32>,
          %scan3A_416 = arith.constant 20 : i32
          %scan3A_417 = arith.addi %scan3A_159, %scan3A_416 : i32
          %mul3A_418 = arith.constant 1 : i32
          %mul3A_419 = arith.muli %scan3A_417, %mul3A_418 : i32
          %add3A_420 = arith.constant 0 : i32
          %add3A_421 = arith.addi %add3A_420, %mul3A_419 : i32
          %add3A_422 = vector.broadcast %add3A_421 : i32 to vector<16xi32>
          %add3A_423 = arith.addi %add3A_129, %add3A_422 : vector<16xi32>
          %and3A_424 = arith.constant 63 : i32
          %and3A_425 = vector.broadcast %and3A_424 : i32 to vector<16xi32>
          %and3A_426 = arith.andi %add3A_423, %and3A_425 : vector<16xi32>
          %add3A_427 = arith.addi %get3A_133, %and3A_426 : vector<16xi32>
          %gather3A_428 = tpu.vector_load_idx %arg8[%add3A_129, %add3A_427] : memref<128x128xf32, #tpu.memory_space<vmem>>[vector<16xi32>, vector<16xi32>], vector<16xf32>,
          tpu.vector_store_idx %arg10[%and3A_426, %add3A_129], %gather3A_428 : memref<64x130xf32, #tpu.memory_space<vmem>>[vector<16xi32>, vector<16xi32>], vector<16xf32>,
          %scan3A_429 = arith.constant 21 : i32
          %scan3A_430 = arith.addi %scan3A_159, %scan3A_429 : i32
          %mul3A_431 = arith.constant 1 : i32
          %mul3A_432 = arith.muli %scan3A_430, %mul3A_431 : i32
          %add3A_433 = arith.constant 0 : i32
          %add3A_434 = arith.addi %add3A_433, %mul3A_432 : i32
          %add3A_435 = vector.broadcast %add3A_434 : i32 to vector<16xi32>
          %add3A_436 = arith.addi %add3A_129, %add3A_435 : vector<16xi32>
          %and3A_437 = arith.constant 63 : i32
          %and3A_438 = vector.broadcast %and3A_437 : i32 to vector<16xi32>
          %and3A_439 = arith.andi %add3A_436, %and3A_438 : vector<16xi32>
          %add3A_440 = arith.addi %get3A_133, %and3A_439 : vector<16xi32>
          %gather3A_441 = tpu.vector_load_idx %arg8[%add3A_129, %add3A_440] : memref<128x128xf32, #tpu.memory_space<vmem>>[vector<16xi32>, vector<16xi32>], vector<16xf32>,
          tpu.vector_store_idx %arg10[%and3A_439, %add3A_129], %gather3A_441 : memref<64x130xf32, #tpu.memory_space<vmem>>[vector<16xi32>, vector<16xi32>], vector<16xf32>,
          %scan3A_442 = arith.constant 22 : i32
          %scan3A_443 = arith.addi %scan3A_159, %scan3A_442 : i32
          %mul3A_444 = arith.constant 1 : i32
          %mul3A_445 = arith.muli %scan3A_443, %mul3A_444 : i32
          %add3A_446 = arith.constant 0 : i32
          %add3A_447 = arith.addi %add3A_446, %mul3A_445 : i32
          %add3A_448 = vector.broadcast %add3A_447 : i32 to vector<16xi32>
          %add3A_449 = arith.addi %add3A_129, %add3A_448 : vector<16xi32>
          %and3A_450 = arith.constant 63 : i32
          %and3A_451 = vector.broadcast %and3A_450 : i32 to vector<16xi32>
          %and3A_452 = arith.andi %add3A_449, %and3A_451 : vector<16xi32>
          %add3A_453 = arith.addi %get3A_133, %and3A_452 : vector<16xi32>
          %gather3A_454 = tpu.vector_load_idx %arg8[%add3A_129, %add3A_453] : memref<128x128xf32, #tpu.memory_space<vmem>>[vector<16xi32>, vector<16xi32>], vector<16xf32>,
          tpu.vector_store_idx %arg10[%and3A_452, %add3A_129], %gather3A_454 : memref<64x130xf32, #tpu.memory_space<vmem>>[vector<16xi32>, vector<16xi32>], vector<16xf32>,
          %scan3A_455 = arith.constant 23 : i32
          %scan3A_456 = arith.addi %scan3A_159, %scan3A_455 : i32
          %mul3A_457 = arith.constant 1 : i32
          %mul3A_458 = arith.muli %scan3A_456, %mul3A_457 : i32
          %add3A_459 = arith.constant 0 : i32
          %add3A_460 = arith.addi %add3A_459, %mul3A_458 : i32
          %add3A_461 = vector.broadcast %add3A_460 : i32 to vector<16xi32>
          %add3A_462 = arith.addi %add3A_129, %add3A_461 : vector<16xi32>
          %and3A_463 = arith.constant 63 : i32
          %and3A_464 = vector.broadcast %and3A_463 : i32 to vector<16xi32>
          %and3A_465 = arith.andi %add3A_462, %and3A_464 : vector<16xi32>
          %add3A_466 = arith.addi %get3A_133, %and3A_465 : vector<16xi32>
          %gather3A_467 = tpu.vector_load_idx %arg8[%add3A_129, %add3A_466] : memref<128x128xf32, #tpu.memory_space<vmem>>[vector<16xi32>, vector<16xi32>], vector<16xf32>,
          tpu.vector_store_idx %arg10[%and3A_465, %add3A_129], %gather3A_467 : memref<64x130xf32, #tpu.memory_space<vmem>>[vector<16xi32>, vector<16xi32>], vector<16xf32>,
          %scan3A_468 = arith.constant 24 : i32
          %scan3A_469 = arith.addi %scan3A_159, %scan3A_468 : i32
          %mul3A_470 = arith.constant 1 : i32
          %mul3A_471 = arith.muli %scan3A_469, %mul3A_470 : i32
          %add3A_472 = arith.constant 0 : i32
          %add3A_473 = arith.addi %add3A_472, %mul3A_471 : i32
          %add3A_474 = vector.broadcast %add3A_473 : i32 to vector<16xi32>
          %add3A_475 = arith.addi %add3A_129, %add3A_474 : vector<16xi32>
          %and3A_476 = arith.constant 63 : i32
          %and3A_477 = vector.broadcast %and3A_476 : i32 to vector<16xi32>
          %and3A_478 = arith.andi %add3A_475, %and3A_477 : vector<16xi32>
          %add3A_479 = arith.addi %get3A_133, %and3A_478 : vector<16xi32>
          %gather3A_480 = tpu.vector_load_idx %arg8[%add3A_129, %add3A_479] : memref<128x128xf32, #tpu.memory_space<vmem>>[vector<16xi32>, vector<16xi32>], vector<16xf32>,
          tpu.vector_store_idx %arg10[%and3A_478, %add3A_129], %gather3A_480 : memref<64x130xf32, #tpu.memory_space<vmem>>[vector<16xi32>, vector<16xi32>], vector<16xf32>,
          %scan3A_481 = arith.constant 25 : i32
          %scan3A_482 = arith.addi %scan3A_159, %scan3A_481 : i32
          %mul3A_483 = arith.constant 1 : i32
          %mul3A_484 = arith.muli %scan3A_482, %mul3A_483 : i32
          %add3A_485 = arith.constant 0 : i32
          %add3A_486 = arith.addi %add3A_485, %mul3A_484 : i32
          %add3A_487 = vector.broadcast %add3A_486 : i32 to vector<16xi32>
          %add3A_488 = arith.addi %add3A_129, %add3A_487 : vector<16xi32>
          %and3A_489 = arith.constant 63 : i32
          %and3A_490 = vector.broadcast %and3A_489 : i32 to vector<16xi32>
          %and3A_491 = arith.andi %add3A_488, %and3A_490 : vector<16xi32>
          %add3A_492 = arith.addi %get3A_133, %and3A_491 : vector<16xi32>
          %gather3A_493 = tpu.vector_load_idx %arg8[%add3A_129, %add3A_492] : memref<128x128xf32, #tpu.memory_space<vmem>>[vector<16xi32>, vector<16xi32>], vector<16xf32>,
          tpu.vector_store_idx %arg10[%and3A_491, %add3A_129], %gather3A_493 : memref<64x130xf32, #tpu.memory_space<vmem>>[vector<16xi32>, vector<16xi32>], vector<16xf32>,
          %scan3A_494 = arith.constant 26 : i32
          %scan3A_495 = arith.addi %scan3A_159, %scan3A_494 : i32
          %mul3A_496 = arith.constant 1 : i32
          %mul3A_497 = arith.muli %scan3A_495, %mul3A_496 : i32
          %add3A_498 = arith.constant 0 : i32
          %add3A_499 = arith.addi %add3A_498, %mul3A_497 : i32
          %add3A_500 = vector.broadcast %add3A_499 : i32 to vector<16xi32>
          %add3A_501 = arith.addi %add3A_129, %add3A_500 : vector<16xi32>
          %and3A_502 = arith.constant 63 : i32
          %and3A_503 = vector.broadcast %and3A_502 : i32 to vector<16xi32>
          %and3A_504 = arith.andi %add3A_501, %and3A_503 : vector<16xi32>
          %add3A_505 = arith.addi %get3A_133, %and3A_504 : vector<16xi32>
          %gather3A_506 = tpu.vector_load_idx %arg8[%add3A_129, %add3A_505] : memref<128x128xf32, #tpu.memory_space<vmem>>[vector<16xi32>, vector<16xi32>], vector<16xf32>,
          tpu.vector_store_idx %arg10[%and3A_504, %add3A_129], %gather3A_506 : memref<64x130xf32, #tpu.memory_space<vmem>>[vector<16xi32>, vector<16xi32>], vector<16xf32>,
          %scan3A_507 = arith.constant 27 : i32
          %scan3A_508 = arith.addi %scan3A_159, %scan3A_507 : i32
          %mul3A_509 = arith.constant 1 : i32
          %mul3A_510 = arith.muli %scan3A_508, %mul3A_509 : i32
          %add3A_511 = arith.constant 0 : i32
          %add3A_512 = arith.addi %add3A_511, %mul3A_510 : i32
          %add3A_513 = vector.broadcast %add3A_512 : i32 to vector<16xi32>
          %add3A_514 = arith.addi %add3A_129, %add3A_513 : vector<16xi32>
          %and3A_515 = arith.constant 63 : i32
          %and3A_516 = vector.broadcast %and3A_515 : i32 to vector<16xi32>
          %and3A_517 = arith.andi %add3A_514, %and3A_516 : vector<16xi32>
          %add3A_518 = arith.addi %get3A_133, %and3A_517 : vector<16xi32>
          %gather3A_519 = tpu.vector_load_idx %arg8[%add3A_129, %add3A_518] : memref<128x128xf32, #tpu.memory_space<vmem>>[vector<16xi32>, vector<16xi32>], vector<16xf32>,
          tpu.vector_store_idx %arg10[%and3A_517, %add3A_129], %gather3A_519 : memref<64x130xf32, #tpu.memory_space<vmem>>[vector<16xi32>, vector<16xi32>], vector<16xf32>,
          %scan3A_520 = arith.constant 28 : i32
          %scan3A_521 = arith.addi %scan3A_159, %scan3A_520 : i32
          %mul3A_522 = arith.constant 1 : i32
          %mul3A_523 = arith.muli %scan3A_521, %mul3A_522 : i32
          %add3A_524 = arith.constant 0 : i32
          %add3A_525 = arith.addi %add3A_524, %mul3A_523 : i32
          %add3A_526 = vector.broadcast %add3A_525 : i32 to vector<16xi32>
          %add3A_527 = arith.addi %add3A_129, %add3A_526 : vector<16xi32>
          %and3A_528 = arith.constant 63 : i32
          %and3A_529 = vector.broadcast %and3A_528 : i32 to vector<16xi32>
          %and3A_530 = arith.andi %add3A_527, %and3A_529 : vector<16xi32>
          %add3A_531 = arith.addi %get3A_133, %and3A_530 : vector<16xi32>
          %gather3A_532 = tpu.vector_load_idx %arg8[%add3A_129, %add3A_531] : memref<128x128xf32, #tpu.memory_space<vmem>>[vector<16xi32>, vector<16xi32>], vector<16xf32>,
          tpu.vector_store_idx %arg10[%and3A_530, %add3A_129], %gather3A_532 : memref<64x130xf32, #tpu.memory_space<vmem>>[vector<16xi32>, vector<16xi32>], vector<16xf32>,
          %scan3A_533 = arith.constant 29 : i32
          %scan3A_534 = arith.addi %scan3A_159, %scan3A_533 : i32
          %mul3A_535 = arith.constant 1 : i32
          %mul3A_536 = arith.muli %scan3A_534, %mul3A_535 : i32
          %add3A_537 = arith.constant 0 : i32
          %add3A_538 = arith.addi %add3A_537, %mul3A_536 : i32
          %add3A_539 = vector.broadcast %add3A_538 : i32 to vector<16xi32>
          %add3A_540 = arith.addi %add3A_129, %add3A_539 : vector<16xi32>
          %and3A_541 = arith.constant 63 : i32
          %and3A_542 = vector.broadcast %and3A_541 : i32 to vector<16xi32>
          %and3A_543 = arith.andi %add3A_540, %and3A_542 : vector<16xi32>
          %add3A_544 = arith.addi %get3A_133, %and3A_543 : vector<16xi32>
          %gather3A_545 = tpu.vector_load_idx %arg8[%add3A_129, %add3A_544] : memref<128x128xf32, #tpu.memory_space<vmem>>[vector<16xi32>, vector<16xi32>], vector<16xf32>,
          tpu.vector_store_idx %arg10[%and3A_543, %add3A_129], %gather3A_545 : memref<64x130xf32, #tpu.memory_space<vmem>>[vector<16xi32>, vector<16xi32>], vector<16xf32>,
          %scan3A_546 = arith.constant 30 : i32
          %scan3A_547 = arith.addi %scan3A_159, %scan3A_546 : i32
          %mul3A_548 = arith.constant 1 : i32
          %mul3A_549 = arith.muli %scan3A_547, %mul3A_548 : i32
          %add3A_550 = arith.constant 0 : i32
          %add3A_551 = arith.addi %add3A_550, %mul3A_549 : i32
          %add3A_552 = vector.broadcast %add3A_551 : i32 to vector<16xi32>
          %add3A_553 = arith.addi %add3A_129, %add3A_552 : vector<16xi32>
          %and3A_554 = arith.constant 63 : i32
          %and3A_555 = vector.broadcast %and3A_554 : i32 to vector<16xi32>
          %and3A_556 = arith.andi %add3A_553, %and3A_555 : vector<16xi32>
          %add3A_557 = arith.addi %get3A_133, %and3A_556 : vector<16xi32>
          %gather3A_558 = tpu.vector_load_idx %arg8[%add3A_129, %add3A_557] : memref<128x128xf32, #tpu.memory_space<vmem>>[vector<16xi32>, vector<16xi32>], vector<16xf32>,
          tpu.vector_store_idx %arg10[%and3A_556, %add3A_129], %gather3A_558 : memref<64x130xf32, #tpu.memory_space<vmem>>[vector<16xi32>, vector<16xi32>], vector<16xf32>,
          %scan3A_559 = arith.constant 31 : i32
          %scan3A_560 = arith.addi %scan3A_159, %scan3A_559 : i32
          %mul3A_561 = arith.constant 1 : i32
          %mul3A_562 = arith.muli %scan3A_560, %mul3A_561 : i32
          %add3A_563 = arith.constant 0 : i32
          %add3A_564 = arith.addi %add3A_563, %mul3A_562 : i32
          %add3A_565 = vector.broadcast %add3A_564 : i32 to vector<16xi32>
          %add3A_566 = arith.addi %add3A_129, %add3A_565 : vector<16xi32>
          %and3A_567 = arith.constant 63 : i32
          %and3A_568 = vector.broadcast %and3A_567 : i32 to vector<16xi32>
          %and3A_569 = arith.andi %add3A_566, %and3A_568 : vector<16xi32>
          %add3A_570 = arith.addi %get3A_133, %and3A_569 : vector<16xi32>
          %gather3A_571 = tpu.vector_load_idx %arg8[%add3A_129, %add3A_570] : memref<128x128xf32, #tpu.memory_space<vmem>>[vector<16xi32>, vector<16xi32>], vector<16xf32>,
          tpu.vector_store_idx %arg10[%and3A_569, %add3A_129], %gather3A_571 : memref<64x130xf32, #tpu.memory_space<vmem>>[vector<16xi32>, vector<16xi32>], vector<16xf32>,
        }
        %scan3A_138 = arith.constant 64 : i32
        %scan3A_139 = arith.constant 1 : i32
        %scan3A_140 = arith.addi %scan3A_121, %scan3A_139 : i32
        %mul3A_141 = arith.constant 1 : i32
        %mul3A_142 = arith.muli %scan3A_140, %mul3A_141 : i32
        %add3A_143 = arith.constant 0 : i32
        %add3A_144 = arith.addi %add3A_143, %mul3A_142 : i32
        %mul3A_145 = arith.constant 16 : i32
        %mul3A_146 = arith.muli %add3A_144, %mul3A_145 : i32
        %add3A_147 = vector.broadcast %mul3A_146 : i32 to vector<16xi32>
        %add3A_148 = arith.addi %iota3A, %add3A_147 : vector<16xi32>
        %mul3A_149 = arith.constant 16 : i32
        %mul3A_150 = arith.muli %add3A_144, %mul3A_149 : i32
        %get3A_151 = arith.index_cast %add3A_53 : i32 to index
        %get3A_152 = arith.index_cast %mul3A_150 : i32 to index
        %get3A_153 = tpu.vector_load %arg6[%get3A_151, %get3A_152] {strides = array<i32>} : memref<200x128xi32, #tpu.memory_space<vmem>>, vector<16xi32>,
        %scan3A_154 = arith.constant 0 : i32
        %scan3A_155 = arith.constant 64 : i32
        %scan3A_156 = arith.addi %scan3A_154, %scan3A_155 : i32
        %scan3A_157 = arith.constant 32 : i32
        scf.for %scan3A_159 = %scan3A_154 to %scan3A_156 step %scan3A_157  : i32 {
          %mul3A_160 = arith.constant 1 : i32
          %mul3A_161 = arith.muli %scan3A_159, %mul3A_160 : i32
          %add3A_162 = arith.constant 0 : i32
          %add3A_163 = arith.addi %add3A_162, %mul3A_161 : i32
          %add3A_164 = vector.broadcast %add3A_163 : i32 to vector<16xi32>
          %add3A_165 = arith.addi %add3A_148, %add3A_164 : vector<16xi32>
          %and3A = arith.constant 63 : i32
          %and3A_166 = vector.broadcast %and3A : i32 to vector<16xi32>
          %and3A_167 = arith.andi %add3A_165, %and3A_166 : vector<16xi32>
          %add3A_168 = arith.addi %get3A_153, %and3A_167 : vector<16xi32>
          %gather3A = tpu.vector_load_idx %arg8[%add3A_148, %add3A_168] : memref<128x128xf32, #tpu.memory_space<vmem>>[vector<16xi32>, vector<16xi32>], vector<16xf32>,
          tpu.vector_store_idx %arg10[%and3A_167, %add3A_148], %gather3A : memref<64x130xf32, #tpu.memory_space<vmem>>[vector<16xi32>, vector<16xi32>], vector<16xf32>,
          %scan3A_169 = arith.constant 1 : i32
          %scan3A_170 = arith.addi %scan3A_159, %scan3A_169 : i32
          %mul3A_171 = arith.constant 1 : i32
          %mul3A_172 = arith.muli %scan3A_170, %mul3A_171 : i32
          %add3A_173 = arith.constant 0 : i32
          %add3A_174 = arith.addi %add3A_173, %mul3A_172 : i32
          %add3A_175 = vector.broadcast %add3A_174 : i32 to vector<16xi32>
          %add3A_176 = arith.addi %add3A_148, %add3A_175 : vector<16xi32>
          %and3A_177 = arith.constant 63 : i32
          %and3A_178 = vector.broadcast %and3A_177 : i32 to vector<16xi32>
          %and3A_179 = arith.andi %add3A_176, %and3A_178 : vector<16xi32>
          %add3A_180 = arith.addi %get3A_153, %and3A_179 : vector<16xi32>
          %gather3A_181 = tpu.vector_load_idx %arg8[%add3A_148, %add3A_180] : memref<128x128xf32, #tpu.memory_space<vmem>>[vector<16xi32>, vector<16xi32>], vector<16xf32>,
          tpu.vector_store_idx %arg10[%and3A_179, %add3A_148], %gather3A_181 : memref<64x130xf32, #tpu.memory_space<vmem>>[vector<16xi32>, vector<16xi32>], vector<16xf32>,
          %scan3A_182 = arith.constant 2 : i32
          %scan3A_183 = arith.addi %scan3A_159, %scan3A_182 : i32
          %mul3A_184 = arith.constant 1 : i32
          %mul3A_185 = arith.muli %scan3A_183, %mul3A_184 : i32
          %add3A_186 = arith.constant 0 : i32
          %add3A_187 = arith.addi %add3A_186, %mul3A_185 : i32
          %add3A_188 = vector.broadcast %add3A_187 : i32 to vector<16xi32>
          %add3A_189 = arith.addi %add3A_148, %add3A_188 : vector<16xi32>
          %and3A_190 = arith.constant 63 : i32
          %and3A_191 = vector.broadcast %and3A_190 : i32 to vector<16xi32>
          %and3A_192 = arith.andi %add3A_189, %and3A_191 : vector<16xi32>
          %add3A_193 = arith.addi %get3A_153, %and3A_192 : vector<16xi32>
          %gather3A_194 = tpu.vector_load_idx %arg8[%add3A_148, %add3A_193] : memref<128x128xf32, #tpu.memory_space<vmem>>[vector<16xi32>, vector<16xi32>], vector<16xf32>,
          tpu.vector_store_idx %arg10[%and3A_192, %add3A_148], %gather3A_194 : memref<64x130xf32, #tpu.memory_space<vmem>>[vector<16xi32>, vector<16xi32>], vector<16xf32>,
          %scan3A_195 = arith.constant 3 : i32
          %scan3A_196 = arith.addi %scan3A_159, %scan3A_195 : i32
          %mul3A_197 = arith.constant 1 : i32
          %mul3A_198 = arith.muli %scan3A_196, %mul3A_197 : i32
          %add3A_199 = arith.constant 0 : i32
          %add3A_200 = arith.addi %add3A_199, %mul3A_198 : i32
          %add3A_201 = vector.broadcast %add3A_200 : i32 to vector<16xi32>
          %add3A_202 = arith.addi %add3A_148, %add3A_201 : vector<16xi32>
          %and3A_203 = arith.constant 63 : i32
          %and3A_204 = vector.broadcast %and3A_203 : i32 to vector<16xi32>
          %and3A_205 = arith.andi %add3A_202, %and3A_204 : vector<16xi32>
          %add3A_206 = arith.addi %get3A_153, %and3A_205 : vector<16xi32>
          %gather3A_207 = tpu.vector_load_idx %arg8[%add3A_148, %add3A_206] : memref<128x128xf32, #tpu.memory_space<vmem>>[vector<16xi32>, vector<16xi32>], vector<16xf32>,
          tpu.vector_store_idx %arg10[%and3A_205, %add3A_148], %gather3A_207 : memref<64x130xf32, #tpu.memory_space<vmem>>[vector<16xi32>, vector<16xi32>], vector<16xf32>,
          %scan3A_208 = arith.constant 4 : i32
          %scan3A_209 = arith.addi %scan3A_159, %scan3A_208 : i32
          %mul3A_210 = arith.constant 1 : i32
          %mul3A_211 = arith.muli %scan3A_209, %mul3A_210 : i32
          %add3A_212 = arith.constant 0 : i32
          %add3A_213 = arith.addi %add3A_212, %mul3A_211 : i32
          %add3A_214 = vector.broadcast %add3A_213 : i32 to vector<16xi32>
          %add3A_215 = arith.addi %add3A_148, %add3A_214 : vector<16xi32>
          %and3A_216 = arith.constant 63 : i32
          %and3A_217 = vector.broadcast %and3A_216 : i32 to vector<16xi32>
          %and3A_218 = arith.andi %add3A_215, %and3A_217 : vector<16xi32>
          %add3A_219 = arith.addi %get3A_153, %and3A_218 : vector<16xi32>
          %gather3A_220 = tpu.vector_load_idx %arg8[%add3A_148, %add3A_219] : memref<128x128xf32, #tpu.memory_space<vmem>>[vector<16xi32>, vector<16xi32>], vector<16xf32>,
          tpu.vector_store_idx %arg10[%and3A_218, %add3A_148], %gather3A_220 : memref<64x130xf32, #tpu.memory_space<vmem>>[vector<16xi32>, vector<16xi32>], vector<16xf32>,
          %scan3A_221 = arith.constant 5 : i32
          %scan3A_222 = arith.addi %scan3A_159, %scan3A_221 : i32
          %mul3A_223 = arith.constant 1 : i32
          %mul3A_224 = arith.muli %scan3A_222, %mul3A_223 : i32
          %add3A_225 = arith.constant 0 : i32
          %add3A_226 = arith.addi %add3A_225, %mul3A_224 : i32
          %add3A_227 = vector.broadcast %add3A_226 : i32 to vector<16xi32>
          %add3A_228 = arith.addi %add3A_148, %add3A_227 : vector<16xi32>
          %and3A_229 = arith.constant 63 : i32
          %and3A_230 = vector.broadcast %and3A_229 : i32 to vector<16xi32>
          %and3A_231 = arith.andi %add3A_228, %and3A_230 : vector<16xi32>
          %add3A_232 = arith.addi %get3A_153, %and3A_231 : vector<16xi32>
          %gather3A_233 = tpu.vector_load_idx %arg8[%add3A_148, %add3A_232] : memref<128x128xf32, #tpu.memory_space<vmem>>[vector<16xi32>, vector<16xi32>], vector<16xf32>,
          tpu.vector_store_idx %arg10[%and3A_231, %add3A_148], %gather3A_233 : memref<64x130xf32, #tpu.memory_space<vmem>>[vector<16xi32>, vector<16xi32>], vector<16xf32>,
          %scan3A_234 = arith.constant 6 : i32
          %scan3A_235 = arith.addi %scan3A_159, %scan3A_234 : i32
          %mul3A_236 = arith.constant 1 : i32
          %mul3A_237 = arith.muli %scan3A_235, %mul3A_236 : i32
          %add3A_238 = arith.constant 0 : i32
          %add3A_239 = arith.addi %add3A_238, %mul3A_237 : i32
          %add3A_240 = vector.broadcast %add3A_239 : i32 to vector<16xi32>
          %add3A_241 = arith.addi %add3A_148, %add3A_240 : vector<16xi32>
          %and3A_242 = arith.constant 63 : i32
          %and3A_243 = vector.broadcast %and3A_242 : i32 to vector<16xi32>
          %and3A_244 = arith.andi %add3A_241, %and3A_243 : vector<16xi32>
          %add3A_245 = arith.addi %get3A_153, %and3A_244 : vector<16xi32>
          %gather3A_246 = tpu.vector_load_idx %arg8[%add3A_148, %add3A_245] : memref<128x128xf32, #tpu.memory_space<vmem>>[vector<16xi32>, vector<16xi32>], vector<16xf32>,
          tpu.vector_store_idx %arg10[%and3A_244, %add3A_148], %gather3A_246 : memref<64x130xf32, #tpu.memory_space<vmem>>[vector<16xi32>, vector<16xi32>], vector<16xf32>,
          %scan3A_247 = arith.constant 7 : i32
          %scan3A_248 = arith.addi %scan3A_159, %scan3A_247 : i32
          %mul3A_249 = arith.constant 1 : i32
          %mul3A_250 = arith.muli %scan3A_248, %mul3A_249 : i32
          %add3A_251 = arith.constant 0 : i32
          %add3A_252 = arith.addi %add3A_251, %mul3A_250 : i32
          %add3A_253 = vector.broadcast %add3A_252 : i32 to vector<16xi32>
          %add3A_254 = arith.addi %add3A_148, %add3A_253 : vector<16xi32>
          %and3A_255 = arith.constant 63 : i32
          %and3A_256 = vector.broadcast %and3A_255 : i32 to vector<16xi32>
          %and3A_257 = arith.andi %add3A_254, %and3A_256 : vector<16xi32>
          %add3A_258 = arith.addi %get3A_153, %and3A_257 : vector<16xi32>
          %gather3A_259 = tpu.vector_load_idx %arg8[%add3A_148, %add3A_258] : memref<128x128xf32, #tpu.memory_space<vmem>>[vector<16xi32>, vector<16xi32>], vector<16xf32>,
          tpu.vector_store_idx %arg10[%and3A_257, %add3A_148], %gather3A_259 : memref<64x130xf32, #tpu.memory_space<vmem>>[vector<16xi32>, vector<16xi32>], vector<16xf32>,
          %scan3A_260 = arith.constant 8 : i32
          %scan3A_261 = arith.addi %scan3A_159, %scan3A_260 : i32
          %mul3A_262 = arith.constant 1 : i32
          %mul3A_263 = arith.muli %scan3A_261, %mul3A_262 : i32
          %add3A_264 = arith.constant 0 : i32
          %add3A_265 = arith.addi %add3A_264, %mul3A_263 : i32
          %add3A_266 = vector.broadcast %add3A_265 : i32 to vector<16xi32>
          %add3A_267 = arith.addi %add3A_148, %add3A_266 : vector<16xi32>
          %and3A_268 = arith.constant 63 : i32
          %and3A_269 = vector.broadcast %and3A_268 : i32 to vector<16xi32>
          %and3A_270 = arith.andi %add3A_267, %and3A_269 : vector<16xi32>
          %add3A_271 = arith.addi %get3A_153, %and3A_270 : vector<16xi32>
          %gather3A_272 = tpu.vector_load_idx %arg8[%add3A_148, %add3A_271] : memref<128x128xf32, #tpu.memory_space<vmem>>[vector<16xi32>, vector<16xi32>], vector<16xf32>,
          tpu.vector_store_idx %arg10[%and3A_270, %add3A_148], %gather3A_272 : memref<64x130xf32, #tpu.memory_space<vmem>>[vector<16xi32>, vector<16xi32>], vector<16xf32>,
          %scan3A_273 = arith.constant 9 : i32
          %scan3A_274 = arith.addi %scan3A_159, %scan3A_273 : i32
          %mul3A_275 = arith.constant 1 : i32
          %mul3A_276 = arith.muli %scan3A_274, %mul3A_275 : i32
          %add3A_277 = arith.constant 0 : i32
          %add3A_278 = arith.addi %add3A_277, %mul3A_276 : i32
          %add3A_279 = vector.broadcast %add3A_278 : i32 to vector<16xi32>
          %add3A_280 = arith.addi %add3A_148, %add3A_279 : vector<16xi32>
          %and3A_281 = arith.constant 63 : i32
          %and3A_282 = vector.broadcast %and3A_281 : i32 to vector<16xi32>
          %and3A_283 = arith.andi %add3A_280, %and3A_282 : vector<16xi32>
          %add3A_284 = arith.addi %get3A_153, %and3A_283 : vector<16xi32>
          %gather3A_285 = tpu.vector_load_idx %arg8[%add3A_148, %add3A_284] : memref<128x128xf32, #tpu.memory_space<vmem>>[vector<16xi32>, vector<16xi32>], vector<16xf32>,
          tpu.vector_store_idx %arg10[%and3A_283, %add3A_148], %gather3A_285 : memref<64x130xf32, #tpu.memory_space<vmem>>[vector<16xi32>, vector<16xi32>], vector<16xf32>,
          %scan3A_286 = arith.constant 10 : i32
          %scan3A_287 = arith.addi %scan3A_159, %scan3A_286 : i32
          %mul3A_288 = arith.constant 1 : i32
          %mul3A_289 = arith.muli %scan3A_287, %mul3A_288 : i32
          %add3A_290 = arith.constant 0 : i32
          %add3A_291 = arith.addi %add3A_290, %mul3A_289 : i32
          %add3A_292 = vector.broadcast %add3A_291 : i32 to vector<16xi32>
          %add3A_293 = arith.addi %add3A_148, %add3A_292 : vector<16xi32>
          %and3A_294 = arith.constant 63 : i32
          %and3A_295 = vector.broadcast %and3A_294 : i32 to vector<16xi32>
          %and3A_296 = arith.andi %add3A_293, %and3A_295 : vector<16xi32>
          %add3A_297 = arith.addi %get3A_153, %and3A_296 : vector<16xi32>
          %gather3A_298 = tpu.vector_load_idx %arg8[%add3A_148, %add3A_297] : memref<128x128xf32, #tpu.memory_space<vmem>>[vector<16xi32>, vector<16xi32>], vector<16xf32>,
          tpu.vector_store_idx %arg10[%and3A_296, %add3A_148], %gather3A_298 : memref<64x130xf32, #tpu.memory_space<vmem>>[vector<16xi32>, vector<16xi32>], vector<16xf32>,
          %scan3A_299 = arith.constant 11 : i32
          %scan3A_300 = arith.addi %scan3A_159, %scan3A_299 : i32
          %mul3A_301 = arith.constant 1 : i32
          %mul3A_302 = arith.muli %scan3A_300, %mul3A_301 : i32
          %add3A_303 = arith.constant 0 : i32
          %add3A_304 = arith.addi %add3A_303, %mul3A_302 : i32
          %add3A_305 = vector.broadcast %add3A_304 : i32 to vector<16xi32>
          %add3A_306 = arith.addi %add3A_148, %add3A_305 : vector<16xi32>
          %and3A_307 = arith.constant 63 : i32
          %and3A_308 = vector.broadcast %and3A_307 : i32 to vector<16xi32>
          %and3A_309 = arith.andi %add3A_306, %and3A_308 : vector<16xi32>
          %add3A_310 = arith.addi %get3A_153, %and3A_309 : vector<16xi32>
          %gather3A_311 = tpu.vector_load_idx %arg8[%add3A_148, %add3A_310] : memref<128x128xf32, #tpu.memory_space<vmem>>[vector<16xi32>, vector<16xi32>], vector<16xf32>,
          tpu.vector_store_idx %arg10[%and3A_309, %add3A_148], %gather3A_311 : memref<64x130xf32, #tpu.memory_space<vmem>>[vector<16xi32>, vector<16xi32>], vector<16xf32>,
          %scan3A_312 = arith.constant 12 : i32
          %scan3A_313 = arith.addi %scan3A_159, %scan3A_312 : i32
          %mul3A_314 = arith.constant 1 : i32
          %mul3A_315 = arith.muli %scan3A_313, %mul3A_314 : i32
          %add3A_316 = arith.constant 0 : i32
          %add3A_317 = arith.addi %add3A_316, %mul3A_315 : i32
          %add3A_318 = vector.broadcast %add3A_317 : i32 to vector<16xi32>
          %add3A_319 = arith.addi %add3A_148, %add3A_318 : vector<16xi32>
          %and3A_320 = arith.constant 63 : i32
          %and3A_321 = vector.broadcast %and3A_320 : i32 to vector<16xi32>
          %and3A_322 = arith.andi %add3A_319, %and3A_321 : vector<16xi32>
          %add3A_323 = arith.addi %get3A_153, %and3A_322 : vector<16xi32>
          %gather3A_324 = tpu.vector_load_idx %arg8[%add3A_148, %add3A_323] : memref<128x128xf32, #tpu.memory_space<vmem>>[vector<16xi32>, vector<16xi32>], vector<16xf32>,
          tpu.vector_store_idx %arg10[%and3A_322, %add3A_148], %gather3A_324 : memref<64x130xf32, #tpu.memory_space<vmem>>[vector<16xi32>, vector<16xi32>], vector<16xf32>,
          %scan3A_325 = arith.constant 13 : i32
          %scan3A_326 = arith.addi %scan3A_159, %scan3A_325 : i32
          %mul3A_327 = arith.constant 1 : i32
          %mul3A_328 = arith.muli %scan3A_326, %mul3A_327 : i32
          %add3A_329 = arith.constant 0 : i32
          %add3A_330 = arith.addi %add3A_329, %mul3A_328 : i32
          %add3A_331 = vector.broadcast %add3A_330 : i32 to vector<16xi32>
          %add3A_332 = arith.addi %add3A_148, %add3A_331 : vector<16xi32>
          %and3A_333 = arith.constant 63 : i32
          %and3A_334 = vector.broadcast %and3A_333 : i32 to vector<16xi32>
          %and3A_335 = arith.andi %add3A_332, %and3A_334 : vector<16xi32>
          %add3A_336 = arith.addi %get3A_153, %and3A_335 : vector<16xi32>
          %gather3A_337 = tpu.vector_load_idx %arg8[%add3A_148, %add3A_336] : memref<128x128xf32, #tpu.memory_space<vmem>>[vector<16xi32>, vector<16xi32>], vector<16xf32>,
          tpu.vector_store_idx %arg10[%and3A_335, %add3A_148], %gather3A_337 : memref<64x130xf32, #tpu.memory_space<vmem>>[vector<16xi32>, vector<16xi32>], vector<16xf32>,
          %scan3A_338 = arith.constant 14 : i32
          %scan3A_339 = arith.addi %scan3A_159, %scan3A_338 : i32
          %mul3A_340 = arith.constant 1 : i32
          %mul3A_341 = arith.muli %scan3A_339, %mul3A_340 : i32
          %add3A_342 = arith.constant 0 : i32
          %add3A_343 = arith.addi %add3A_342, %mul3A_341 : i32
          %add3A_344 = vector.broadcast %add3A_343 : i32 to vector<16xi32>
          %add3A_345 = arith.addi %add3A_148, %add3A_344 : vector<16xi32>
          %and3A_346 = arith.constant 63 : i32
          %and3A_347 = vector.broadcast %and3A_346 : i32 to vector<16xi32>
          %and3A_348 = arith.andi %add3A_345, %and3A_347 : vector<16xi32>
          %add3A_349 = arith.addi %get3A_153, %and3A_348 : vector<16xi32>
          %gather3A_350 = tpu.vector_load_idx %arg8[%add3A_148, %add3A_349] : memref<128x128xf32, #tpu.memory_space<vmem>>[vector<16xi32>, vector<16xi32>], vector<16xf32>,
          tpu.vector_store_idx %arg10[%and3A_348, %add3A_148], %gather3A_350 : memref<64x130xf32, #tpu.memory_space<vmem>>[vector<16xi32>, vector<16xi32>], vector<16xf32>,
          %scan3A_351 = arith.constant 15 : i32
          %scan3A_352 = arith.addi %scan3A_159, %scan3A_351 : i32
          %mul3A_353 = arith.constant 1 : i32
          %mul3A_354 = arith.muli %scan3A_352, %mul3A_353 : i32
          %add3A_355 = arith.constant 0 : i32
          %add3A_356 = arith.addi %add3A_355, %mul3A_354 : i32
          %add3A_357 = vector.broadcast %add3A_356 : i32 to vector<16xi32>
          %add3A_358 = arith.addi %add3A_148, %add3A_357 : vector<16xi32>
          %and3A_359 = arith.constant 63 : i32
          %and3A_360 = vector.broadcast %and3A_359 : i32 to vector<16xi32>
          %and3A_361 = arith.andi %add3A_358, %and3A_360 : vector<16xi32>
          %add3A_362 = arith.addi %get3A_153, %and3A_361 : vector<16xi32>
          %gather3A_363 = tpu.vector_load_idx %arg8[%add3A_148, %add3A_362] : memref<128x128xf32, #tpu.memory_space<vmem>>[vector<16xi32>, vector<16xi32>], vector<16xf32>,
          tpu.vector_store_idx %arg10[%and3A_361, %add3A_148], %gather3A_363 : memref<64x130xf32, #tpu.memory_space<vmem>>[vector<16xi32>, vector<16xi32>], vector<16xf32>,
          %scan3A_364 = arith.constant 16 : i32
          %scan3A_365 = arith.addi %scan3A_159, %scan3A_364 : i32
          %mul3A_366 = arith.constant 1 : i32
          %mul3A_367 = arith.muli %scan3A_365, %mul3A_366 : i32
          %add3A_368 = arith.constant 0 : i32
          %add3A_369 = arith.addi %add3A_368, %mul3A_367 : i32
          %add3A_370 = vector.broadcast %add3A_369 : i32 to vector<16xi32>
          %add3A_371 = arith.addi %add3A_148, %add3A_370 : vector<16xi32>
          %and3A_372 = arith.constant 63 : i32
          %and3A_373 = vector.broadcast %and3A_372 : i32 to vector<16xi32>
          %and3A_374 = arith.andi %add3A_371, %and3A_373 : vector<16xi32>
          %add3A_375 = arith.addi %get3A_153, %and3A_374 : vector<16xi32>
          %gather3A_376 = tpu.vector_load_idx %arg8[%add3A_148, %add3A_375] : memref<128x128xf32, #tpu.memory_space<vmem>>[vector<16xi32>, vector<16xi32>], vector<16xf32>,
          tpu.vector_store_idx %arg10[%and3A_374, %add3A_148], %gather3A_376 : memref<64x130xf32, #tpu.memory_space<vmem>>[vector<16xi32>, vector<16xi32>], vector<16xf32>,
          %scan3A_377 = arith.constant 17 : i32
          %scan3A_378 = arith.addi %scan3A_159, %scan3A_377 : i32
          %mul3A_379 = arith.constant 1 : i32
          %mul3A_380 = arith.muli %scan3A_378, %mul3A_379 : i32
          %add3A_381 = arith.constant 0 : i32
          %add3A_382 = arith.addi %add3A_381, %mul3A_380 : i32
          %add3A_383 = vector.broadcast %add3A_382 : i32 to vector<16xi32>
          %add3A_384 = arith.addi %add3A_148, %add3A_383 : vector<16xi32>
          %and3A_385 = arith.constant 63 : i32
          %and3A_386 = vector.broadcast %and3A_385 : i32 to vector<16xi32>
          %and3A_387 = arith.andi %add3A_384, %and3A_386 : vector<16xi32>
          %add3A_388 = arith.addi %get3A_153, %and3A_387 : vector<16xi32>
          %gather3A_389 = tpu.vector_load_idx %arg8[%add3A_148, %add3A_388] : memref<128x128xf32, #tpu.memory_space<vmem>>[vector<16xi32>, vector<16xi32>], vector<16xf32>,
          tpu.vector_store_idx %arg10[%and3A_387, %add3A_148], %gather3A_389 : memref<64x130xf32, #tpu.memory_space<vmem>>[vector<16xi32>, vector<16xi32>], vector<16xf32>,
          %scan3A_390 = arith.constant 18 : i32
          %scan3A_391 = arith.addi %scan3A_159, %scan3A_390 : i32
          %mul3A_392 = arith.constant 1 : i32
          %mul3A_393 = arith.muli %scan3A_391, %mul3A_392 : i32
          %add3A_394 = arith.constant 0 : i32
          %add3A_395 = arith.addi %add3A_394, %mul3A_393 : i32
          %add3A_396 = vector.broadcast %add3A_395 : i32 to vector<16xi32>
          %add3A_397 = arith.addi %add3A_148, %add3A_396 : vector<16xi32>
          %and3A_398 = arith.constant 63 : i32
          %and3A_399 = vector.broadcast %and3A_398 : i32 to vector<16xi32>
          %and3A_400 = arith.andi %add3A_397, %and3A_399 : vector<16xi32>
          %add3A_401 = arith.addi %get3A_153, %and3A_400 : vector<16xi32>
          %gather3A_402 = tpu.vector_load_idx %arg8[%add3A_148, %add3A_401] : memref<128x128xf32, #tpu.memory_space<vmem>>[vector<16xi32>, vector<16xi32>], vector<16xf32>,
          tpu.vector_store_idx %arg10[%and3A_400, %add3A_148], %gather3A_402 : memref<64x130xf32, #tpu.memory_space<vmem>>[vector<16xi32>, vector<16xi32>], vector<16xf32>,
          %scan3A_403 = arith.constant 19 : i32
          %scan3A_404 = arith.addi %scan3A_159, %scan3A_403 : i32
          %mul3A_405 = arith.constant 1 : i32
          %mul3A_406 = arith.muli %scan3A_404, %mul3A_405 : i32
          %add3A_407 = arith.constant 0 : i32
          %add3A_408 = arith.addi %add3A_407, %mul3A_406 : i32
          %add3A_409 = vector.broadcast %add3A_408 : i32 to vector<16xi32>
          %add3A_410 = arith.addi %add3A_148, %add3A_409 : vector<16xi32>
          %and3A_411 = arith.constant 63 : i32
          %and3A_412 = vector.broadcast %and3A_411 : i32 to vector<16xi32>
          %and3A_413 = arith.andi %add3A_410, %and3A_412 : vector<16xi32>
          %add3A_414 = arith.addi %get3A_153, %and3A_413 : vector<16xi32>
          %gather3A_415 = tpu.vector_load_idx %arg8[%add3A_148, %add3A_414] : memref<128x128xf32, #tpu.memory_space<vmem>>[vector<16xi32>, vector<16xi32>], vector<16xf32>,
          tpu.vector_store_idx %arg10[%and3A_413, %add3A_148], %gather3A_415 : memref<64x130xf32, #tpu.memory_space<vmem>>[vector<16xi32>, vector<16xi32>], vector<16xf32>,
          %scan3A_416 = arith.constant 20 : i32
          %scan3A_417 = arith.addi %scan3A_159, %scan3A_416 : i32
          %mul3A_418 = arith.constant 1 : i32
          %mul3A_419 = arith.muli %scan3A_417, %mul3A_418 : i32
          %add3A_420 = arith.constant 0 : i32
          %add3A_421 = arith.addi %add3A_420, %mul3A_419 : i32
          %add3A_422 = vector.broadcast %add3A_421 : i32 to vector<16xi32>
          %add3A_423 = arith.addi %add3A_148, %add3A_422 : vector<16xi32>
          %and3A_424 = arith.constant 63 : i32
          %and3A_425 = vector.broadcast %and3A_424 : i32 to vector<16xi32>
          %and3A_426 = arith.andi %add3A_423, %and3A_425 : vector<16xi32>
          %add3A_427 = arith.addi %get3A_153, %and3A_426 : vector<16xi32>
          %gather3A_428 = tpu.vector_load_idx %arg8[%add3A_148, %add3A_427] : memref<128x128xf32, #tpu.memory_space<vmem>>[vector<16xi32>, vector<16xi32>], vector<16xf32>,
          tpu.vector_store_idx %arg10[%and3A_426, %add3A_148], %gather3A_428 : memref<64x130xf32, #tpu.memory_space<vmem>>[vector<16xi32>, vector<16xi32>], vector<16xf32>,
          %scan3A_429 = arith.constant 21 : i32
          %scan3A_430 = arith.addi %scan3A_159, %scan3A_429 : i32
          %mul3A_431 = arith.constant 1 : i32
          %mul3A_432 = arith.muli %scan3A_430, %mul3A_431 : i32
          %add3A_433 = arith.constant 0 : i32
          %add3A_434 = arith.addi %add3A_433, %mul3A_432 : i32
          %add3A_435 = vector.broadcast %add3A_434 : i32 to vector<16xi32>
          %add3A_436 = arith.addi %add3A_148, %add3A_435 : vector<16xi32>
          %and3A_437 = arith.constant 63 : i32
          %and3A_438 = vector.broadcast %and3A_437 : i32 to vector<16xi32>
          %and3A_439 = arith.andi %add3A_436, %and3A_438 : vector<16xi32>
          %add3A_440 = arith.addi %get3A_153, %and3A_439 : vector<16xi32>
          %gather3A_441 = tpu.vector_load_idx %arg8[%add3A_148, %add3A_440] : memref<128x128xf32, #tpu.memory_space<vmem>>[vector<16xi32>, vector<16xi32>], vector<16xf32>,
          tpu.vector_store_idx %arg10[%and3A_439, %add3A_148], %gather3A_441 : memref<64x130xf32, #tpu.memory_space<vmem>>[vector<16xi32>, vector<16xi32>], vector<16xf32>,
          %scan3A_442 = arith.constant 22 : i32
          %scan3A_443 = arith.addi %scan3A_159, %scan3A_442 : i32
          %mul3A_444 = arith.constant 1 : i32
          %mul3A_445 = arith.muli %scan3A_443, %mul3A_444 : i32
          %add3A_446 = arith.constant 0 : i32
          %add3A_447 = arith.addi %add3A_446, %mul3A_445 : i32
          %add3A_448 = vector.broadcast %add3A_447 : i32 to vector<16xi32>
          %add3A_449 = arith.addi %add3A_148, %add3A_448 : vector<16xi32>
          %and3A_450 = arith.constant 63 : i32
          %and3A_451 = vector.broadcast %and3A_450 : i32 to vector<16xi32>
          %and3A_452 = arith.andi %add3A_449, %and3A_451 : vector<16xi32>
          %add3A_453 = arith.addi %get3A_153, %and3A_452 : vector<16xi32>
          %gather3A_454 = tpu.vector_load_idx %arg8[%add3A_148, %add3A_453] : memref<128x128xf32, #tpu.memory_space<vmem>>[vector<16xi32>, vector<16xi32>], vector<16xf32>,
          tpu.vector_store_idx %arg10[%and3A_452, %add3A_148], %gather3A_454 : memref<64x130xf32, #tpu.memory_space<vmem>>[vector<16xi32>, vector<16xi32>], vector<16xf32>,
          %scan3A_455 = arith.constant 23 : i32
          %scan3A_456 = arith.addi %scan3A_159, %scan3A_455 : i32
          %mul3A_457 = arith.constant 1 : i32
          %mul3A_458 = arith.muli %scan3A_456, %mul3A_457 : i32
          %add3A_459 = arith.constant 0 : i32
          %add3A_460 = arith.addi %add3A_459, %mul3A_458 : i32
          %add3A_461 = vector.broadcast %add3A_460 : i32 to vector<16xi32>
          %add3A_462 = arith.addi %add3A_148, %add3A_461 : vector<16xi32>
          %and3A_463 = arith.constant 63 : i32
          %and3A_464 = vector.broadcast %and3A_463 : i32 to vector<16xi32>
          %and3A_465 = arith.andi %add3A_462, %and3A_464 : vector<16xi32>
          %add3A_466 = arith.addi %get3A_153, %and3A_465 : vector<16xi32>
          %gather3A_467 = tpu.vector_load_idx %arg8[%add3A_148, %add3A_466] : memref<128x128xf32, #tpu.memory_space<vmem>>[vector<16xi32>, vector<16xi32>], vector<16xf32>,
          tpu.vector_store_idx %arg10[%and3A_465, %add3A_148], %gather3A_467 : memref<64x130xf32, #tpu.memory_space<vmem>>[vector<16xi32>, vector<16xi32>], vector<16xf32>,
          %scan3A_468 = arith.constant 24 : i32
          %scan3A_469 = arith.addi %scan3A_159, %scan3A_468 : i32
          %mul3A_470 = arith.constant 1 : i32
          %mul3A_471 = arith.muli %scan3A_469, %mul3A_470 : i32
          %add3A_472 = arith.constant 0 : i32
          %add3A_473 = arith.addi %add3A_472, %mul3A_471 : i32
          %add3A_474 = vector.broadcast %add3A_473 : i32 to vector<16xi32>
          %add3A_475 = arith.addi %add3A_148, %add3A_474 : vector<16xi32>
          %and3A_476 = arith.constant 63 : i32
          %and3A_477 = vector.broadcast %and3A_476 : i32 to vector<16xi32>
          %and3A_478 = arith.andi %add3A_475, %and3A_477 : vector<16xi32>
          %add3A_479 = arith.addi %get3A_153, %and3A_478 : vector<16xi32>
          %gather3A_480 = tpu.vector_load_idx %arg8[%add3A_148, %add3A_479] : memref<128x128xf32, #tpu.memory_space<vmem>>[vector<16xi32>, vector<16xi32>], vector<16xf32>,
          tpu.vector_store_idx %arg10[%and3A_478, %add3A_148], %gather3A_480 : memref<64x130xf32, #tpu.memory_space<vmem>>[vector<16xi32>, vector<16xi32>], vector<16xf32>,
          %scan3A_481 = arith.constant 25 : i32
          %scan3A_482 = arith.addi %scan3A_159, %scan3A_481 : i32
          %mul3A_483 = arith.constant 1 : i32
          %mul3A_484 = arith.muli %scan3A_482, %mul3A_483 : i32
          %add3A_485 = arith.constant 0 : i32
          %add3A_486 = arith.addi %add3A_485, %mul3A_484 : i32
          %add3A_487 = vector.broadcast %add3A_486 : i32 to vector<16xi32>
          %add3A_488 = arith.addi %add3A_148, %add3A_487 : vector<16xi32>
          %and3A_489 = arith.constant 63 : i32
          %and3A_490 = vector.broadcast %and3A_489 : i32 to vector<16xi32>
          %and3A_491 = arith.andi %add3A_488, %and3A_490 : vector<16xi32>
          %add3A_492 = arith.addi %get3A_153, %and3A_491 : vector<16xi32>
          %gather3A_493 = tpu.vector_load_idx %arg8[%add3A_148, %add3A_492] : memref<128x128xf32, #tpu.memory_space<vmem>>[vector<16xi32>, vector<16xi32>], vector<16xf32>,
          tpu.vector_store_idx %arg10[%and3A_491, %add3A_148], %gather3A_493 : memref<64x130xf32, #tpu.memory_space<vmem>>[vector<16xi32>, vector<16xi32>], vector<16xf32>,
          %scan3A_494 = arith.constant 26 : i32
          %scan3A_495 = arith.addi %scan3A_159, %scan3A_494 : i32
          %mul3A_496 = arith.constant 1 : i32
          %mul3A_497 = arith.muli %scan3A_495, %mul3A_496 : i32
          %add3A_498 = arith.constant 0 : i32
          %add3A_499 = arith.addi %add3A_498, %mul3A_497 : i32
          %add3A_500 = vector.broadcast %add3A_499 : i32 to vector<16xi32>
          %add3A_501 = arith.addi %add3A_148, %add3A_500 : vector<16xi32>
          %and3A_502 = arith.constant 63 : i32
          %and3A_503 = vector.broadcast %and3A_502 : i32 to vector<16xi32>
          %and3A_504 = arith.andi %add3A_501, %and3A_503 : vector<16xi32>
          %add3A_505 = arith.addi %get3A_153, %and3A_504 : vector<16xi32>
          %gather3A_506 = tpu.vector_load_idx %arg8[%add3A_148, %add3A_505] : memref<128x128xf32, #tpu.memory_space<vmem>>[vector<16xi32>, vector<16xi32>], vector<16xf32>,
          tpu.vector_store_idx %arg10[%and3A_504, %add3A_148], %gather3A_506 : memref<64x130xf32, #tpu.memory_space<vmem>>[vector<16xi32>, vector<16xi32>], vector<16xf32>,
          %scan3A_507 = arith.constant 27 : i32
          %scan3A_508 = arith.addi %scan3A_159, %scan3A_507 : i32
          %mul3A_509 = arith.constant 1 : i32
          %mul3A_510 = arith.muli %scan3A_508, %mul3A_509 : i32
          %add3A_511 = arith.constant 0 : i32
          %add3A_512 = arith.addi %add3A_511, %mul3A_510 : i32
          %add3A_513 = vector.broadcast %add3A_512 : i32 to vector<16xi32>
          %add3A_514 = arith.addi %add3A_148, %add3A_513 : vector<16xi32>
          %and3A_515 = arith.constant 63 : i32
          %and3A_516 = vector.broadcast %and3A_515 : i32 to vector<16xi32>
          %and3A_517 = arith.andi %add3A_514, %and3A_516 : vector<16xi32>
          %add3A_518 = arith.addi %get3A_153, %and3A_517 : vector<16xi32>
          %gather3A_519 = tpu.vector_load_idx %arg8[%add3A_148, %add3A_518] : memref<128x128xf32, #tpu.memory_space<vmem>>[vector<16xi32>, vector<16xi32>], vector<16xf32>,
          tpu.vector_store_idx %arg10[%and3A_517, %add3A_148], %gather3A_519 : memref<64x130xf32, #tpu.memory_space<vmem>>[vector<16xi32>, vector<16xi32>], vector<16xf32>,
          %scan3A_520 = arith.constant 28 : i32
          %scan3A_521 = arith.addi %scan3A_159, %scan3A_520 : i32
          %mul3A_522 = arith.constant 1 : i32
          %mul3A_523 = arith.muli %scan3A_521, %mul3A_522 : i32
          %add3A_524 = arith.constant 0 : i32
          %add3A_525 = arith.addi %add3A_524, %mul3A_523 : i32
          %add3A_526 = vector.broadcast %add3A_525 : i32 to vector<16xi32>
          %add3A_527 = arith.addi %add3A_148, %add3A_526 : vector<16xi32>
          %and3A_528 = arith.constant 63 : i32
          %and3A_529 = vector.broadcast %and3A_528 : i32 to vector<16xi32>
          %and3A_530 = arith.andi %add3A_527, %and3A_529 : vector<16xi32>
          %add3A_531 = arith.addi %get3A_153, %and3A_530 : vector<16xi32>
          %gather3A_532 = tpu.vector_load_idx %arg8[%add3A_148, %add3A_531] : memref<128x128xf32, #tpu.memory_space<vmem>>[vector<16xi32>, vector<16xi32>], vector<16xf32>,
          tpu.vector_store_idx %arg10[%and3A_530, %add3A_148], %gather3A_532 : memref<64x130xf32, #tpu.memory_space<vmem>>[vector<16xi32>, vector<16xi32>], vector<16xf32>,
          %scan3A_533 = arith.constant 29 : i32
          %scan3A_534 = arith.addi %scan3A_159, %scan3A_533 : i32
          %mul3A_535 = arith.constant 1 : i32
          %mul3A_536 = arith.muli %scan3A_534, %mul3A_535 : i32
          %add3A_537 = arith.constant 0 : i32
          %add3A_538 = arith.addi %add3A_537, %mul3A_536 : i32
          %add3A_539 = vector.broadcast %add3A_538 : i32 to vector<16xi32>
          %add3A_540 = arith.addi %add3A_148, %add3A_539 : vector<16xi32>
          %and3A_541 = arith.constant 63 : i32
          %and3A_542 = vector.broadcast %and3A_541 : i32 to vector<16xi32>
          %and3A_543 = arith.andi %add3A_540, %and3A_542 : vector<16xi32>
          %add3A_544 = arith.addi %get3A_153, %and3A_543 : vector<16xi32>
          %gather3A_545 = tpu.vector_load_idx %arg8[%add3A_148, %add3A_544] : memref<128x128xf32, #tpu.memory_space<vmem>>[vector<16xi32>, vector<16xi32>], vector<16xf32>,
          tpu.vector_store_idx %arg10[%and3A_543, %add3A_148], %gather3A_545 : memref<64x130xf32, #tpu.memory_space<vmem>>[vector<16xi32>, vector<16xi32>], vector<16xf32>,
          %scan3A_546 = arith.constant 30 : i32
          %scan3A_547 = arith.addi %scan3A_159, %scan3A_546 : i32
          %mul3A_548 = arith.constant 1 : i32
          %mul3A_549 = arith.muli %scan3A_547, %mul3A_548 : i32
          %add3A_550 = arith.constant 0 : i32
          %add3A_551 = arith.addi %add3A_550, %mul3A_549 : i32
          %add3A_552 = vector.broadcast %add3A_551 : i32 to vector<16xi32>
          %add3A_553 = arith.addi %add3A_148, %add3A_552 : vector<16xi32>
          %and3A_554 = arith.constant 63 : i32
          %and3A_555 = vector.broadcast %and3A_554 : i32 to vector<16xi32>
          %and3A_556 = arith.andi %add3A_553, %and3A_555 : vector<16xi32>
          %add3A_557 = arith.addi %get3A_153, %and3A_556 : vector<16xi32>
          %gather3A_558 = tpu.vector_load_idx %arg8[%add3A_148, %add3A_557] : memref<128x128xf32, #tpu.memory_space<vmem>>[vector<16xi32>, vector<16xi32>], vector<16xf32>,
          tpu.vector_store_idx %arg10[%and3A_556, %add3A_148], %gather3A_558 : memref<64x130xf32, #tpu.memory_space<vmem>>[vector<16xi32>, vector<16xi32>], vector<16xf32>,
          %scan3A_559 = arith.constant 31 : i32
          %scan3A_560 = arith.addi %scan3A_159, %scan3A_559 : i32
          %mul3A_561 = arith.constant 1 : i32
          %mul3A_562 = arith.muli %scan3A_560, %mul3A_561 : i32
          %add3A_563 = arith.constant 0 : i32
          %add3A_564 = arith.addi %add3A_563, %mul3A_562 : i32
          %add3A_565 = vector.broadcast %add3A_564 : i32 to vector<16xi32>
          %add3A_566 = arith.addi %add3A_148, %add3A_565 : vector<16xi32>
          %and3A_567 = arith.constant 63 : i32
          %and3A_568 = vector.broadcast %and3A_567 : i32 to vector<16xi32>
          %and3A_569 = arith.andi %add3A_566, %and3A_568 : vector<16xi32>
          %add3A_570 = arith.addi %get3A_153, %and3A_569 : vector<16xi32>
          %gather3A_571 = tpu.vector_load_idx %arg8[%add3A_148, %add3A_570] : memref<128x128xf32, #tpu.memory_space<vmem>>[vector<16xi32>, vector<16xi32>], vector<16xf32>,
          tpu.vector_store_idx %arg10[%and3A_569, %add3A_148], %gather3A_571 : memref<64x130xf32, #tpu.memory_space<vmem>>[vector<16xi32>, vector<16xi32>], vector<16xf32>,
        }
        %scan3A_158 = arith.constant 64 : i32
      }
      %scan3A_108 = arith.constant 8 : i32
      %dma_start3A_109 = arith.constant 0 : i32
      %dma_start3A_110 = arith.constant 0 : i32
      %dma_start3A_111 = tpu.memref_slice %arg10[%dma_start3A_109, %dma_start3A_110] : memref<64x130xf32, #tpu.memory_space<vmem>> -> memref<64x128xf32, #tpu.memory_space<vmem>>
      %dma_start3A_112 = arith.constant 0 : i32
      %dma_start3A_113 = tpu.memref_slice %arg4[%add3A_53, %dma_start3A_112, %mul3A_2] : memref<200x64x4096xf32, #tpu.memory_space<hbm>> -> memref<1x64x128xf32, #tpu.memory_space<hbm>>
      %dma_start3A_114 = tpu.memref_squeeze %dma_start3A_113 : memref<1x64x128xf32, #tpu.memory_space<hbm>> -> memref<64x128xf32, #tpu.memory_space<hbm>>
      %dma_start3A_115 = arith.constant 0 : i32
      %dma_start3A_116 = tpu.memref_slice %arg4[%add3A_53, %dma_start3A_115, %mul3A_2] : memref<200x64x4096xf32, #tpu.memory_space<hbm>> -> memref<1x64x128xf32, #tpu.memory_space<hbm>>
      %dma_start3A_117 = tpu.memref_squeeze %dma_start3A_116 : memref<1x64x128xf32, #tpu.memory_space<hbm>> -> memref<64x128xf32, #tpu.memory_space<hbm>>
      %dma_start3A_118 = arith.constant 0 : i32
      %dma_start3A_119 = arith.constant 0 : i32
      %dma_start3A_120 = tpu.memref_slice %arg10[%dma_start3A_118, %dma_start3A_119] : memref<64x130xf32, #tpu.memory_space<vmem>> -> memref<64x128xf32, #tpu.memory_space<vmem>>
      tpu.enqueue_dma source(%dma_start3A_120 : memref<64x128xf32, #tpu.memory_space<vmem>>) target(%dma_start3A_117 : memref<64x128xf32, #tpu.memory_space<hbm>>) target_semaphore(%arg14 : memref<!tpu.dma_semaphore, #tpu.memory_space<semaphore_mem>>)
    }
    %scan3A_17 = arith.constant 100 : i32
    %dma_wait3A = arith.constant 0 : i32
    %dma_wait3A_18 = arith.constant 0 : i32
    %dma_wait3A_19 = arith.constant 0 : i32
    %dma_wait3A_20 = tpu.memref_slice %arg9[%dma_wait3A_18, %dma_wait3A_19] : memref<64x130xf32, #tpu.memory_space<vmem>> -> memref<64x128xf32, #tpu.memory_space<vmem>>
    %dma_wait3A_21 = arith.constant 0 : i32
    %dma_wait3A_22 = tpu.memref_slice %arg4[%dma_wait3A, %dma_wait3A_21, %mul3A_2] : memref<200x64x4096xf32, #tpu.memory_space<hbm>> -> memref<1x64x128xf32, #tpu.memory_space<hbm>>
    %dma_wait3A_23 = tpu.memref_squeeze %dma_wait3A_22 : memref<1x64x128xf32, #tpu.memory_space<hbm>> -> memref<64x128xf32, #tpu.memory_space<hbm>>
    %dma_wait3A_24 = arith.constant 0 : i32
    %dma_wait3A_25 = tpu.memref_slice %arg4[%dma_wait3A, %dma_wait3A_24, %mul3A_2] : memref<200x64x4096xf32, #tpu.memory_space<hbm>> -> memref<1x64x128xf32, #tpu.memory_space<hbm>>
    %dma_wait3A_26 = tpu.memref_squeeze %dma_wait3A_25 : memref<1x64x128xf32, #tpu.memory_space<hbm>> -> memref<64x128xf32, #tpu.memory_space<hbm>>
    %dma_wait3A_27 = arith.constant 0 : i32
    %dma_wait3A_28 = arith.constant 0 : i32
    %dma_wait3A_29 = tpu.memref_slice %arg9[%dma_wait3A_27, %dma_wait3A_28] : memref<64x130xf32, #tpu.memory_space<vmem>> -> memref<64x128xf32, #tpu.memory_space<vmem>>
    tpu.wait_dma2 semaphore(%arg13 : memref<!tpu.dma_semaphore, #tpu.memory_space<semaphore_mem>>) src(%dma_wait3A_29 : memref<64x128xf32, #tpu.memory_space<vmem>>) dst(%dma_wait3A_26 : memref<64x128xf32, #tpu.memory_space<hbm>>)
    %dma_wait3A_30 = arith.constant 0 : i32
    %dma_wait3A_31 = arith.constant 0 : i32
    %dma_wait3A_32 = arith.constant 0 : i32
    %dma_wait3A_33 = tpu.memref_slice %arg10[%dma_wait3A_31, %dma_wait3A_32] : memref<64x130xf32, #tpu.memory_space<vmem>> -> memref<64x128xf32, #tpu.memory_space<vmem>>
    %dma_wait3A_34 = arith.constant 0 : i32
    %dma_wait3A_35 = tpu.memref_slice %arg4[%dma_wait3A_30, %dma_wait3A_34, %mul3A_2] : memref<200x64x4096xf32, #tpu.memory_space<hbm>> -> memref<1x64x128xf32, #tpu.memory_space<hbm>>
    %dma_wait3A_36 = tpu.memref_squeeze %dma_wait3A_35 : memref<1x64x128xf32, #tpu.memory_space<hbm>> -> memref<64x128xf32, #tpu.memory_space<hbm>>
    %dma_wait3A_37 = arith.constant 0 : i32
    %dma_wait3A_38 = tpu.memref_slice %arg4[%dma_wait3A_30, %dma_wait3A_37, %mul3A_2] : memref<200x64x4096xf32, #tpu.memory_space<hbm>> -> memref<1x64x128xf32, #tpu.memory_space<hbm>>
    %dma_wait3A_39 = tpu.memref_squeeze %dma_wait3A_38 : memref<1x64x128xf32, #tpu.memory_space<hbm>> -> memref<64x128xf32, #tpu.memory_space<hbm>>
    %dma_wait3A_40 = arith.constant 0 : i32
    %dma_wait3A_41 = arith.constant 0 : i32
    %dma_wait3A_42 = tpu.memref_slice %arg10[%dma_wait3A_40, %dma_wait3A_41] : memref<64x130xf32, #tpu.memory_space<vmem>> -> memref<64x128xf32, #tpu.memory_space<vmem>>
    tpu.wait_dma2 semaphore(%arg14 : memref<!tpu.dma_semaphore, #tpu.memory_space<semaphore_mem>>) src(%dma_wait3A_42 : memref<64x128xf32, #tpu.memory_space<vmem>>) dst(%dma_wait3A_39 : memref<64x128xf32, #tpu.memory_space<hbm>>)
    return
  }
}

</mosaic_0001>

<sc_bundles>
// kernel: kernel.3.cloned.1.call-start
scs
__scs_entry_jumppad:
0x0: {  	(pc) =	sbr.rel $0x88, $3  }
0x1: {  	(tag) =	ssettag $0x0;
	lr =	simm.s32 $0x1  }
0x2: {  	[smem:$0x3F9F] =	sst lr;
	_ =	strace $0xD0000000  }
0x3: {  	_ = 	snop  }
0x4: {  	_ = 	snop  }
0x5: {  	_ = 	snop  }
0x6: {  	_ = 	snop  }
0x7: {  	_ = 	snop  }
__scs_overlays_trampoline_lowered:
0x8: {  	[smem:$0x3FAE] =	sst s0  }
0x9: {  	[smem:$0x3FAF] =	sst s1  }
0xa: {  	[smem:$0x3FB0] =	sst s2  }
0xb: {  	[smem:$0x3FB1] =	sst s3  }
0xc: {  	[smem:$0x3FB2] =	sst s4  }
0xd: {  	[smem:$0x3FB3] =	sst s5  }
0xe: {  	[smem:$0x3FB4] =	sst s6  }
0xf: {  	[smem:$0x3FB5] =	sst s7  }
0x10: {  	[smem:$0x3FB6] =	sst s8  }
0x11: {  	[smem:$0x3FB7] =	sst s9;
	s0 =	simm.s32 @!p0 $0x0  }
0x12: {  	s1 =	sld [smem:$0x3F9D];
	s0 =	simm.s32 @p0 $0x1  }
0x13: {  	[smem:$0x3FB8] =	sst s0;
	s0 =	simm.s32 @!p1 $0x0  }
0x14: {  	s2 =	sld [smem:$0x3F9C];
	s0 =	simm.s32 @p1 $0x1  }
0x15: {  	[smem:$0x3FB9] =	sst s0;
	s0 =	simm.s32 @!p2 $0x0  }
0x16: {  	s3 =	sld [smem:$0x3FDB];
	s0 =	simm.s32 @p2 $0x1  }
0x17: {  	s4 =	simm.s32 $0x1BF5;
	[smem:$0x3FBB] =	sst s0  }
0x18: {  	s0 =	sld [smem:$0x3F9E];
	_ =	swait.ge [sflag:s4], $0x0  }
0x19: {  	s7 =	sld [smem:$0x3F9F]  }
0x1a: {  	s8 =	sadd.s32 $0xFFFFE003, lr  }
0x1b: {  	s9 =	sadd.s32 $0xFFFFFEF7, lr;
	s5 =	simm.s32 $0xFFFFFFFF;
	p2 =	slt.u32 s8, $0xFFFFF086  }
0x1c: {  	p1 =	slt.u32 s9, $0xF7A;
	s5 =	simm.s32 @!p2 $0x0  }
0x1d: {  	s5 =	simm.s32 @p1 $0x1;
	p0 =	seq.s32 s7, s2  }
0x1e: {  	s7 =	smul.u32 @!p0 $0xF7A, s2;
	p2 =	seq.s32 @!p0 s5, $0x0  }
0x1f: {  	s9 =	smul.u32 $0xF7A, s1;
	s8 =	simm.s32 @!p0 $0x1BF5;
	p2 =	por !p2, p0  }
0x20: {  	[sflag:s8] =	ssyncset.s32 @!p0 $0xFFFFF086;
	s6 =	sadd.s32 @!p0 s3, s7;
	s7 =	simm.s32 @!p0 $0x108  }
0x21: {  	s3 =	sadd.s32 s3, s9;
	s6 =	sadd.s32 @!p0 $0x88, s6;
	s7 =	simm.s32 @p2 $0x1082  }
0x22: {  	[simem:s7], [sflag:s8] =	dma.local @!p0 [hbm:s6], $0xF7A  }
0x23: {  	s9 =	sor.u32 $0xD0000000, s2;
	s6 =	simm.s32 $0x108;
	_ =	swait.ge @!p0 [sflag:s8], $0x0  }
0x24: {  	s3 =	sadd.s32 $0x88, s3;
	s6 =	simm.s32 @!p1 $0x1082;
	[sflag:s4] =	ssyncset.s32 $0xFFFFF086  }
0x25: {  	[simem:s6], [sflag:s4] =	dma.local [hbm:s3], $0xF7A  }
0x26: {  	[smem:$0x3F9F] =	sst s1;
	(tag) =	ssettag s2;
	_ =	strace s9  }
0x27: {  	s1 =	sld [smem:$0x3FAF]  }
0x28: {  	s2 =	sld [smem:$0x3FB0]  }
0x29: {  	s4 =	sld [smem:$0x3FB2]  }
0x2a: {  	p0 =	seq.s32 s5, $0x0;
	s5 =	sld [smem:$0x3FB3]  }
0x2b: {  	s6 =	sld [smem:$0x3FB4]  }
0x2c: {  	s7 =	sld [smem:$0x3FB5]  }
0x2d: {  	s3 =	simm.s32 $0x108;
	s8 =	sld [smem:$0x3FB6]  }
0x2e: {  	s3 =	simm.s32 @!p0 $0x1082;
	s9 =	sld [smem:$0x3FB7]  }
0x2f: {  	lr =	sadd.s32 s0, s3;
	s0 =	sld [smem:$0x3FAE]  }
0x30: {  	s3 =	sld [smem:$0x3FB1]  }
0x31: {  	[smem:$0x3FBA] =	sst s10  }
0x32: {  	s10 =	sld [smem:$0x3FB8];
	_ =	sdelay $0x3  }
0x33: {  	p0 =	seq.s32 s10, $0x1;
	s10 =	sld [smem:$0x3FBA];
	_ =	sdelay $0x3  }
0x34: {  	[smem:$0x3FBA] =	sst s10  }
0x35: {  	s10 =	sld [smem:$0x3FB9];
	_ =	sdelay $0x3  }
0x36: {  	p1 =	seq.s32 s10, $0x1;
	s10 =	sld [smem:$0x3FBA];
	_ =	sdelay $0x3  }
0x37: {  	[smem:$0x3FBA] =	sst s10  }
0x38: {  	s10 =	sld [smem:$0x3FBB]  }
0x39: {  	_ = 	snop;
	(pc) =	sbr.ind lr, $3  }
0x3a: {  	_ = 	snop  }
0x3b: {  	_ = 	snop  }
0x3c: {  	p2 =	seq.s32 s10, $0x1;
	s10 =	sld [smem:$0x3FBA]  }
0x3d: {  	_ =	shalt  }
0x3e: {  	_ =	shalt  }
0x3f: {  	_ =	shalt  }
0x40: {  	_ =	shalt  }
0x41: {  	_ =	shalt  }
0x42: {  	_ =	shalt  }
0x43: {  	_ =	shalt  }
0x44: {  	_ =	shalt  }
0x45: {  	_ =	shalt  }
0x46: {  	_ =	shalt  }
0x47: {  	_ =	shalt  }
0x48: {  	_ =	shalt  }
0x49: {  	_ =	shalt  }
0x4a: {  	_ =	shalt  }
0x4b: {  	_ =	shalt  }
0x4c: {  	_ =	shalt  }
0x4d: {  	_ =	shalt  }
0x4e: {  	_ =	shalt  }
0x4f: {  	_ =	shalt  }
0x50: {  	_ =	shalt  }
0x51: {  	_ =	shalt  }
0x52: {  	_ =	shalt  }
0x53: {  	_ =	shalt  }
0x54: {  	_ =	shalt  }
0x55: {  	_ =	shalt  }
0x56: {  	_ =	shalt  }
0x57: {  	_ =	shalt  }
0x58: {  	_ =	shalt  }
0x59: {  	_ =	shalt  }
0x5a: {  	_ =	shalt  }
0x5b: {  	_ =	shalt  }
0x5c: {  	_ =	shalt  }
0x5d: {  	_ =	shalt  }
0x5e: {  	_ =	shalt  }
0x5f: {  	_ =	shalt  }
0x60: {  	_ =	shalt  }
0x61: {  	_ =	shalt  }
0x62: {  	_ =	shalt  }
0x63: {  	_ =	shalt  }
0x64: {  	_ =	shalt  }
0x65: {  	_ =	shalt  }
0x66: {  	_ =	shalt  }
0x67: {  	_ =	shalt  }
0x68: {  	_ =	shalt  }
0x69: {  	_ =	shalt  }
0x6a: {  	_ =	shalt  }
0x6b: {  	_ =	shalt  }
0x6c: {  	_ =	shalt  }
0x6d: {  	_ =	shalt  }
0x6e: {  	_ =	shalt  }
0x6f: {  	_ =	shalt  }
0x70: {  	_ =	shalt  }
0x71: {  	_ =	shalt  }
0x72: {  	_ =	shalt  }
0x73: {  	_ =	shalt  }
0x74: {  	_ =	shalt  }
0x75: {  	_ =	shalt  }
0x76: {  	_ =	shalt  }
0x77: {  	_ =	shalt  }
0x78: {  	_ =	shalt  }
0x79: {  	_ =	shalt  }
0x7a: {  	_ =	shalt  }
0x7b: {  	_ =	shalt  }
0x7c: {  	_ =	shalt  }
0x7d: {  	_ =	shalt  }
0x7e: {  	_ =	shalt  }
0x7f: {  	_ =	shalt  }
0x80: {  	_ =	shalt  }
0x81: {  	_ =	shalt  }
0x82: {  	_ =	shalt  }
0x83: {  	_ =	shalt  }
0x84: {  	_ =	shalt  }
0x85: {  	_ =	shalt  }
0x86: {  	_ =	shalt  }
0x87: {  	_ =	shalt  }
.Lfunc_end0:
.L_simem_size_0:
called_computation_lowered:
.L_overlay_start_0:
0x88: {  	s2 =	sld [smem:$0x3FD9]  }
0x89: {  	s3 =	sld [smem:$0x3FFE];
	_ =	sdelay $0x1  }
0x8a: {  	s1 =	srdreg.scid  }
0x8b: {  	s0 =	sand.u32 $0x1, s1  }
0x8c: {  	s17 =	sshll.u32 s0, $0xA;
	s2 =	sadd.s32 s3, s2  }
0x8d: {  	s2 =	sadd.s32 s2, s17  }
0x8e: {  	[smem:$0x3FC6] =	sst s2  }
0x8f: {  	_ = 	snop  }
0x90: {  	s2 =	sld [smem:$0x3FC9]  }
0x91: {  	s18 =	sld [smem:$0x3FD0];
	(tm) =	ssettm $0x1  }
0x92: {  	s4 =	sld [smem:$0x3FFB];
	_ =	sdelay $0x3  }
0x93: {  	_ =	strace s4  }
0x94: {  	s4 =	sld [smem:$0x3FFC];
	_ =	sdelay $0x3  }
0x95: {  	_ =	strace s4  }
0x96: {  	s4 =	sld [smem:$0x3FFD];
	_ =	sdelay $0x3  }
0x97: {  	_ =	strace s4  }
0x98: {  	_ =	strace $0x8FFFFFFF  }
0x99: {  	s19 =	sld [smem:$0x3FDB];
	_ =	sdelay $0x1  }
0x9a: {  	s5 =	simm.s32 $_scs_section_size  }
0x9b: {  	s6 =	simm.s32 $_size__tile_overlayer_lowered;
	s7 =	simm.s32 $_tile_overlayer_lowered  }
0x9c: {  	s22 =	simm.s32 $0x1BFF;
	s21 =	sshll.u32 s7, $0x1;
	s4 =	sadd.s32 s5, s19  }
0x9d: {  	s8 =	simm.s32 $0x0;
	s20 =	sshll.u32 s6, $0x1;
	s6 =	sadd.s32 s21, s4  }
0x9e: {  	[timem:s8], [sflag:s22] =	dma.local [hbm:s6], s20  }
0x9f: {  	_ =	swait.ge [sflag:s22], s20  }
0xa0: {  	s5 =	ssub.s32 $0x0, s20;
	[sflag:s22] =	ssyncset.done $0x0  }
0xa1: {  	[sflag:s22] =	ssyncadd.s32 s5;
	_ =	sdelay $0x1  }
0xa2: {  	s23 =	simm.s32 $0x1B8B  }
0xa3: {  	_ =	swait.ge [sflag:s23], $0x1  }
0xa4: {  	[sflag:s23] =	ssyncset.done $0x0  }
0xa5: {  	s25 =	simm.s32 $0x1B8E;
	s24 =	sld [smem:$0x3FFE];
	[sflag:s23] =	ssyncadd.s32 $0xFFFFFFFF  }
0xa6: {  	s26 =	simm.s32 $execute0_lowered;
	[smem:$0x3FD2] =	sst s25  }
0xa7: {  	s6 =	sshll.u32 s26, $0x1;
	_ =	strace $0x80000046;
	[dreg:$0x1] =	wrdreg $0xFFFFFFFF  }
0xa8: {  	s28 =	simm.s32 $_size_execute0_lowered;
	s4 =	sadd.s32 s4, s6;
	[dreg:$0x0] =	wrdreg $0x0  }
0xa9: {  	s6 =	sshll.u32 s28, $0x1;
	[dreg:$0x2] =	wrdreg s4  }
0xaa: {  	[dreg:$0x3] =	wrdreg s6  }
0xab: {  	[dreg:$0x4] =	wrdreg $0xC0  }
0xac: {  	_ =	task [dreg:s8], $0x5FFFF  }
0xad: {  	[dreg:$0x1] =	wrdreg $0xFFFFFFFF  }
0xae: {  	[dreg:$0x0] =	wrdreg $0x60  }
0xaf: {  	[dreg:$0x2] =	wrdreg s2  }
0xb0: {  	[dreg:$0x3] =	wrdreg s24  }
0xb1: {  	[dreg:$0x4] =	wrdreg s18  }
0xb2: {  	[dreg:$0x5] =	wrdreg $0x9  }
0xb3: {  	_ =	task.clear_ibuf [dreg:s8], $0x6FFFF;
	_ =	strace $0x90000046  }
0xb4: {  	s29 =	simm.s32 $0x9;
	_ =	strace $0x80000048  }
0xb5: {  	_ =	swait.ge [sflag:s29], $0x1  }
0xb6: {  	[sflag:s29] =	ssyncadd.s32 $0xFFFFFFFF  }
0xb7: {  	_ =	strace $0x90000048  }
0xb8: {  	_ =	sfence  }
0xb9: {  	s30 =	sld [smem:$0x0];
	_ =	sdelay $0x2  }
0xba: {  	s31 =	sshll.u32 s1, $0xD;
	s1 =	sshrl.u32 s1, $0x2  }
0xbb: {  	s3 =	sand.u32 $0x4000, s31;
	s1 =	sadd.s32 s1, s30  }
0xbc: {  	s0 =	sor.u32 s3, s0;
	s1 =	sshll.u32 s1, $0x11  }
0xbd: {  	s0 =	sor.u32 s1, s0  }
0xbe: {  	s0 =	sadd.s32 $0x8F2B, s0  }
0xbf: {  	[sflag:s0] =	ssyncadd.remote.s32 $0x1  }
0xc0: {  	_ =	sfence.sel $0xFFFF  }
0xc1: {  	[dreg:$0x0] =	wrdreg $0xFFFFFFFF;
	(pc) =	sbr.abs _section_cstart, $3  }
0xc2: {  	[dreg:$0x1] =	wrdreg $0xFFFFFFFF  }
0xc3: {  	_ =	task.clear_ibuf [dreg:s8], $0x2FFFF;
	_ =	strace $0x9FFFFFFF  }
0xc4: {  	(tm) =	ssettm $0x7FFFFFFF  }
0xc5: {  	_ =	shalt  }
tec
execute0_lowered:
.L_overlay_start_1:
0x0: {  	(tag) =	ssettag $0x1  }
0x1: {  	v0 =	vimm.s32 $0x38F;
	vm0 =	vcmask $0x300  }
0x2: {  	s0 =	rddreg [dreg:$0x0];
	vm14 =	vcmask $0x704;
	v0 =	vsel vm0, $0x0, v0  }
0x3: {  	s2 =	rddreg [dreg:$0x1];
	vm15 =	vcmask $0xB08;
	v0 =	vsel vm14, $0x81, v0  }
0x4: {  	s1 =	rddreg [dreg:$0x2];
	s4 =	srdreg.scid;
	s3 =	simm.s32 $0x0;
	vm4 =	vcmask $0xF0C;
	v0 =	vsel vm15, $0x102, v0  }
0x5: {  	s6 =	stileid.u32;
	vm5 =	vcmask $0x1310;
	s11 =	simm.s32 $0x80;
	s12 =	simm.s32 $0xC800;
	v0 =	vsel vm4, $0x183, v0  }
0x6: {  	vm6 =	vcmask $0x1714;
	s13 =	simm.s32 $0x10800;
	s14 =	simm.s32 $0x1;
	s15 =	simm.s32 $0x14800;
	v0 =	vsel vm5, $0x204, v0  }
0x7: {  	vm7 =	vcmask $0x1B18;
	s19 =	simm.s32 $0x16800;
	s20 =	simm.s32 $0x17000;
	s21 =	simm.s32 $0x17800;
	v0 =	vsel vm6, $0x285, v0  }
0x8: {  	vm8 =	vcmask $0x1F1C;
	s22 =	simm.s32 $0x18000;
	s23 =	simm.s32 $0x2;
	s28 =	simm.s32 $0x19800;
	v0 =	vsel vm7, $0x306, v0  }
0x9: {  	vm9 =	vcmask $0x2320;
	s29 =	simm.s32 $0x1A000;
	s30 =	simm.s32 $0x1A800;
	s4 =	sand.u32 $0x1, s4;
	v0 =	vsel vm8, $0x387, v0  }
0xa: {  	vm10 =	vcmask $0x2724;
	s31 =	simm.s32 $0x1B000;
	s6 =	sshll.u32 s6, $0xB;
	s5 =	ssub.s32 $0x2, s4;
	v0 =	vsel vm9, $0x8, v0  }
0xb: {  	vm11 =	vcmask $0x2B28;
	[smem:$0x7FF] =	sst s3;
	s4 =	sshll.u32 s4, $0xA;
	s7 =	sshrl.u32 s5, $0x1;
	v0 =	vsel vm10, $0x89, v0  }
0xc: {  	vm12 =	vcmask $0x2F2C;
	_ =	strace $0x80000047;
	s4 =	sor.u32 s4, s6;
	s24 =	ssub.s32 s5, s7;
	v0 =	vsel vm11, $0x10A, v0  }
0xd: {  	vm13 =	vcmask $0x3330;
	s25 =	sshrl.u32 s4, $0x3;
	s5 =	sadd.s32 $0xF42800, s2;
	s2 =	simm.s32 $0x1C000;
	v0 =	vsel vm12, $0x18B, v0  }
0xe: {  	vm14 =	vcmask $0x3734;
	s7 =	simm.s32 $0x0;
	s0 =	sadd.s32 s0, s25;
	s26 =	smax.u32 s24, $0x1;
	v0 =	vsel vm13, $0x20C, v0  }
0xf: {  	vm15 =	vcmask $0x3B38;
	s24 =	simm.s32 $0x4;
	s25 =	simm.s32 $0x18800;
	[dreg:$0x4] =	wrdreg s0;
	v1 =	vsel vm14, $0x28D, v0  }
0x10: {  	[dreg:$0x5] =	wrdreg s26;
	s26 =	simm.s32 $0x19000;
	s0 =	simm.s32 $0x1B800;
	v0 =	vlaneseq.u32;
	v1 =	vsel vm15, $0x30E, v1  }
.LBB2_1:
0x11: {  	[dreg:$0x6] =	wrdreg s7  }
0x12: {  	s6 =	rddreg [dreg:$0x4]  }
0x13: {  	s17 =	simm.s32 $0x400;
	s8 =	simm.s32 $0x8000;
	s18 =	simm.s32 $0x5  }
0x14: {  	[tilespmem:s3], [sflag:$0x5] =	stream.strided.gather [hbm4b:s6+s17], $0x6400, s8, s17, $0x38;
	[tilespmem:$0x1C800] =	vst v63  }
0x15: {  	_ =	swait.ge [sflag:s18], $0x6400  }
0x16: {  	[sflag:s18] =	ssyncset.done $0x0  }
0x17: {  	s6 =	simm.s32 $0x0;
	[sflag:s18] =	ssyncadd.s32 $0xFFFF9C00  }
0x18: {  	v3 =	vld [tilespmem:s6+$0x0]  }
0x19: {  	v6 =	vld [tilespmem:s6+$0x10]  }
0x1a: {  	v5 =	vld [tilespmem:s6+$0x20]  }
0x1b: {  	v4 =	vld [tilespmem:s6+$0x30]  }
0x1c: {  	v2 =	vld [tilespmem:s6+$0x40]  }
0x1d: {  	s7 =	simm.s32 $0x200;
	v7 =	vshll.u32 v3, $0x6;
	v8 =	vshrl.u32 v3, $0x1;
	v3 =	vld [tilespmem:s6+$0x50]  }
.LBB2_2:
0x1e: {  	p0 =	sne.s32 s7, $0x18E00;
	v7 =	vand.u32 $0x40, v7;
	[tilespmem:s6+$0x0] =	vst v8;
	v8 =	vshll.u32 v6, $0x6;
	v6 =	vshrl.u32 v6, $0x1;
	v9 =	vld [tilespmem:s6+$0x60]  }
0x1f: {  	v8 =	vand.u32 $0x40, v8;
	[tilespmem:s6+$0x10] =	vst v6;
	v6 =	vshll.u32 v5, $0x6;
	v5 =	vshrl.u32 v5, $0x1;
	v10 =	vld [tilespmem:s6+$0x70]  }
0x20: {  	v6 =	vand.u32 $0x40, v6;
	[tilespmem:s6+$0x20] =	vst v5;
	v5 =	vshll.u32 v4, $0x6;
	v4 =	vshrl.u32 v4, $0x1  }
0x21: {  	v5 =	vand.u32 $0x40, v5;
	[tilespmem:s6+$0x30] =	vst v4;
	v4 =	vshll.u32 v2, $0x6;
	v2 =	vshrl.u32 v2, $0x1  }
0x22: {  	v4 =	vand.u32 $0x40, v4;
	[tilespmem:s6+$0x40] =	vst v2;
	v2 =	vshll.u32 v3, $0x6;
	v3 =	vshrl.u32 v3, $0x1  }
0x23: {  	v2 =	vand.u32 $0x40, v2;
	[tilespmem:s6+$0x50] =	vst v3;
	v3 =	vshll.u32 v9, $0x6;
	v9 =	vshrl.u32 v9, $0x1  }
0x24: {  	v3 =	vand.u32 $0x40, v3;
	[tilespmem:s6+$0x60] =	vst v9;
	v9 =	vshll.u32 v10, $0x6;
	v10 =	vshrl.u32 v10, $0x1  }
0x25: {  	v9 =	vand.u32 $0x40, v9;
	[tilespmem:s6+$0x70] =	vst v10  }
0x26: {  	[tilespmem:s6+$0x6400] =	vst v7  }
0x27: {  	s8 =	sshra.s32 s7, $0x2;
	[tilespmem:s6+$0x6410] =	vst v8  }
0x28: {  	v8 =	vld [tilespmem:s8+$0x0];
	[tilespmem:s6+$0x6420] =	vst v6  }
.Ltmp0:
0x29: {  	v6 =	vld [tilespmem:s8+$0x10];
	[tilespmem:s6+$0x6430] =	vst v5;
	(pc) =	sbr.rel @p0 .LBB2_2-.Ltmp0, $4  }
0x2a: {  	v5 =	vld [tilespmem:s8+$0x20];
	[tilespmem:s6+$0x6440] =	vst v4  }
0x2b: {  	v4 =	vld [tilespmem:s8+$0x30];
	[tilespmem:s6+$0x6450] =	vst v2  }
0x2c: {  	v2 =	vld [tilespmem:s8+$0x40];
	[tilespmem:s6+$0x6460] =	vst v3  }
0x2d: {  	s7 =	sadd.s32 $0x200, s7;
	v7 =	vshll.u32 v8, $0x6;
	v8 =	vshrl.u32 v8, $0x1;
	v3 =	vld [tilespmem:s8+$0x50];
	[tilespmem:s6+$0x6470] =	vst v9;
	s6 =	smov.u32 s8  }
0x2e: {  	[tilespmem:s6+$0x0] =	vst v8;
	v52 =	vshrl.u32 v6, $0x1  }
0x2f: {  	v7 =	vand.u32 $0x40, v7;
	[tilespmem:s6+$0x10] =	vst v52  }
0x30: {  	v59 =	vshll.u32 v6, $0x6;
	v53 =	vshrl.u32 v5, $0x1;
	[tilespmem:s6+$0x6400] =	vst v7  }
0x31: {  	v6 =	vand.u32 $0x40, v59;
	[tilespmem:s6+$0x20] =	vst v53  }
0x32: {  	v60 =	vshll.u32 v5, $0x6;
	v54 =	vshrl.u32 v4, $0x1;
	[tilespmem:s6+$0x6410] =	vst v6  }
0x33: {  	v9 =	vld [tilespmem:s6+$0x60];
	v5 =	vand.u32 $0x40, v60;
	[tilespmem:s6+$0x30] =	vst v54  }
0x34: {  	v10 =	vld [tilespmem:s6+$0x70];
	v61 =	vshll.u32 v4, $0x6;
	v55 =	vshrl.u32 v2, $0x1;
	[tilespmem:s6+$0x6420] =	vst v5  }
0x35: {  	v4 =	vand.u32 $0x40, v61;
	[tilespmem:s6+$0x40] =	vst v55  }
0x36: {  	v2 =	vshll.u32 v2, $0x6;
	v56 =	vshrl.u32 v3, $0x1;
	[tilespmem:s6+$0x6430] =	vst v4  }
0x37: {  	v2 =	vand.u32 $0x40, v2;
	[tilespmem:s6+$0x50] =	vst v56  }
0x38: {  	v57 =	vshrl.u32 v9, $0x1;
	[tilespmem:s6+$0x6440] =	vst v2  }
0x39: {  	v3 =	vshll.u32 v3, $0x6;
	v58 =	vshrl.u32 v10, $0x1;
	[tilespmem:s6+$0x60] =	vst v57  }
0x3a: {  	v3 =	vand.u32 $0x40, v3;
	v62 =	vshll.u32 v9, $0x6;
	[tilespmem:s6+$0x70] =	vst v58  }
0x3b: {  	v63 =	vshll.u32 v10, $0x6;
	v2 =	vand.u32 $0x40, v62;
	[tilespmem:s6+$0x6450] =	vst v3  }
0x3c: {  	v3 =	vand.u32 $0x40, v63;
	[tilespmem:s6+$0x6460] =	vst v2  }
0x3d: {  	[tilespmem:s6+$0x6470] =	vst v3;
	s6 =	simm.s32 $0x0  }
0x3e: {  	[tilespmem:s12], [sflag:$0x1] =	stream.indirect.gather [hbm4b:s5+s11], $0x80, s6, s11, $0xb8;
	[tilespmem:$0x1C800] =	vst v63  }
.LBB2_4:
0x3f: {  	s7 =	sshllo.u32 s6, $0x1  }
0x40: {  	s10 =	sshll.u32 s7, $0x7  }
0x41: {  	[tilespmem:s13], [sflag:$0x2] =	stream.indirect.gather [hbm4b:s5+s11], $0x80, s10, s11, $0xb8;
	[tilespmem:$0x1C800] =	vst v63  }
0x42: {  	_ =	swait.ge [sflag:s14], $0x4000  }
0x43: {  	p0 =	seq.s32 s6, $0x0;
	[sflag:s14] =	ssyncset.done $0x0  }
0x44: {  	s8 =	sshll.u32 s6, $0xA;
	s9 =	simm.s32 @!p0 $0x3;
	[sflag:s14] =	ssyncadd.s32 $0xFFFFC000  }
0x45: {  	s8 =	sshrl.u32 s8, $0x2;
	_ =	swait.ge @!p0 [sflag:s9], $0x2000  }
0x46: {  	s16 =	sadd.s32 $0x6400, s8;
	[sflag:s9] =	ssyncset.done @!p0 $0x0  }
0x47: {  	v2 =	vmov s16;
	[sflag:s9] =	ssyncadd.s32 @!p0 $0xFFFFE000;
	s9 =	simm.s32 $0x0  }
.LBB2_5:
0x48: {  	_ =	sdelay $0x2  }
0x49: {  	s16 =	sshll.u32 s9, $0x4  }
0x4a: {  	v4 =	vld.idx.msk [tilespmem:v2+s16+$0x0 ss:$0x1], $0xffff  }
0x4b: {  	v3 =	vor.u32 s16, v0  }
0x4c: {  	s17 =	simm.s32 $0x0;
	p1 =	por $0x1, $0x1;
	v6 =	vor.u32 s16, v1;
	v5 =	vshll.u32 v3, $0x7  }
.LBB2_6:
0x4d: {  	v7 =	vadd.s32 s17, v3  }
0x4e: {  	v8 =	vand.u32 $0x2F, v7  }
0x4f: {  	v8 =	vadd.s32 v4, v8  }
0x50: {  	v9 =	vand.u32 $0xFFFFFF80, v8  }
0x51: {  	v8 =	vand.u32 $0x7F, v8;
	v9 =	vadd.s32 v5, v9  }
0x52: {  	s18 =	sor.u32 $0x1, s17;
	v8 =	vor.u32 v8, v9  }
0x53: {  	v27 =	vadd.s32 s18, v3  }
0x54: {  	v10 =	vand.u32 $0x3F, v27  }
0x55: {  	v7 =	vshll.u32 v7, $0x8;
	v10 =	vadd.s32 v4, v10  }
0x56: {  	v7 =	vand.u32 $0x2800, v7;
	v11 =	vand.u32 $0xFFFFFF80, v10  }
0x57: {  	v7 =	vor.u32 v7, v6;
	v10 =	vand.u32 $0x7F, v10;
	v11 =	vadd.s32 v5, v11;
	v8 =	vld.idx.msk [tilespmem:v8+s12+$0x0], $0xffff  }
0x58: {  	s18 =	sor.u32 $0x2, s17;
	v10 =	vor.u32 v10, v11  }
0x59: {  	v28 =	vadd.s32 s18, v3  }
0x5a: {  	v12 =	vshll.u32 v27, $0x8;
	v13 =	vand.u32 $0x3F, v28;
	v9 =	vshll.u32 v27, $0x7  }
0x5b: {  	v12 =	vand.u32 $0x3800, v12;
	v13 =	vadd.s32 v4, v13;
	v9 =	vand.u32 $0x380, v9  }
0x5c: {  	[tilespmem:v7+s15+$0x0] =	vst.idx.msk $0xffff, v8;
	v7 =	vor.u32 v12, v9;
	v8 =	vand.u32 $0xFFFFFF80, v13  }
0x5d: {  	v30 =	vand.u32 $0x7F, v13;
	v29 =	vld.idx.msk [tilespmem:v10+s12+$0x0], $0xffff;
	v7 =	vor.u32 v3, v7;
	v8 =	vadd.s32 v5, v8  }
0x5e: {  	s18 =	sor.u32 $0x3, s17;
	v8 =	vor.u32 v30, v8  }
0x5f: {  	v31 =	vadd.s32 s18, v3  }
0x60: {  	v32 =	vshll.u32 v28, $0x8;
	v33 =	vand.u32 $0x3F, v31;
	v11 =	vshll.u32 v28, $0x7  }
0x61: {  	v11 =	vand.u32 $0x380, v11;
	v12 =	vand.u32 $0x3800, v32;
	v13 =	vadd.s32 v4, v33  }
0x62: {  	v34 =	vand.u32 $0xFFFFFF80, v13;
	[tilespmem:v7+s15+$0x0] =	vst.idx.msk $0xffff, v29;
	v7 =	vor.u32 v12, v11  }
0x63: {  	v35 =	vand.u32 $0x7F, v13;
	v9 =	vadd.s32 v5, v34;
	v8 =	vld.idx.msk [tilespmem:v8+s12+$0x0], $0xffff;
	v7 =	vor.u32 v3, v7  }
0x64: {  	s18 =	sor.u32 $0x4, s17;
	v9 =	vor.u32 v35, v9  }
0x65: {  	v36 =	vadd.s32 s18, v3  }
0x66: {  	v37 =	vshll.u32 v31, $0x8;
	v38 =	vand.u32 $0x3F, v36;
	v10 =	vshll.u32 v31, $0x7  }
0x67: {  	v13 =	vadd.s32 v4, v38;
	v10 =	vand.u32 $0x380, v10;
	v12 =	vand.u32 $0x3800, v37  }
0x68: {  	[tilespmem:v7+s15+$0x0] =	vst.idx.msk $0xffff, v8;
	v7 =	vor.u32 v12, v10;
	v8 =	vand.u32 $0xFFFFFF80, v13  }
0x69: {  	v39 =	vand.u32 $0x7F, v13;
	v9 =	vld.idx.msk [tilespmem:v9+s12+$0x0], $0xffff;
	v7 =	vor.u32 v3, v7;
	v8 =	vadd.s32 v5, v8  }
0x6a: {  	s18 =	sor.u32 $0x5, s17;
	v8 =	vor.u32 v39, v8  }
0x6b: {  	v40 =	vadd.s32 s18, v3  }
0x6c: {  	v41 =	vshll.u32 v36, $0x8;
	v42 =	vand.u32 $0x3F, v40;
	v11 =	vshll.u32 v36, $0x7  }
0x6d: {  	v11 =	vand.u32 $0x380, v11;
	v12 =	vand.u32 $0x3800, v41;
	v13 =	vadd.s32 v4, v42  }
0x6e: {  	v43 =	vand.u32 $0xFFFFFF80, v13;
	[tilespmem:v7+s15+$0x0] =	vst.idx.msk $0xffff, v9;
	v7 =	vor.u32 v12, v11  }
0x6f: {  	v44 =	vand.u32 $0x7F, v13;
	v9 =	vadd.s32 v5, v43;
	v8 =	vld.idx.msk [tilespmem:v8+s12+$0x0], $0xffff;
	v7 =	vor.u32 v3, v7  }
0x70: {  	s18 =	sor.u32 $0x6, s17;
	v9 =	vor.u32 v44, v9  }
0x71: {  	v45 =	vadd.s32 s18, v3  }
0x72: {  	v46 =	vshll.u32 v40, $0x8;
	v47 =	vand.u32 $0x3F, v45;
	v10 =	vshll.u32 v40, $0x7  }
0x73: {  	v10 =	vand.u32 $0x380, v10;
	v13 =	vadd.s32 v4, v47;
	v12 =	vand.u32 $0x3800, v46  }
0x74: {  	[tilespmem:v7+s15+$0x0] =	vst.idx.msk $0xffff, v8;
	v7 =	vor.u32 v12, v10;
	v8 =	vand.u32 $0xFFFFFF80, v13  }
0x75: {  	v48 =	vand.u32 $0x7F, v13;
	v9 =	vld.idx.msk [tilespmem:v9+s12+$0x0], $0xffff;
	v7 =	vor.u32 v3, v7;
	v8 =	vadd.s32 v5, v8  }
0x76: {  	s18 =	sor.u32 $0x7, s17;
	v8 =	vor.u32 v48, v8  }
0x77: {  	v49 =	vadd.s32 s18, v3  }
0x78: {  	v50 =	vshll.u32 v45, $0x8;
	v51 =	vand.u32 $0x3F, v49;
	v11 =	vshll.u32 v45, $0x7  }
0x79: {  	v11 =	vand.u32 $0x380, v11;
	v12 =	vand.u32 $0x3800, v50;
	v13 =	vadd.s32 v4, v51  }
0x7a: {  	v52 =	vand.u32 $0xFFFFFF80, v13;
	[tilespmem:v7+s15+$0x0] =	vst.idx.msk $0xffff, v9;
	v7 =	vor.u32 v12, v11  }
0x7b: {  	v53 =	vand.u32 $0x7F, v13;
	v9 =	vadd.s32 v5, v52;
	v8 =	vld.idx.msk [tilespmem:v8+s12+$0x0], $0xffff;
	v7 =	vor.u32 v3, v7  }
0x7c: {  	s18 =	sor.u32 $0x8, s17;
	v9 =	vor.u32 v53, v9  }
0x7d: {  	v54 =	vadd.s32 s18, v3  }
0x7e: {  	v55 =	vshll.u32 v49, $0x8;
	v56 =	vand.u32 $0x3F, v54;
	v10 =	vshll.u32 v49, $0x7  }
0x7f: {  	v10 =	vand.u32 $0x380, v10;
	v13 =	vadd.s32 v4, v56;
	v12 =	vand.u32 $0x3800, v55  }
0x80: {  	[tilespmem:v7+s15+$0x0] =	vst.idx.msk $0xffff, v8;
	v7 =	vor.u32 v12, v10;
	v8 =	vand.u32 $0xFFFFFF80, v13  }
0x81: {  	v57 =	vand.u32 $0x7F, v13;
	v9 =	vld.idx.msk [tilespmem:v9+s12+$0x0], $0xffff;
	v7 =	vor.u32 v3, v7;
	v8 =	vadd.s32 v5, v8  }
0x82: {  	s18 =	sor.u32 $0x9, s17;
	v8 =	vor.u32 v57, v8  }
0x83: {  	v58 =	vadd.s32 s18, v3  }
0x84: {  	v59 =	vand.u32 $0x3F, v58  }
0x85: {  	v11 =	vshll.u32 v54, $0x8;
	v12 =	vadd.s32 v4, v59  }
0x86: {  	v60 =	vand.u32 $0xFFFFFF80, v12;
	[tilespmem:v7+s15+$0x0] =	vst.idx.msk $0xffff, v9;
	v7 =	vand.u32 $0x3800, v11  }
0x87: {  	v61 =	vand.u32 $0x7F, v12;
	v9 =	vadd.s32 v5, v60;
	v8 =	vld.idx.msk [tilespmem:v8+s12+$0x0], $0xffff;
	v7 =	vor.u32 v7, v6  }
0x88: {  	s18 =	sor.u32 $0xA, s17;
	v9 =	vor.u32 v61, v9  }
0x89: {  	v62 =	vadd.s32 s18, v3  }
0x8a: {  	v63 =	vshll.u32 v58, $0x8;
	v16 =	vand.u32 $0x3F, v62;
	v10 =	vshll.u32 v58, $0x7  }
0x8b: {  	v13 =	vadd.s32 v4, v16;
	v12 =	vand.u32 $0x3800, v63;
	v10 =	vand.u32 $0x380, v10  }
0x8c: {  	[tilespmem:v7+s15+$0x0] =	vst.idx.msk $0xffff, v8;
	v7 =	vor.u32 v12, v10;
	v8 =	vand.u32 $0xFFFFFF80, v13  }
0x8d: {  	v17 =	vand.u32 $0x7F, v13;
	v9 =	vld.idx.msk [tilespmem:v9+s12+$0x0], $0xffff;
	v7 =	vor.u32 v3, v7;
	v8 =	vadd.s32 v5, v8  }
0x8e: {  	s18 =	sor.u32 $0xB, s17;
	v8 =	vor.u32 v17, v8  }
0x8f: {  	v18 =	vadd.s32 s18, v3  }
0x90: {  	v19 =	vshll.u32 v62, $0x8;
	v20 =	vand.u32 $0x3F, v18;
	v11 =	vshll.u32 v62, $0x7  }
0x91: {  	v11 =	vand.u32 $0x380, v11;
	v12 =	vand.u32 $0x3800, v19;
	v13 =	vadd.s32 v4, v20  }
0x92: {  	v21 =	vand.u32 $0xFFFFFF80, v13;
	[tilespmem:v7+s15+$0x0] =	vst.idx.msk $0xffff, v9;
	v7 =	vor.u32 v12, v11  }
0x93: {  	v22 =	vand.u32 $0x7F, v13;
	v9 =	vadd.s32 v5, v21;
	v8 =	vld.idx.msk [tilespmem:v8+s12+$0x0], $0xffff;
	v7 =	vor.u32 v3, v7  }
0x94: {  	s18 =	sor.u32 $0xC, s17;
	v9 =	vor.u32 v22, v9  }
0x95: {  	v23 =	vadd.s32 s18, v3  }
0x96: {  	v24 =	vshll.u32 v18, $0x8;
	v25 =	vand.u32 $0x3F, v23;
	v10 =	vshll.u32 v18, $0x7  }
0x97: {  	v10 =	vand.u32 $0x380, v10;
	v13 =	vadd.s32 v4, v25;
	v12 =	vand.u32 $0x3800, v24  }
0x98: {  	[tilespmem:v7+s15+$0x0] =	vst.idx.msk $0xffff, v8;
	v7 =	vor.u32 v12, v10;
	v8 =	vand.u32 $0xFFFFFF80, v13  }
0x99: {  	v26 =	vand.u32 $0x7F, v13;
	v9 =	vld.idx.msk [tilespmem:v9+s12+$0x0], $0xffff;
	v7 =	vor.u32 v3, v7;
	v8 =	vadd.s32 v5, v8  }
0x9a: {  	s18 =	sor.u32 $0xD, s17;
	v8 =	vor.u32 v26, v8  }
0x9b: {  	v27 =	vadd.s32 s18, v3  }
0x9c: {  	v28 =	vshll.u32 v23, $0x8;
	v29 =	vand.u32 $0x3F, v27;
	v11 =	vshll.u32 v23, $0x7  }
0x9d: {  	v11 =	vand.u32 $0x380, v11;
	v12 =	vand.u32 $0x3800, v28;
	v13 =	vadd.s32 v4, v29  }
0x9e: {  	v30 =	vand.u32 $0xFFFFFF80, v13;
	[tilespmem:v7+s15+$0x0] =	vst.idx.msk $0xffff, v9;
	v7 =	vor.u32 v12, v11  }
0x9f: {  	v31 =	vand.u32 $0x7F, v13;
	v9 =	vadd.s32 v5, v30;
	v8 =	vld.idx.msk [tilespmem:v8+s12+$0x0], $0xffff;
	v7 =	vor.u32 v3, v7  }
0xa0: {  	s18 =	sor.u32 $0xE, s17;
	v9 =	vor.u32 v31, v9  }
0xa1: {  	v32 =	vadd.s32 s18, v3  }
0xa2: {  	v33 =	vshll.u32 v27, $0x8;
	v34 =	vand.u32 $0x3F, v32;
	v10 =	vshll.u32 v27, $0x7  }
0xa3: {  	v10 =	vand.u32 $0x380, v10;
	v13 =	vadd.s32 v4, v34;
	v12 =	vand.u32 $0x3800, v33  }
0xa4: {  	[tilespmem:v7+s15+$0x0] =	vst.idx.msk $0xffff, v8;
	v7 =	vor.u32 v12, v10;
	v8 =	vand.u32 $0xFFFFFF80, v13  }
0xa5: {  	v35 =	vand.u32 $0x7F, v13;
	v9 =	vld.idx.msk [tilespmem:v9+s12+$0x0], $0xffff;
	v7 =	vor.u32 v3, v7;
	v8 =	vadd.s32 v5, v8  }
0xa6: {  	s18 =	sor.u32 $0xF, s17;
	v8 =	vor.u32 v35, v8  }
0xa7: {  	v36 =	vadd.s32 s18, v3  }
0xa8: {  	v37 =	vshll.u32 v32, $0x8;
	v38 =	vand.u32 $0x3F, v36;
	v11 =	vshll.u32 v32, $0x7  }
0xa9: {  	v11 =	vand.u32 $0x380, v11;
	v12 =	vand.u32 $0x3800, v37;
	v13 =	vadd.s32 v4, v38  }
0xaa: {  	v39 =	vand.u32 $0xFFFFFF80, v13;
	[tilespmem:v7+s15+$0x0] =	vst.idx.msk $0xffff, v9;
	v7 =	vor.u32 v12, v11  }
0xab: {  	v40 =	vand.u32 $0x7F, v13;
	v9 =	vadd.s32 v5, v39;
	v8 =	vld.idx.msk [tilespmem:v8+s12+$0x0], $0xffff;
	v7 =	vor.u32 v3, v7  }
0xac: {  	s18 =	sor.u32 $0x10, s17;
	v9 =	vor.u32 v40, v9  }
0xad: {  	v41 =	vadd.s32 s18, v3  }
0xae: {  	v42 =	vshll.u32 v36, $0x8;
	v43 =	vand.u32 $0x3F, v41;
	v10 =	vshll.u32 v36, $0x7  }
0xaf: {  	v10 =	vand.u32 $0x380, v10;
	v13 =	vadd.s32 v4, v43;
	v12 =	vand.u32 $0x3800, v42  }
0xb0: {  	[tilespmem:v7+s15+$0x0] =	vst.idx.msk $0xffff, v8;
	v7 =	vor.u32 v12, v10;
	v8 =	vand.u32 $0xFFFFFF80, v13  }
0xb1: {  	v44 =	vand.u32 $0x7F, v13;
	v9 =	vld.idx.msk [tilespmem:v9+s12+$0x0], $0xffff;
	v7 =	vor.u32 v3, v7;
	v8 =	vadd.s32 v5, v8  }
0xb2: {  	s18 =	sor.u32 $0x11, s17;
	v8 =	vor.u32 v44, v8  }
0xb3: {  	v45 =	vadd.s32 s18, v3  }
0xb4: {  	v46 =	vand.u32 $0x3F, v45  }
0xb5: {  	v11 =	vshll.u32 v41, $0x8;
	v12 =	vadd.s32 v4, v46  }
0xb6: {  	v47 =	vand.u32 $0xFFFFFF80, v12;
	[tilespmem:v7+s15+$0x0] =	vst.idx.msk $0xffff, v9;
	v7 =	vand.u32 $0x3800, v11  }
0xb7: {  	v48 =	vand.u32 $0x7F, v12;
	v9 =	vadd.s32 v5, v47;
	v8 =	vld.idx.msk [tilespmem:v8+s12+$0x0], $0xffff;
	v7 =	vor.u32 v7, v6  }
0xb8: {  	s18 =	sor.u32 $0x12, s17;
	v9 =	vor.u32 v48, v9  }
0xb9: {  	v49 =	vadd.s32 s18, v3  }
0xba: {  	v50 =	vshll.u32 v45, $0x8;
	v51 =	vand.u32 $0x3F, v49;
	v10 =	vshll.u32 v45, $0x7  }
0xbb: {  	v13 =	vadd.s32 v4, v51;
	v12 =	vand.u32 $0x3800, v50;
	v10 =	vand.u32 $0x380, v10  }
0xbc: {  	[tilespmem:v7+s15+$0x0] =	vst.idx.msk $0xffff, v8;
	v7 =	vor.u32 v12, v10;
	v8 =	vand.u32 $0xFFFFFF80, v13  }
0xbd: {  	v52 =	vand.u32 $0x7F, v13;
	v9 =	vld.idx.msk [tilespmem:v9+s12+$0x0], $0xffff;
	v7 =	vor.u32 v3, v7;
	v8 =	vadd.s32 v5, v8  }
0xbe: {  	s18 =	sor.u32 $0x13, s17;
	v8 =	vor.u32 v52, v8  }
0xbf: {  	v53 =	vadd.s32 s18, v3  }
0xc0: {  	v54 =	vshll.u32 v49, $0x8;
	v55 =	vand.u32 $0x3F, v53;
	v11 =	vshll.u32 v49, $0x7  }
0xc1: {  	v11 =	vand.u32 $0x380, v11;
	v12 =	vand.u32 $0x3800, v54;
	v13 =	vadd.s32 v4, v55  }
0xc2: {  	v56 =	vand.u32 $0xFFFFFF80, v13;
	[tilespmem:v7+s15+$0x0] =	vst.idx.msk $0xffff, v9;
	v7 =	vor.u32 v12, v11  }
0xc3: {  	v57 =	vand.u32 $0x7F, v13;
	v9 =	vadd.s32 v5, v56;
	v8 =	vld.idx.msk [tilespmem:v8+s12+$0x0], $0xffff;
	v7 =	vor.u32 v3, v7  }
0xc4: {  	s18 =	sor.u32 $0x14, s17;
	v9 =	vor.u32 v57, v9  }
0xc5: {  	v58 =	vadd.s32 s18, v3  }
0xc6: {  	v59 =	vshll.u32 v53, $0x8;
	v60 =	vand.u32 $0x3F, v58;
	v10 =	vshll.u32 v53, $0x7  }
0xc7: {  	v10 =	vand.u32 $0x380, v10;
	v13 =	vadd.s32 v4, v60;
	v12 =	vand.u32 $0x3800, v59  }
0xc8: {  	[tilespmem:v7+s15+$0x0] =	vst.idx.msk $0xffff, v8;
	v7 =	vor.u32 v12, v10;
	v8 =	vand.u32 $0xFFFFFF80, v13  }
0xc9: {  	v61 =	vand.u32 $0x7F, v13;
	v9 =	vld.idx.msk [tilespmem:v9+s12+$0x0], $0xffff;
	v7 =	vor.u32 v3, v7;
	v8 =	vadd.s32 v5, v8  }
0xca: {  	s18 =	sor.u32 $0x15, s17;
	v8 =	vor.u32 v61, v8  }
0xcb: {  	v62 =	vadd.s32 s18, v3  }
0xcc: {  	v63 =	vshll.u32 v58, $0x8;
	v16 =	vand.u32 $0x3F, v62;
	v11 =	vshll.u32 v58, $0x7  }
0xcd: {  	v11 =	vand.u32 $0x380, v11;
	v12 =	vand.u32 $0x3800, v63;
	v13 =	vadd.s32 v4, v16  }
0xce: {  	v17 =	vand.u32 $0xFFFFFF80, v13;
	[tilespmem:v7+s15+$0x0] =	vst.idx.msk $0xffff, v9;
	v7 =	vor.u32 v12, v11  }
0xcf: {  	v18 =	vand.u32 $0x7F, v13;
	v9 =	vadd.s32 v5, v17;
	v8 =	vld.idx.msk [tilespmem:v8+s12+$0x0], $0xffff;
	v7 =	vor.u32 v3, v7  }
0xd0: {  	s18 =	sor.u32 $0x16, s17;
	v9 =	vor.u32 v18, v9  }
0xd1: {  	v19 =	vadd.s32 s18, v3  }
0xd2: {  	v20 =	vshll.u32 v62, $0x8;
	v21 =	vand.u32 $0x3F, v19;
	v10 =	vshll.u32 v62, $0x7  }
0xd3: {  	v10 =	vand.u32 $0x380, v10;
	v13 =	vadd.s32 v4, v21;
	v12 =	vand.u32 $0x3800, v20  }
0xd4: {  	[tilespmem:v7+s15+$0x0] =	vst.idx.msk $0xffff, v8;
	v7 =	vor.u32 v12, v10;
	v8 =	vand.u32 $0xFFFFFF80, v13  }
0xd5: {  	v22 =	vand.u32 $0x7F, v13;
	v9 =	vld.idx.msk [tilespmem:v9+s12+$0x0], $0xffff;
	v7 =	vor.u32 v3, v7;
	v8 =	vadd.s32 v5, v8  }
0xd6: {  	s18 =	sor.u32 $0x17, s17;
	v8 =	vor.u32 v22, v8  }
0xd7: {  	v23 =	vadd.s32 s18, v3  }
0xd8: {  	v24 =	vshll.u32 v19, $0x8;
	v25 =	vand.u32 $0x3F, v23;
	v11 =	vshll.u32 v19, $0x7  }
0xd9: {  	v11 =	vand.u32 $0x380, v11;
	v12 =	vand.u32 $0x3800, v24;
	v13 =	vadd.s32 v4, v25  }
0xda: {  	v26 =	vand.u32 $0xFFFFFF80, v13;
	[tilespmem:v7+s15+$0x0] =	vst.idx.msk $0xffff, v9;
	v7 =	vor.u32 v12, v11  }
0xdb: {  	v27 =	vand.u32 $0x7F, v13;
	v9 =	vadd.s32 v5, v26;
	v8 =	vld.idx.msk [tilespmem:v8+s12+$0x0], $0xffff;
	v7 =	vor.u32 v3, v7  }
0xdc: {  	s18 =	sor.u32 $0x18, s17;
	v9 =	vor.u32 v27, v9  }
0xdd: {  	v28 =	vadd.s32 s18, v3  }
0xde: {  	v29 =	vshll.u32 v23, $0x8;
	v30 =	vand.u32 $0x3F, v28;
	v10 =	vshll.u32 v23, $0x7  }
0xdf: {  	v10 =	vand.u32 $0x380, v10;
	v13 =	vadd.s32 v4, v30;
	v12 =	vand.u32 $0x3800, v29  }
0xe0: {  	[tilespmem:v7+s15+$0x0] =	vst.idx.msk $0xffff, v8;
	v7 =	vor.u32 v12, v10;
	v8 =	vand.u32 $0xFFFFFF80, v13  }
0xe1: {  	v31 =	vand.u32 $0x7F, v13;
	v9 =	vld.idx.msk [tilespmem:v9+s12+$0x0], $0xffff;
	v7 =	vor.u32 v3, v7;
	v8 =	vadd.s32 v5, v8  }
0xe2: {  	s18 =	sor.u32 $0x19, s17;
	v8 =	vor.u32 v31, v8  }
0xe3: {  	v32 =	vadd.s32 s18, v3  }
0xe4: {  	v33 =	vand.u32 $0x3F, v32  }
0xe5: {  	v11 =	vshll.u32 v28, $0x8;
	v12 =	vadd.s32 v4, v33  }
0xe6: {  	v34 =	vand.u32 $0xFFFFFF80, v12;
	[tilespmem:v7+s15+$0x0] =	vst.idx.msk $0xffff, v9;
	v7 =	vand.u32 $0x3800, v11  }
0xe7: {  	v35 =	vand.u32 $0x7F, v12;
	v9 =	vadd.s32 v5, v34;
	v8 =	vld.idx.msk [tilespmem:v8+s12+$0x0], $0xffff;
	v7 =	vor.u32 v7, v6  }
0xe8: {  	s18 =	sor.u32 $0x1A, s17;
	v9 =	vor.u32 v35, v9  }
0xe9: {  	v36 =	vadd.s32 s18, v3  }
0xea: {  	v37 =	vshll.u32 v32, $0x8;
	v38 =	vand.u32 $0x3F, v36;
	v10 =	vshll.u32 v32, $0x7  }
0xeb: {  	v13 =	vadd.s32 v4, v38;
	v12 =	vand.u32 $0x3800, v37;
	v10 =	vand.u32 $0x380, v10  }
0xec: {  	[tilespmem:v7+s15+$0x0] =	vst.idx.msk $0xffff, v8;
	v7 =	vor.u32 v12, v10;
	v8 =	vand.u32 $0xFFFFFF80, v13  }
0xed: {  	v39 =	vand.u32 $0x7F, v13;
	v9 =	vld.idx.msk [tilespmem:v9+s12+$0x0], $0xffff;
	v7 =	vor.u32 v3, v7;
	v8 =	vadd.s32 v5, v8  }
0xee: {  	s18 =	sor.u32 $0x1B, s17;
	v8 =	vor.u32 v39, v8  }
0xef: {  	v40 =	vadd.s32 s18, v3  }
0xf0: {  	v41 =	vshll.u32 v36, $0x8;
	v42 =	vand.u32 $0x3F, v40;
	v11 =	vshll.u32 v36, $0x7  }
0xf1: {  	v11 =	vand.u32 $0x380, v11;
	v12 =	vand.u32 $0x3800, v41;
	v13 =	vadd.s32 v4, v42  }
0xf2: {  	v43 =	vand.u32 $0xFFFFFF80, v13;
	[tilespmem:v7+s15+$0x0] =	vst.idx.msk $0xffff, v9;
	v7 =	vor.u32 v12, v11  }
0xf3: {  	v44 =	vand.u32 $0x7F, v13;
	v9 =	vadd.s32 v5, v43;
	v8 =	vld.idx.msk [tilespmem:v8+s12+$0x0], $0xffff;
	v7 =	vor.u32 v3, v7  }
0xf4: {  	s18 =	sor.u32 $0x1C, s17;
	v9 =	vor.u32 v44, v9  }
0xf5: {  	v45 =	vadd.s32 s18, v3  }
0xf6: {  	v46 =	vshll.u32 v40, $0x8;
	v47 =	vand.u32 $0x3F, v45;
	v10 =	vshll.u32 v40, $0x7  }
0xf7: {  	v10 =	vand.u32 $0x380, v10;
	v13 =	vadd.s32 v4, v47;
	v12 =	vand.u32 $0x3800, v46  }
0xf8: {  	[tilespmem:v7+s15+$0x0] =	vst.idx.msk $0xffff, v8;
	v7 =	vor.u32 v12, v10;
	v8 =	vand.u32 $0xFFFFFF80, v13  }
0xf9: {  	v48 =	vand.u32 $0x7F, v13;
	v9 =	vld.idx.msk [tilespmem:v9+s12+$0x0], $0xffff;
	v7 =	vor.u32 v3, v7;
	v8 =	vadd.s32 v5, v8  }
0xfa: {  	s18 =	sor.u32 $0x1D, s17;
	v8 =	vor.u32 v48, v8  }
0xfb: {  	v49 =	vadd.s32 s18, v3  }
0xfc: {  	v50 =	vshll.u32 v45, $0x8;
	v51 =	vand.u32 $0x3F, v49;
	v11 =	vshll.u32 v45, $0x7  }
0xfd: {  	v11 =	vand.u32 $0x380, v11;
	v12 =	vand.u32 $0x3800, v50;
	v13 =	vadd.s32 v4, v51  }
0xfe: {  	v52 =	vand.u32 $0xFFFFFF80, v13;
	[tilespmem:v7+s15+$0x0] =	vst.idx.msk $0xffff, v9;
	v7 =	vor.u32 v12, v11  }
0xff: {  	v53 =	vand.u32 $0x7F, v13;
	v9 =	vadd.s32 v5, v52;
	v8 =	vld.idx.msk [tilespmem:v8+s12+$0x0], $0xffff;
	v7 =	vor.u32 v3, v7  }
0x100: {  	s18 =	sor.u32 $0x1E, s17;
	v9 =	vor.u32 v53, v9  }
0x101: {  	v54 =	vadd.s32 s18, v3  }
0x102: {  	v55 =	vshll.u32 v49, $0x8;
	v56 =	vand.u32 $0x3F, v54;
	v10 =	vshll.u32 v49, $0x7  }
0x103: {  	v10 =	vand.u32 $0x380, v10;
	v13 =	vadd.s32 v4, v56;
	v12 =	vand.u32 $0x3800, v55  }
0x104: {  	[tilespmem:v7+s15+$0x0] =	vst.idx.msk $0xffff, v8;
	v7 =	vor.u32 v12, v10;
	v8 =	vand.u32 $0xFFFFFF80, v13  }
0x105: {  	v57 =	vand.u32 $0x7F, v13;
	v9 =	vld.idx.msk [tilespmem:v9+s12+$0x0], $0xffff;
	v7 =	vor.u32 v3, v7;
	v8 =	vadd.s32 v5, v8  }
0x106: {  	s18 =	sor.u32 $0x1F, s17;
	v8 =	vor.u32 v57, v8  }
0x107: {  	v58 =	vadd.s32 s18, v3  }
0x108: {  	v59 =	vshll.u32 v54, $0x8;
	v60 =	vand.u32 $0x3F, v58;
	v11 =	vshll.u32 v54, $0x7  }
0x109: {  	v11 =	vand.u32 $0x380, v11;
	v12 =	vand.u32 $0x3800, v59;
	v13 =	vadd.s32 v4, v60  }
0x10a: {  	v61 =	vand.u32 $0xFFFFFF80, v13;
	[tilespmem:v7+s15+$0x0] =	vst.idx.msk $0xffff, v9;
	v7 =	vor.u32 v12, v11  }
0x10b: {  	v62 =	vand.u32 $0x7F, v13;
	v9 =	vadd.s32 v5, v61;
	v8 =	vld.idx.msk [tilespmem:v8+s12+$0x0], $0xffff;
	v7 =	vor.u32 v3, v7  }
0x10c: {  	v9 =	vor.u32 v62, v9;
	_ =	sdelay $0x1  }
0x10d: {  	v63 =	vshll.u32 v58, $0x8;
	v10 =	vshll.u32 v58, $0x7  }
0x10e: {  	v10 =	vand.u32 $0x380, v10;
	v11 =	vand.u32 $0x3800, v63  }
0x10f: {  	[tilespmem:v7+s15+$0x0] =	vst.idx.msk $0xffff, v8;
	v7 =	vor.u32 v11, v10  }
0x110: {  	p2 =	por p1, p1;
	v8 =	vld.idx.msk [tilespmem:v9+s12+$0x0], $0xffff;
	v7 =	vor.u32 v3, v7  }
.Ltmp1:
0x111: {  	_ = 	snop;
	(pc) =	sbr.rel @p2 .LBB2_6-.Ltmp1, $2  }
0x112: {  	_ =	sdelay $0x2  }
0x113: {  	p1 =	por $0x0, $0x0;
	s17 =	simm.s32 $0x20;
	[tilespmem:v7+s15+$0x0] =	vst.idx.msk $0xffff, v8  }
0x114: {  	_ =	sdelay $0x2  }
0x115: {  	s16 =	sor.u32 $0x10, s16  }
0x116: {  	v4 =	vld.idx.msk [tilespmem:v2+s16+$0x0 ss:$0x1], $0xffff  }
0x117: {  	v3 =	vor.u32 s16, v0  }
0x118: {  	p1 =	por $0x1, $0x1;
	v6 =	vor.u32 s16, v1;
	s16 =	simm.s32 $0x0;
	v5 =	vshll.u32 v3, $0x7  }
.LBB2_8:
0x119: {  	v7 =	vadd.s32 s16, v3  }
0x11a: {  	v8 =	vand.u32 $0x3F, v7  }
0x11b: {  	v8 =	vadd.s32 v4, v8  }
0x11c: {  	v9 =	vand.u32 $0xFFFFFF80, v8  }
0x11d: {  	v8 =	vand.u32 $0x7F, v8;
	v9 =	vadd.s32 v5, v9  }
0x11e: {  	s17 =	sor.u32 $0x1, s16;
	v8 =	vor.u32 v8, v9  }
0x11f: {  	v27 =	vadd.s32 s17, v3  }
0x120: {  	v10 =	vand.u32 $0x3F, v27  }
0x121: {  	v7 =	vshll.u32 v7, $0x8;
	v10 =	vadd.s32 v4, v10  }
0x122: {  	v7 =	vand.u32 $0x3800, v7;
	v11 =	vand.u32 $0xFFFFFF80, v10  }
0x123: {  	v7 =	vor.u32 v7, v6;
	v10 =	vand.u32 $0x7F, v10;
	v11 =	vadd.s32 v5, v11;
	v8 =	vld.idx.msk [tilespmem:v8+s12+$0x0], $0xffff  }
0x124: {  	s18 =	sor.u32 $0x2, s16;
	v10 =	vor.u32 v10, v11  }
0x125: {  	v28 =	vadd.s32 s18, v3  }
0x126: {  	v12 =	vshll.u32 v27, $0x8;
	v13 =	vand.u32 $0x3F, v28;
	v9 =	vshll.u32 v27, $0x7  }
0x127: {  	v12 =	vand.u32 $0x3800, v12;
	v13 =	vadd.s32 v4, v13;
	v9 =	vand.u32 $0x380, v9  }
0x128: {  	[tilespmem:v7+s15+$0x0] =	vst.idx.msk $0xffff, v8;
	v7 =	vor.u32 v12, v9;
	v8 =	vand.u32 $0xFFFFFF80, v13  }
0x129: {  	v30 =	vand.u32 $0x7F, v13;
	v29 =	vld.idx.msk [tilespmem:v10+s12+$0x0], $0xffff;
	v7 =	vor.u32 v3, v7;
	v8 =	vadd.s32 v5, v8  }
0x12a: {  	s18 =	sor.u32 $0x3, s16;
	v8 =	vor.u32 v30, v8  }
0x12b: {  	v31 =	vadd.s32 s18, v3  }
0x12c: {  	v32 =	vshll.u32 v28, $0x8;
	v33 =	vand.u32 $0x3F, v31;
	v11 =	vshll.u32 v28, $0x7  }
0x12d: {  	v11 =	vand.u32 $0x380, v11;
	v12 =	vand.u32 $0x3800, v32;
	v13 =	vadd.s32 v4, v33  }
0x12e: {  	v34 =	vand.u32 $0xFFFFFF80, v13;
	[tilespmem:v7+s15+$0x0] =	vst.idx.msk $0xffff, v29;
	v7 =	vor.u32 v12, v11  }
0x12f: {  	v35 =	vand.u32 $0x7F, v13;
	v9 =	vadd.s32 v5, v34;
	v8 =	vld.idx.msk [tilespmem:v8+s12+$0x0], $0xffff;
	v7 =	vor.u32 v3, v7  }
0x130: {  	s18 =	sor.u32 $0x4, s16;
	v9 =	vor.u32 v35, v9  }
0x131: {  	v36 =	vadd.s32 s18, v3  }
0x132: {  	v37 =	vshll.u32 v31, $0x8;
	v38 =	vand.u32 $0x3F, v36;
	v10 =	vshll.u32 v31, $0x7  }
0x133: {  	v13 =	vadd.s32 v4, v38;
	v10 =	vand.u32 $0x380, v10;
	v12 =	vand.u32 $0x3800, v37  }
0x134: {  	[tilespmem:v7+s15+$0x0] =	vst.idx.msk $0xffff, v8;
	v7 =	vor.u32 v12, v10;
	v8 =	vand.u32 $0xFFFFFF80, v13  }
0x135: {  	v39 =	vand.u32 $0x7F, v13;
	v9 =	vld.idx.msk [tilespmem:v9+s12+$0x0], $0xffff;
	v7 =	vor.u32 v3, v7;
	v8 =	vadd.s32 v5, v8  }
0x136: {  	s18 =	sor.u32 $0x5, s16;
	v8 =	vor.u32 v39, v8  }
0x137: {  	v40 =	vadd.s32 s18, v3  }
0x138: {  	v41 =	vshll.u32 v36, $0x8;
	v42 =	vand.u32 $0x3F, v40;
	v11 =	vshll.u32 v36, $0x7  }
0x139: {  	v11 =	vand.u32 $0x380, v11;
	v12 =	vand.u32 $0x3800, v41;
	v13 =	vadd.s32 v4, v42  }
0x13a: {  	v43 =	vand.u32 $0xFFFFFF80, v13;
	[tilespmem:v7+s15+$0x0] =	vst.idx.msk $0xffff, v9;
	v7 =	vor.u32 v12, v11  }
0x13b: {  	v44 =	vand.u32 $0x7F, v13;
	v9 =	vadd.s32 v5, v43;
	v8 =	vld.idx.msk [tilespmem:v8+s12+$0x0], $0xffff;
	v7 =	vor.u32 v3, v7  }
0x13c: {  	s18 =	sor.u32 $0x6, s16;
	v9 =	vor.u32 v44, v9  }
0x13d: {  	v45 =	vadd.s32 s18, v3  }
0x13e: {  	v46 =	vshll.u32 v40, $0x8;
	v47 =	vand.u32 $0x3F, v45;
	v10 =	vshll.u32 v40, $0x7  }
0x13f: {  	v10 =	vand.u32 $0x380, v10;
	v13 =	vadd.s32 v4, v47;
	v12 =	vand.u32 $0x3800, v46  }
0x140: {  	[tilespmem:v7+s15+$0x0] =	vst.idx.msk $0xffff, v8;
	v7 =	vor.u32 v12, v10;
	v8 =	vand.u32 $0xFFFFFF80, v13  }
0x141: {  	v48 =	vand.u32 $0x7F, v13;
	v9 =	vld.idx.msk [tilespmem:v9+s12+$0x0], $0xffff;
	v7 =	vor.u32 v3, v7;
	v8 =	vadd.s32 v5, v8  }
0x142: {  	s18 =	sor.u32 $0x7, s16;
	v8 =	vor.u32 v48, v8  }
0x143: {  	v49 =	vadd.s32 s18, v3  }
0x144: {  	v50 =	vshll.u32 v45, $0x8;
	v51 =	vand.u32 $0x3F, v49;
	v11 =	vshll.u32 v45, $0x7  }
0x145: {  	v11 =	vand.u32 $0x380, v11;
	v12 =	vand.u32 $0x3800, v50;
	v13 =	vadd.s32 v4, v51  }
0x146: {  	v52 =	vand.u32 $0xFFFFFF80, v13;
	[tilespmem:v7+s15+$0x0] =	vst.idx.msk $0xffff, v9;
	v7 =	vor.u32 v12, v11  }
0x147: {  	v53 =	vand.u32 $0x7F, v13;
	v9 =	vadd.s32 v5, v52;
	v8 =	vld.idx.msk [tilespmem:v8+s12+$0x0], $0xffff;
	v7 =	vor.u32 v3, v7  }
0x148: {  	s18 =	sor.u32 $0x8, s16;
	v9 =	vor.u32 v53, v9  }
0x149: {  	v54 =	vadd.s32 s18, v3  }
0x14a: {  	v55 =	vshll.u32 v49, $0x8;
	v56 =	vand.u32 $0x3F, v54;
	v10 =	vshll.u32 v49, $0x7  }
0x14b: {  	v10 =	vand.u32 $0x380, v10;
	v13 =	vadd.s32 v4, v56;
	v12 =	vand.u32 $0x3800, v55  }
0x14c: {  	[tilespmem:v7+s15+$0x0] =	vst.idx.msk $0xffff, v8;
	v7 =	vor.u32 v12, v10;
	v8 =	vand.u32 $0xFFFFFF80, v13  }
0x14d: {  	v57 =	vand.u32 $0x7F, v13;
	v9 =	vld.idx.msk [tilespmem:v9+s12+$0x0], $0xffff;
	v7 =	vor.u32 v3, v7;
	v8 =	vadd.s32 v5, v8  }
0x14e: {  	s18 =	sor.u32 $0x9, s16;
	v8 =	vor.u32 v57, v8  }
0x14f: {  	v58 =	vadd.s32 s18, v3  }
0x150: {  	v59 =	vand.u32 $0x3F, v58  }
0x151: {  	v11 =	vshll.u32 v54, $0x8;
	v12 =	vadd.s32 v4, v59  }
0x152: {  	v60 =	vand.u32 $0xFFFFFF80, v12;
	[tilespmem:v7+s15+$0x0] =	vst.idx.msk $0xffff, v9;
	v7 =	vand.u32 $0x3800, v11  }
0x153: {  	v61 =	vand.u32 $0x7F, v12;
	v9 =	vadd.s32 v5, v60;
	v8 =	vld.idx.msk [tilespmem:v8+s12+$0x0], $0xffff;
	v7 =	vor.u32 v7, v6  }
0x154: {  	s18 =	sor.u32 $0xA, s16;
	v9 =	vor.u32 v61, v9  }
0x155: {  	v62 =	vadd.s32 s18, v3  }
0x156: {  	v63 =	vshll.u32 v58, $0x8;
	v16 =	vand.u32 $0x3F, v62;
	v10 =	vshll.u32 v58, $0x7  }
0x157: {  	v13 =	vadd.s32 v4, v16;
	v12 =	vand.u32 $0x3800, v63;
	v10 =	vand.u32 $0x380, v10  }
0x158: {  	[tilespmem:v7+s15+$0x0] =	vst.idx.msk $0xffff, v8;
	v7 =	vor.u32 v12, v10;
	v8 =	vand.u32 $0xFFFFFF80, v13  }
0x159: {  	v17 =	vand.u32 $0x7F, v13;
	v9 =	vld.idx.msk [tilespmem:v9+s12+$0x0], $0xffff;
	v7 =	vor.u32 v3, v7;
	v8 =	vadd.s32 v5, v8  }
0x15a: {  	s18 =	sor.u32 $0xB, s16;
	v8 =	vor.u32 v17, v8  }
0x15b: {  	v18 =	vadd.s32 s18, v3  }
0x15c: {  	v19 =	vshll.u32 v62, $0x8;
	v20 =	vand.u32 $0x3F, v18;
	v11 =	vshll.u32 v62, $0x7  }
0x15d: {  	v11 =	vand.u32 $0x380, v11;
	v12 =	vand.u32 $0x3800, v19;
	v13 =	vadd.s32 v4, v20  }
0x15e: {  	v21 =	vand.u32 $0xFFFFFF80, v13;
	[tilespmem:v7+s15+$0x0] =	vst.idx.msk $0xffff, v9;
	v7 =	vor.u32 v12, v11  }
0x15f: {  	v22 =	vand.u32 $0x7F, v13;
	v9 =	vadd.s32 v5, v21;
	v8 =	vld.idx.msk [tilespmem:v8+s12+$0x0], $0xffff;
	v7 =	vor.u32 v3, v7  }
0x160: {  	s18 =	sor.u32 $0xC, s16;
	v9 =	vor.u32 v22, v9  }
0x161: {  	v23 =	vadd.s32 s18, v3  }
0x162: {  	v24 =	vshll.u32 v18, $0x8;
	v25 =	vand.u32 $0x3F, v23;
	v10 =	vshll.u32 v18, $0x7  }
0x163: {  	v10 =	vand.u32 $0x380, v10;
	v13 =	vadd.s32 v4, v25;
	v12 =	vand.u32 $0x3800, v24  }
0x164: {  	[tilespmem:v7+s15+$0x0] =	vst.idx.msk $0xffff, v8;
	v7 =	vor.u32 v12, v10;
	v8 =	vand.u32 $0xFFFFFF80, v13  }
0x165: {  	v26 =	vand.u32 $0x7F, v13;
	v9 =	vld.idx.msk [tilespmem:v9+s12+$0x0], $0xffff;
	v7 =	vor.u32 v3, v7;
	v8 =	vadd.s32 v5, v8  }
0x166: {  	s18 =	sor.u32 $0xD, s16;
	v8 =	vor.u32 v26, v8  }
0x167: {  	v27 =	vadd.s32 s18, v3  }
0x168: {  	v28 =	vshll.u32 v23, $0x8;
	v29 =	vand.u32 $0x3F, v27;
	v11 =	vshll.u32 v23, $0x7  }
0x169: {  	v11 =	vand.u32 $0x380, v11;
	v12 =	vand.u32 $0x3800, v28;
	v13 =	vadd.s32 v4, v29  }
0x16a: {  	v30 =	vand.u32 $0xFFFFFF80, v13;
	[tilespmem:v7+s15+$0x0] =	vst.idx.msk $0xffff, v9;
	v7 =	vor.u32 v12, v11  }
0x16b: {  	v31 =	vand.u32 $0x7F, v13;
	v9 =	vadd.s32 v5, v30;
	v8 =	vld.idx.msk [tilespmem:v8+s12+$0x0], $0xffff;
	v7 =	vor.u32 v3, v7  }
0x16c: {  	s18 =	sor.u32 $0xE, s16;
	v9 =	vor.u32 v31, v9  }
0x16d: {  	v32 =	vadd.s32 s18, v3  }
0x16e: {  	v33 =	vshll.u32 v27, $0x8;
	v34 =	vand.u32 $0x3F, v32;
	v10 =	vshll.u32 v27, $0x7  }
0x16f: {  	v10 =	vand.u32 $0x380, v10;
	v13 =	vadd.s32 v4, v34;
	v12 =	vand.u32 $0x3800, v33  }
0x170: {  	[tilespmem:v7+s15+$0x0] =	vst.idx.msk $0xffff, v8;
	v7 =	vor.u32 v12, v10;
	v8 =	vand.u32 $0xFFFFFF80, v13  }
0x171: {  	v35 =	vand.u32 $0x7F, v13;
	v9 =	vld.idx.msk [tilespmem:v9+s12+$0x0], $0xffff;
	v7 =	vor.u32 v3, v7;
	v8 =	vadd.s32 v5, v8  }
0x172: {  	s18 =	sor.u32 $0xF, s16;
	v8 =	vor.u32 v35, v8  }
0x173: {  	v36 =	vadd.s32 s18, v3  }
0x174: {  	v37 =	vshll.u32 v32, $0x8;
	v38 =	vand.u32 $0x3F, v36;
	v11 =	vshll.u32 v32, $0x7  }
0x175: {  	v11 =	vand.u32 $0x380, v11;
	v12 =	vand.u32 $0x3800, v37;
	v13 =	vadd.s32 v4, v38  }
0x176: {  	v39 =	vand.u32 $0xFFFFFF80, v13;
	[tilespmem:v7+s15+$0x0] =	vst.idx.msk $0xffff, v9;
	v7 =	vor.u32 v12, v11  }
0x177: {  	v40 =	vand.u32 $0x7F, v13;
	v9 =	vadd.s32 v5, v39;
	v8 =	vld.idx.msk [tilespmem:v8+s12+$0x0], $0xffff;
	v7 =	vor.u32 v3, v7  }
0x178: {  	s18 =	sor.u32 $0x10, s16;
	v9 =	vor.u32 v40, v9  }
0x179: {  	v41 =	vadd.s32 s18, v3  }
0x17a: {  	v42 =	vshll.u32 v36, $0x8;
	v43 =	vand.u32 $0x2F, v41;
	v10 =	vshll.u32 v36, $0x7  }
0x17b: {  	v10 =	vand.u32 $0x380, v10;
	v13 =	vadd.s32 v4, v43;
	v12 =	vand.u32 $0x3800, v42  }
0x17c: {  	[tilespmem:v7+s15+$0x0] =	vst.idx.msk $0xffff, v8;
	v7 =	vor.u32 v12, v10;
	v8 =	vand.u32 $0xFFFFFF80, v13  }
0x17d: {  	v44 =	vand.u32 $0x7F, v13;
	v9 =	vld.idx.msk [tilespmem:v9+s12+$0x0], $0xffff;
	v7 =	vor.u32 v3, v7;
	v8 =	vadd.s32 v5, v8  }
0x17e: {  	s18 =	sor.u32 $0x11, s16;
	v8 =	vor.u32 v44, v8  }
0x17f: {  	v45 =	vadd.s32 s18, v3  }
0x180: {  	v46 =	vand.u32 $0x3F, v45  }
0x181: {  	v11 =	vshll.u32 v41, $0x8;
	v12 =	vadd.s32 v4, v46  }
0x182: {  	v47 =	vand.u32 $0xFFFFFF80, v12;
	[tilespmem:v7+s15+$0x0] =	vst.idx.msk $0xffff, v9;
	v7 =	vand.u32 $0x2800, v11  }
0x183: {  	v48 =	vand.u32 $0x7F, v12;
	v9 =	vadd.s32 v5, v47;
	v8 =	vld.idx.msk [tilespmem:v8+s12+$0x0], $0xffff;
	v7 =	vor.u32 v7, v6  }
0x184: {  	s18 =	sor.u32 $0x12, s16;
	v9 =	vor.u32 v48, v9  }
0x185: {  	v49 =	vadd.s32 s18, v3  }
0x186: {  	v50 =	vshll.u32 v45, $0x8;
	v51 =	vand.u32 $0x3F, v49;
	v10 =	vshll.u32 v45, $0x7  }
0x187: {  	v13 =	vadd.s32 v4, v51;
	v12 =	vand.u32 $0x3800, v50;
	v10 =	vand.u32 $0x380, v10  }
0x188: {  	[tilespmem:v7+s15+$0x0] =	vst.idx.msk $0xffff, v8;
	v7 =	vor.u32 v12, v10;
	v8 =	vand.u32 $0xFFFFFF80, v13  }
0x189: {  	v52 =	vand.u32 $0x7F, v13;
	v9 =	vld.idx.msk [tilespmem:v9+s12+$0x0], $0xffff;
	v7 =	vor.u32 v3, v7;
	v8 =	vadd.s32 v5, v8  }
0x18a: {  	s18 =	sor.u32 $0x13, s16;
	v8 =	vor.u32 v52, v8  }
0x18b: {  	v53 =	vadd.s32 s18, v3  }
0x18c: {  	v54 =	vshll.u32 v49, $0x8;
	v55 =	vand.u32 $0x3F, v53;
	v11 =	vshll.u32 v49, $0x7  }
0x18d: {  	v11 =	vand.u32 $0x380, v11;
	v12 =	vand.u32 $0x3800, v54;
	v13 =	vadd.s32 v4, v55  }
0x18e: {  	v56 =	vand.u32 $0xFFFFFF80, v13;
	[tilespmem:v7+s15+$0x0] =	vst.idx.msk $0xffff, v9;
	v7 =	vor.u32 v12, v11  }
0x18f: {  	v57 =	vand.u32 $0x7F, v13;
	v9 =	vadd.s32 v5, v56;
	v8 =	vld.idx.msk [tilespmem:v8+s12+$0x0], $0xffff;
	v7 =	vor.u32 v3, v7  }
0x190: {  	s18 =	sor.u32 $0x14, s16;
	v9 =	vor.u32 v57, v9  }
0x191: {  	v58 =	vadd.s32 s18, v3  }
0x192: {  	v59 =	vshll.u32 v53, $0x8;
	v60 =	vand.u32 $0x3F, v58;
	v10 =	vshll.u32 v53, $0x7  }
0x193: {  	v10 =	vand.u32 $0x380, v10;
	v13 =	vadd.s32 v4, v60;
	v12 =	vand.u32 $0x3800, v59  }
0x194: {  	[tilespmem:v7+s15+$0x0] =	vst.idx.msk $0xffff, v8;
	v7 =	vor.u32 v12, v10;
	v8 =	vand.u32 $0xFFFFFF80, v13  }
0x195: {  	v61 =	vand.u32 $0x7F, v13;
	v9 =	vld.idx.msk [tilespmem:v9+s12+$0x0], $0xffff;
	v7 =	vor.u32 v3, v7;
	v8 =	vadd.s32 v5, v8  }
0x196: {  	s18 =	sor.u32 $0x15, s16;
	v8 =	vor.u32 v61, v8  }
0x197: {  	v62 =	vadd.s32 s18, v3  }
0x198: {  	v63 =	vshll.u32 v58, $0x8;
	v16 =	vand.u32 $0x3F, v62;
	v11 =	vshll.u32 v58, $0x7  }
0x199: {  	v11 =	vand.u32 $0x380, v11;
	v12 =	vand.u32 $0x3800, v63;
	v13 =	vadd.s32 v4, v16  }
0x19a: {  	v17 =	vand.u32 $0xFFFFFF80, v13;
	[tilespmem:v7+s15+$0x0] =	vst.idx.msk $0xffff, v9;
	v7 =	vor.u32 v12, v11  }
0x19b: {  	v18 =	vand.u32 $0x7F, v13;
	v9 =	vadd.s32 v5, v17;
	v8 =	vld.idx.msk [tilespmem:v8+s12+$0x0], $0xffff;
	v7 =	vor.u32 v3, v7  }
0x19c: {  	s18 =	sor.u32 $0x16, s16;
	v9 =	vor.u32 v18, v9  }
0x19d: {  	v19 =	vadd.s32 s18, v3  }
0x19e: {  	v20 =	vshll.u32 v62, $0x8;
	v21 =	vand.u32 $0x3F, v19;
	v10 =	vshll.u32 v62, $0x7  }
0x19f: {  	v10 =	vand.u32 $0x380, v10;
	v13 =	vadd.s32 v4, v21;
	v12 =	vand.u32 $0x3800, v20  }
0x1a0: {  	[tilespmem:v7+s15+$0x0] =	vst.idx.msk $0xffff, v8;
	v7 =	vor.u32 v12, v10;
	v8 =	vand.u32 $0xFFFFFF80, v13  }
0x1a1: {  	v22 =	vand.u32 $0x7F, v13;
	v9 =	vld.idx.msk [tilespmem:v9+s12+$0x0], $0xffff;
	v7 =	vor.u32 v3, v7;
	v8 =	vadd.s32 v5, v8  }
0x1a2: {  	s18 =	sor.u32 $0x17, s16;
	v8 =	vor.u32 v22, v8  }
0x1a3: {  	v23 =	vadd.s32 s18, v3  }
0x1a4: {  	v24 =	vshll.u32 v19, $0x8;
	v25 =	vand.u32 $0x3F, v23;
	v11 =	vshll.u32 v19, $0x7  }
0x1a5: {  	v11 =	vand.u32 $0x380, v11;
	v12 =	vand.u32 $0x3800, v24;
	v13 =	vadd.s32 v4, v25  }
0x1a6: {  	v26 =	vand.u32 $0xFFFFFF80, v13;
	[tilespmem:v7+s15+$0x0] =	vst.idx.msk $0xffff, v9;
	v7 =	vor.u32 v12, v11  }
0x1a7: {  	v27 =	vand.u32 $0x7F, v13;
	v9 =	vadd.s32 v5, v26;
	v8 =	vld.idx.msk [tilespmem:v8+s12+$0x0], $0xffff;
	v7 =	vor.u32 v3, v7  }
0x1a8: {  	s18 =	sor.u32 $0x18, s16;
	v9 =	vor.u32 v27, v9  }
0x1a9: {  	v28 =	vadd.s32 s18, v3  }
0x1aa: {  	v29 =	vshll.u32 v23, $0x8;
	v30 =	vand.u32 $0x3F, v28;
	v10 =	vshll.u32 v23, $0x7  }
0x1ab: {  	v10 =	vand.u32 $0x380, v10;
	v13 =	vadd.s32 v4, v30;
	v12 =	vand.u32 $0x3800, v29  }
0x1ac: {  	[tilespmem:v7+s15+$0x0] =	vst.idx.msk $0xffff, v8;
	v7 =	vor.u32 v12, v10;
	v8 =	vand.u32 $0xFFFFFF80, v13  }
0x1ad: {  	v31 =	vand.u32 $0x7F, v13;
	v9 =	vld.idx.msk [tilespmem:v9+s12+$0x0], $0xffff;
	v7 =	vor.u32 v3, v7;
	v8 =	vadd.s32 v5, v8  }
0x1ae: {  	s18 =	sor.u32 $0x19, s16;
	v8 =	vor.u32 v31, v8  }
0x1af: {  	v32 =	vadd.s32 s18, v3  }
0x1b0: {  	v33 =	vand.u32 $0x3F, v32  }
0x1b1: {  	v11 =	vshll.u32 v28, $0x8;
	v12 =	vadd.s32 v4, v33  }
0x1b2: {  	v34 =	vand.u32 $0xFFFFFF80, v12;
	[tilespmem:v7+s15+$0x0] =	vst.idx.msk $0xffff, v9;
	v7 =	vand.u32 $0x3800, v11  }
0x1b3: {  	v35 =	vand.u32 $0x7F, v12;
	v9 =	vadd.s32 v5, v34;
	v8 =	vld.idx.msk [tilespmem:v8+s12+$0x0], $0xffff;
	v7 =	vor.u32 v7, v6  }
0x1b4: {  	s18 =	sor.u32 $0x1A, s16;
	v9 =	vor.u32 v35, v9  }
0x1b5: {  	v36 =	vadd.s32 s18, v3  }
0x1b6: {  	v37 =	vshll.u32 v32, $0x8;
	v38 =	vand.u32 $0x3F, v36;
	v10 =	vshll.u32 v32, $0x7  }
0x1b7: {  	v13 =	vadd.s32 v4, v38;
	v12 =	vand.u32 $0x3800, v37;
	v10 =	vand.u32 $0x380, v10  }
0x1b8: {  	[tilespmem:v7+s15+$0x0] =	vst.idx.msk $0xffff, v8;
	v7 =	vor.u32 v12, v10;
	v8 =	vand.u32 $0xFFFFFF80, v13  }
0x1b9: {  	v39 =	vand.u32 $0x7F, v13;
	v9 =	vld.idx.msk [tilespmem:v9+s12+$0x0], $0xffff;
	v7 =	vor.u32 v3, v7;
	v8 =	vadd.s32 v5, v8  }
0x1ba: {  	s18 =	sor.u32 $0x1B, s16;
	v8 =	vor.u32 v39, v8  }
0x1bb: {  	v40 =	vadd.s32 s18, v3  }
0x1bc: {  	v41 =	vshll.u32 v36, $0x8;
	v42 =	vand.u32 $0x3F, v40;
	v11 =	vshll.u32 v36, $0x7  }
0x1bd: {  	v11 =	vand.u32 $0x380, v11;
	v12 =	vand.u32 $0x3800, v41;
	v13 =	vadd.s32 v4, v42  }
0x1be: {  	v43 =	vand.u32 $0xFFFFFF80, v13;
	[tilespmem:v7+s15+$0x0] =	vst.idx.msk $0xffff, v9;
	v7 =	vor.u32 v12, v11  }
0x1bf: {  	v44 =	vand.u32 $0x7F, v13;
	v9 =	vadd.s32 v5, v43;
	v8 =	vld.idx.msk [tilespmem:v8+s12+$0x0], $0xffff;
	v7 =	vor.u32 v3, v7  }
0x1c0: {  	s18 =	sor.u32 $0x1C, s16;
	v9 =	vor.u32 v44, v9  }
0x1c1: {  	v45 =	vadd.s32 s18, v3  }
0x1c2: {  	v46 =	vshll.u32 v40, $0x8;
	v47 =	vand.u32 $0x3F, v45;
	v10 =	vshll.u32 v40, $0x7  }
0x1c3: {  	v10 =	vand.u32 $0x380, v10;
	v13 =	vadd.s32 v4, v47;
	v12 =	vand.u32 $0x3800, v46  }
0x1c4: {  	[tilespmem:v7+s15+$0x0] =	vst.idx.msk $0xffff, v8;
	v7 =	vor.u32 v12, v10;
	v8 =	vand.u32 $0xFFFFFF80, v13  }
0x1c5: {  	v48 =	vand.u32 $0x7F, v13;
	v9 =	vld.idx.msk [tilespmem:v9+s12+$0x0], $0xffff;
	v7 =	vor.u32 v3, v7;
	v8 =	vadd.s32 v5, v8  }
0x1c6: {  	s18 =	sor.u32 $0x1D, s16;
	v8 =	vor.u32 v48, v8  }
0x1c7: {  	v49 =	vadd.s32 s18, v3  }
0x1c8: {  	v50 =	vshll.u32 v45, $0x8;
	v51 =	vand.u32 $0x3F, v49;
	v11 =	vshll.u32 v45, $0x7  }
0x1c9: {  	v11 =	vand.u32 $0x380, v11;
	v12 =	vand.u32 $0x3800, v50;
	v13 =	vadd.s32 v4, v51  }
0x1ca: {  	v52 =	vand.u32 $0xFFFFFF80, v13;
	[tilespmem:v7+s15+$0x0] =	vst.idx.msk $0xffff, v9;
	v7 =	vor.u32 v12, v11  }
0x1cb: {  	v53 =	vand.u32 $0x7F, v13;
	v9 =	vadd.s32 v5, v52;
	v8 =	vld.idx.msk [tilespmem:v8+s12+$0x0], $0xffff;
	v7 =	vor.u32 v3, v7  }
0x1cc: {  	s18 =	sor.u32 $0x1E, s16;
	v9 =	vor.u32 v53, v9  }
0x1cd: {  	v54 =	vadd.s32 s18, v3  }
0x1ce: {  	v55 =	vshll.u32 v49, $0x8;
	v56 =	vand.u32 $0x3F, v54;
	v10 =	vshll.u32 v49, $0x7  }
0x1cf: {  	v10 =	vand.u32 $0x380, v10;
	v13 =	vadd.s32 v4, v56;
	v12 =	vand.u32 $0x3800, v55  }
0x1d0: {  	[tilespmem:v7+s15+$0x0] =	vst.idx.msk $0xffff, v8;
	v7 =	vor.u32 v12, v10;
	v8 =	vand.u32 $0xFFFFFF80, v13  }
0x1d1: {  	v57 =	vand.u32 $0x7F, v13;
	v9 =	vld.idx.msk [tilespmem:v9+s12+$0x0], $0xffff;
	v7 =	vor.u32 v3, v7;
	v8 =	vadd.s32 v5, v8  }
0x1d2: {  	s18 =	sor.u32 $0x1F, s16;
	v8 =	vor.u32 v57, v8  }
0x1d3: {  	v58 =	vadd.s32 s18, v3  }
0x1d4: {  	v59 =	vshll.u32 v54, $0x8;
	v60 =	vand.u32 $0x3F, v58;
	v11 =	vshll.u32 v54, $0x7  }
0x1d5: {  	v11 =	vand.u32 $0x380, v11;
	v12 =	vand.u32 $0x3800, v59;
	v13 =	vadd.s32 v4, v60  }
0x1d6: {  	v61 =	vand.u32 $0xFFFFFF80, v13;
	[tilespmem:v7+s15+$0x0] =	vst.idx.msk $0xffff, v9;
	v7 =	vor.u32 v12, v11  }
0x1d7: {  	v62 =	vand.u32 $0x7F, v13;
	v9 =	vadd.s32 v5, v61;
	v8 =	vld.idx.msk [tilespmem:v8+s12+$0x0], $0xffff;
	v7 =	vor.u32 v3, v7  }
0x1d8: {  	v9 =	vor.u32 v62, v9;
	_ =	sdelay $0x1  }
0x1d9: {  	v63 =	vshll.u32 v58, $0x8;
	v10 =	vshll.u32 v58, $0x7  }
0x1da: {  	v10 =	vand.u32 $0x380, v10;
	v11 =	vand.u32 $0x3800, v63  }
0x1db: {  	[tilespmem:v7+s15+$0x0] =	vst.idx.msk $0xffff, v8;
	v7 =	vor.u32 v11, v10  }
0x1dc: {  	p2 =	por p1, p1;
	v8 =	vld.idx.msk [tilespmem:v9+s12+$0x0], $0xffff;
	v7 =	vor.u32 v3, v7  }
.Ltmp2:
0x1dd: {  	_ = 	snop;
	(pc) =	sbr.rel @p2 .LBB2_8-.Ltmp2, $2  }
0x1de: {  	_ =	sdelay $0x2  }
0x1df: {  	p1 =	por $0x0, $0x0;
	s16 =	simm.s32 $0x20;
	[tilespmem:v7+s15+$0x0] =	vst.idx.msk $0xffff, v8  }
0x1e0: {  	p1 =	slt.u32 s9, $0x6  }
.Ltmp3:
0x1e1: {  	_ = 	snop;
	(pc) =	sbr.rel @p1 .LBB2_5-.Ltmp3, $3  }
0x1e2: {  	_ =	sdelay $0x1  }
0x1e3: {  	s16 =	sadd.s32 $0x2, s9  }
0x1e4: {  	s9 =	smov.u32 s16  }
0x1e5: {  	s9 =	sshll.u32 s6, $0x13  }
0x1e6: {  	s9 =	sor.u32 s4, s9  }
0x1e7: {  	s9 =	sshrl.u32 s9, $0x3  }
0x1e8: {  	s9 =	sadd.s32 s1, s9  }
0x1e9: {  	[hbm4b:s9+s3] =	stream.linear.scatter [tilespmem:s15], [sflag:$0x3], $0x400, $0x38;
	[tilespmem:$0x1C800] =	vst v63  }
0x1ea: {  	s17 =	simm.s32 $0x15000;
	s16 =	sadd.s32 $0x1000, s9  }
0x1eb: {  	[hbm4b:s16+s3] =	stream.linear.scatter [tilespmem:s17], [sflag:$0x3], $0x400, $0x38;
	[tilespmem:$0x1C800] =	vst v63  }
0x1ec: {  	s18 =	simm.s32 $0x15800;
	s17 =	sadd.s32 $0x2000, s9  }
0x1ed: {  	[hbm4b:s17+s3] =	stream.linear.scatter [tilespmem:s18], [sflag:$0x3], $0x400, $0x38;
	[tilespmem:$0x1C800] =	vst v63  }
0x1ee: {  	s17 =	sadd.s32 $0x3000, s9;
	s18 =	simm.s32 $0x16000  }
0x1ef: {  	[hbm4b:s17+s3] =	stream.linear.scatter [tilespmem:s18], [sflag:$0x3], $0x400, $0x38;
	[tilespmem:$0x1C800] =	vst v63  }
0x1f0: {  	s18 =	sadd.s32 $0x4000, s9  }
0x1f1: {  	[hbm4b:s18+s3] =	stream.linear.scatter [tilespmem:s19], [sflag:$0x3], $0x400, $0x38;
	[tilespmem:$0x1C800] =	vst v63  }
0x1f2: {  	p1 =	sne.s32 s6, $0x63;
	s17 =	sadd.s32 $0x5000, s9  }
0x1f3: {  	[hbm4b:s17+s3] =	stream.linear.scatter [tilespmem:s20], [sflag:$0x3], $0x400, $0x38;
	[tilespmem:$0x1C800] =	vst v63  }
.Ltmp4:
0x1f4: {  	_ = 	snop;
	(pc) =	sbr.rel @p1 .LBB2_12-.Ltmp4, $4  }
0x1f5: {  	s18 =	sadd.s32 $0x6000, s9  }
0x1f6: {  	[hbm4b:s18+s3] =	stream.linear.scatter [tilespmem:s21], [sflag:$0x3], $0x400, $0x38;
	[tilespmem:$0x1C800] =	vst v63  }
0x1f7: {  	s9 =	sadd.s32 $0x7000, s9  }
0x1f8: {  	[hbm4b:s9+s3] =	stream.linear.scatter [tilespmem:s22], [sflag:$0x3], $0x400, $0x38;
	[tilespmem:$0x1C800] =	vst v63  }
.Ltmp5:
0x1f9: {  	(pc) =	sbr.rel .LBB2_13-.Ltmp5, $4  }
0x1fa: {  	_ = 	snop  }
0x1fb: {  	_ =	swait.ge [sflag:s23], $0x4000  }
0x1fc: {  	[sflag:s23] =	ssyncset.done $0x0  }
0x1fd: {  	[sflag:s23] =	ssyncadd.s32 $0xFFFFC000  }
.LBB2_12:
.Ltmp6:
0x1fe: {  	s8 =	sadd.s32 $0x100, s8;
	(pc) =	sbr.rel @p0 .LBB2_14-.Ltmp6, $4  }
0x1ff: {  	[tilespmem:s12], [sflag:$0x1] =	stream.indirect.gather [hbm4b:s5+s11], $0x80, s8, s11, $0xb8;
	[tilespmem:$0x1C800] =	vst v63  }
0x200: {  	_ =	swait.ge [sflag:s23], $0x4000  }
0x201: {  	[sflag:s23] =	ssyncset.done $0x0  }
0x202: {  	[sflag:s23] =	ssyncadd.s32 $0xFFFFC000  }
.LBB2_13:
0x203: {  	_ =	swait.ge [sflag:s24], $0x2000  }
0x204: {  	[sflag:s24] =	ssyncset.done $0x0  }
0x205: {  	[sflag:s24] =	ssyncadd.s32 $0xFFFFE000  }
.LBB2_14:
0x206: {  	s9 =	sadd.s32 $0x6400, s10  }
0x207: {  	s8 =	simm.s32 $0x0;
	v2 =	vmov s9  }
.LBB2_15:
0x208: {  	_ =	sdelay $0x2  }
0x209: {  	s9 =	sshll.u32 s8, $0x4  }
0x20a: {  	v4 =	vld.idx.msk [tilespmem:v2+s9+$0x0 ss:$0x1], $0xffff  }
0x20b: {  	v3 =	vor.u32 s9, v0  }
0x20c: {  	p0 =	por $0x1, $0x1;
	s10 =	simm.s32 $0x0;
	v6 =	vor.u32 s9, v1;
	v5 =	vshll.u32 v3, $0x7  }
.LBB2_16:
0x20d: {  	v7 =	vadd.s32 s10, v3  }
0x20e: {  	v8 =	vand.u32 $0x2F, v7  }
0x20f: {  	v8 =	vadd.s32 v4, v8  }
0x210: {  	v9 =	vand.u32 $0xFFFFFF80, v8  }
0x211: {  	v8 =	vand.u32 $0x7F, v8;
	v9 =	vadd.s32 v5, v9  }
0x212: {  	s16 =	sor.u32 $0x1, s10;
	v8 =	vor.u32 v8, v9  }
0x213: {  	v27 =	vadd.s32 s16, v3  }
0x214: {  	v10 =	vand.u32 $0x3F, v27  }
0x215: {  	v7 =	vshll.u32 v7, $0x8;
	v10 =	vadd.s32 v4, v10  }
0x216: {  	v7 =	vand.u32 $0x2800, v7;
	v11 =	vand.u32 $0xFFFFFF80, v10  }
0x217: {  	v7 =	vor.u32 v7, v6;
	v10 =	vand.u32 $0x7F, v10;
	v11 =	vadd.s32 v5, v11;
	v8 =	vld.idx.msk [tilespmem:v8+s13+$0x0], $0xffff  }
0x218: {  	s17 =	sor.u32 $0x2, s10;
	v10 =	vor.u32 v10, v11  }
0x219: {  	v28 =	vadd.s32 s17, v3  }
0x21a: {  	v12 =	vshll.u32 v27, $0x8;
	v13 =	vand.u32 $0x3F, v28;
	v9 =	vshll.u32 v27, $0x7  }
0x21b: {  	v12 =	vand.u32 $0x3800, v12;
	v13 =	vadd.s32 v4, v13;
	v9 =	vand.u32 $0x380, v9  }
0x21c: {  	[tilespmem:v7+s25+$0x0] =	vst.idx.msk $0xffff, v8;
	v7 =	vor.u32 v12, v9;
	v8 =	vand.u32 $0xFFFFFF80, v13  }
0x21d: {  	v30 =	vand.u32 $0x7F, v13;
	v29 =	vld.idx.msk [tilespmem:v10+s13+$0x0], $0xffff;
	v7 =	vor.u32 v3, v7;
	v8 =	vadd.s32 v5, v8  }
0x21e: {  	s18 =	sor.u32 $0x3, s10;
	v8 =	vor.u32 v30, v8  }
0x21f: {  	v31 =	vadd.s32 s18, v3  }
0x220: {  	v32 =	vshll.u32 v28, $0x8;
	v33 =	vand.u32 $0x3F, v31;
	v11 =	vshll.u32 v28, $0x7  }
0x221: {  	v11 =	vand.u32 $0x380, v11;
	v12 =	vand.u32 $0x3800, v32;
	v13 =	vadd.s32 v4, v33  }
0x222: {  	v34 =	vand.u32 $0xFFFFFF80, v13;
	[tilespmem:v7+s25+$0x0] =	vst.idx.msk $0xffff, v29;
	v7 =	vor.u32 v12, v11  }
0x223: {  	v35 =	vand.u32 $0x7F, v13;
	v9 =	vadd.s32 v5, v34;
	v8 =	vld.idx.msk [tilespmem:v8+s13+$0x0], $0xffff;
	v7 =	vor.u32 v3, v7  }
0x224: {  	s17 =	sor.u32 $0x4, s10;
	v9 =	vor.u32 v35, v9  }
0x225: {  	v36 =	vadd.s32 s17, v3  }
0x226: {  	v37 =	vshll.u32 v31, $0x8;
	v38 =	vand.u32 $0x3F, v36;
	v10 =	vshll.u32 v31, $0x7  }
0x227: {  	v13 =	vadd.s32 v4, v38;
	v10 =	vand.u32 $0x380, v10;
	v12 =	vand.u32 $0x3800, v37  }
0x228: {  	[tilespmem:v7+s25+$0x0] =	vst.idx.msk $0xffff, v8;
	v7 =	vor.u32 v12, v10;
	v8 =	vand.u32 $0xFFFFFF80, v13  }
0x229: {  	v39 =	vand.u32 $0x7F, v13;
	v9 =	vld.idx.msk [tilespmem:v9+s13+$0x0], $0xffff;
	v7 =	vor.u32 v3, v7;
	v8 =	vadd.s32 v5, v8  }
0x22a: {  	s18 =	sor.u32 $0x5, s10;
	v8 =	vor.u32 v39, v8  }
0x22b: {  	v40 =	vadd.s32 s18, v3  }
0x22c: {  	v41 =	vshll.u32 v36, $0x8;
	v42 =	vand.u32 $0x3F, v40;
	v11 =	vshll.u32 v36, $0x7  }
0x22d: {  	v11 =	vand.u32 $0x380, v11;
	v12 =	vand.u32 $0x3800, v41;
	v13 =	vadd.s32 v4, v42  }
0x22e: {  	v43 =	vand.u32 $0xFFFFFF80, v13;
	[tilespmem:v7+s25+$0x0] =	vst.idx.msk $0xffff, v9;
	v7 =	vor.u32 v12, v11  }
0x22f: {  	v44 =	vand.u32 $0x7F, v13;
	v9 =	vadd.s32 v5, v43;
	v8 =	vld.idx.msk [tilespmem:v8+s13+$0x0], $0xffff;
	v7 =	vor.u32 v3, v7  }
0x230: {  	s17 =	sor.u32 $0x6, s10;
	v9 =	vor.u32 v44, v9  }
0x231: {  	v45 =	vadd.s32 s17, v3  }
0x232: {  	v46 =	vshll.u32 v40, $0x8;
	v47 =	vand.u32 $0x3F, v45;
	v10 =	vshll.u32 v40, $0x7  }
0x233: {  	v10 =	vand.u32 $0x380, v10;
	v13 =	vadd.s32 v4, v47;
	v12 =	vand.u32 $0x3800, v46  }
0x234: {  	[tilespmem:v7+s25+$0x0] =	vst.idx.msk $0xffff, v8;
	v7 =	vor.u32 v12, v10;
	v8 =	vand.u32 $0xFFFFFF80, v13  }
0x235: {  	v48 =	vand.u32 $0x7F, v13;
	v9 =	vld.idx.msk [tilespmem:v9+s13+$0x0], $0xffff;
	v7 =	vor.u32 v3, v7;
	v8 =	vadd.s32 v5, v8  }
0x236: {  	s18 =	sor.u32 $0x7, s10;
	v8 =	vor.u32 v48, v8  }
0x237: {  	v49 =	vadd.s32 s18, v3  }
0x238: {  	v50 =	vshll.u32 v45, $0x8;
	v51 =	vand.u32 $0x3F, v49;
	v11 =	vshll.u32 v45, $0x7  }
0x239: {  	v11 =	vand.u32 $0x380, v11;
	v12 =	vand.u32 $0x3800, v50;
	v13 =	vadd.s32 v4, v51  }
0x23a: {  	v52 =	vand.u32 $0xFFFFFF80, v13;
	[tilespmem:v7+s25+$0x0] =	vst.idx.msk $0xffff, v9;
	v7 =	vor.u32 v12, v11  }
0x23b: {  	v53 =	vand.u32 $0x7F, v13;
	v9 =	vadd.s32 v5, v52;
	v8 =	vld.idx.msk [tilespmem:v8+s13+$0x0], $0xffff;
	v7 =	vor.u32 v3, v7  }
0x23c: {  	s17 =	sor.u32 $0x8, s10;
	v9 =	vor.u32 v53, v9  }
0x23d: {  	v54 =	vadd.s32 s17, v3  }
0x23e: {  	v55 =	vshll.u32 v49, $0x8;
	v56 =	vand.u32 $0x3F, v54;
	v10 =	vshll.u32 v49, $0x7  }
0x23f: {  	v10 =	vand.u32 $0x380, v10;
	v13 =	vadd.s32 v4, v56;
	v12 =	vand.u32 $0x3800, v55  }
0x240: {  	[tilespmem:v7+s25+$0x0] =	vst.idx.msk $0xffff, v8;
	v7 =	vor.u32 v12, v10;
	v8 =	vand.u32 $0xFFFFFF80, v13  }
0x241: {  	v57 =	vand.u32 $0x7F, v13;
	v9 =	vld.idx.msk [tilespmem:v9+s13+$0x0], $0xffff;
	v7 =	vor.u32 v3, v7;
	v8 =	vadd.s32 v5, v8  }
0x242: {  	s18 =	sor.u32 $0x9, s10;
	v8 =	vor.u32 v57, v8  }
0x243: {  	v58 =	vadd.s32 s18, v3  }
0x244: {  	v59 =	vand.u32 $0x3F, v58  }
0x245: {  	v11 =	vshll.u32 v54, $0x8;
	v12 =	vadd.s32 v4, v59  }
0x246: {  	v60 =	vand.u32 $0xFFFFFF80, v12;
	[tilespmem:v7+s25+$0x0] =	vst.idx.msk $0xffff, v9;
	v7 =	vand.u32 $0x3800, v11  }
0x247: {  	v61 =	vand.u32 $0x7F, v12;
	v9 =	vadd.s32 v5, v60;
	v8 =	vld.idx.msk [tilespmem:v8+s13+$0x0], $0xffff;
	v7 =	vor.u32 v7, v6  }
0x248: {  	s17 =	sor.u32 $0xA, s10;
	v9 =	vor.u32 v61, v9  }
0x249: {  	v62 =	vadd.s32 s17, v3  }
0x24a: {  	v63 =	vshll.u32 v58, $0x8;
	v16 =	vand.u32 $0x3F, v62;
	v10 =	vshll.u32 v58, $0x7  }
0x24b: {  	v13 =	vadd.s32 v4, v16;
	v12 =	vand.u32 $0x3800, v63;
	v10 =	vand.u32 $0x380, v10  }
0x24c: {  	[tilespmem:v7+s25+$0x0] =	vst.idx.msk $0xffff, v8;
	v7 =	vor.u32 v12, v10;
	v8 =	vand.u32 $0xFFFFFF80, v13  }
0x24d: {  	v17 =	vand.u32 $0x7F, v13;
	v9 =	vld.idx.msk [tilespmem:v9+s13+$0x0], $0xffff;
	v7 =	vor.u32 v3, v7;
	v8 =	vadd.s32 v5, v8  }
0x24e: {  	s18 =	sor.u32 $0xB, s10;
	v8 =	vor.u32 v17, v8  }
0x24f: {  	v18 =	vadd.s32 s18, v3  }
0x250: {  	v19 =	vshll.u32 v62, $0x8;
	v20 =	vand.u32 $0x3F, v18;
	v11 =	vshll.u32 v62, $0x7  }
0x251: {  	v11 =	vand.u32 $0x380, v11;
	v12 =	vand.u32 $0x3800, v19;
	v13 =	vadd.s32 v4, v20  }
0x252: {  	v21 =	vand.u32 $0xFFFFFF80, v13;
	[tilespmem:v7+s25+$0x0] =	vst.idx.msk $0xffff, v9;
	v7 =	vor.u32 v12, v11  }
0x253: {  	v22 =	vand.u32 $0x7F, v13;
	v9 =	vadd.s32 v5, v21;
	v8 =	vld.idx.msk [tilespmem:v8+s13+$0x0], $0xffff;
	v7 =	vor.u32 v3, v7  }
0x254: {  	s17 =	sor.u32 $0xC, s10;
	v9 =	vor.u32 v22, v9  }
0x255: {  	v23 =	vadd.s32 s17, v3  }
0x256: {  	v24 =	vshll.u32 v18, $0x8;
	v25 =	vand.u32 $0x3F, v23;
	v10 =	vshll.u32 v18, $0x7  }
0x257: {  	v10 =	vand.u32 $0x380, v10;
	v13 =	vadd.s32 v4, v25;
	v12 =	vand.u32 $0x3800, v24  }
0x258: {  	[tilespmem:v7+s25+$0x0] =	vst.idx.msk $0xffff, v8;
	v7 =	vor.u32 v12, v10;
	v8 =	vand.u32 $0xFFFFFF80, v13  }
0x259: {  	v26 =	vand.u32 $0x7F, v13;
	v9 =	vld.idx.msk [tilespmem:v9+s13+$0x0], $0xffff;
	v7 =	vor.u32 v3, v7;
	v8 =	vadd.s32 v5, v8  }
0x25a: {  	s18 =	sor.u32 $0xD, s10;
	v8 =	vor.u32 v26, v8  }
0x25b: {  	v27 =	vadd.s32 s18, v3  }
0x25c: {  	v28 =	vshll.u32 v23, $0x8;
	v29 =	vand.u32 $0x3F, v27;
	v11 =	vshll.u32 v23, $0x7  }
0x25d: {  	v11 =	vand.u32 $0x380, v11;
	v12 =	vand.u32 $0x3800, v28;
	v13 =	vadd.s32 v4, v29  }
0x25e: {  	v30 =	vand.u32 $0xFFFFFF80, v13;
	[tilespmem:v7+s25+$0x0] =	vst.idx.msk $0xffff, v9;
	v7 =	vor.u32 v12, v11  }
0x25f: {  	v31 =	vand.u32 $0x7F, v13;
	v9 =	vadd.s32 v5, v30;
	v8 =	vld.idx.msk [tilespmem:v8+s13+$0x0], $0xffff;
	v7 =	vor.u32 v3, v7  }
0x260: {  	s17 =	sor.u32 $0xE, s10;
	v9 =	vor.u32 v31, v9  }
0x261: {  	v32 =	vadd.s32 s17, v3  }
0x262: {  	v33 =	vshll.u32 v27, $0x8;
	v34 =	vand.u32 $0x3F, v32;
	v10 =	vshll.u32 v27, $0x7  }
0x263: {  	v10 =	vand.u32 $0x380, v10;
	v13 =	vadd.s32 v4, v34;
	v12 =	vand.u32 $0x3800, v33  }
0x264: {  	[tilespmem:v7+s25+$0x0] =	vst.idx.msk $0xffff, v8;
	v7 =	vor.u32 v12, v10;
	v8 =	vand.u32 $0xFFFFFF80, v13  }
0x265: {  	v35 =	vand.u32 $0x7F, v13;
	v9 =	vld.idx.msk [tilespmem:v9+s13+$0x0], $0xffff;
	v7 =	vor.u32 v3, v7;
	v8 =	vadd.s32 v5, v8  }
0x266: {  	s18 =	sor.u32 $0xF, s10;
	v8 =	vor.u32 v35, v8  }
0x267: {  	v36 =	vadd.s32 s18, v3  }
0x268: {  	v37 =	vshll.u32 v32, $0x8;
	v38 =	vand.u32 $0x3F, v36;
	v11 =	vshll.u32 v32, $0x7  }
0x269: {  	v11 =	vand.u32 $0x380, v11;
	v12 =	vand.u32 $0x3800, v37;
	v13 =	vadd.s32 v4, v38  }
0x26a: {  	v39 =	vand.u32 $0xFFFFFF80, v13;
	[tilespmem:v7+s25+$0x0] =	vst.idx.msk $0xffff, v9;
	v7 =	vor.u32 v12, v11  }
0x26b: {  	v40 =	vand.u32 $0x7F, v13;
	v9 =	vadd.s32 v5, v39;
	v8 =	vld.idx.msk [tilespmem:v8+s13+$0x0], $0xffff;
	v7 =	vor.u32 v3, v7  }
0x26c: {  	s17 =	sor.u32 $0x10, s10;
	v9 =	vor.u32 v40, v9  }
0x26d: {  	v41 =	vadd.s32 s17, v3  }
0x26e: {  	v42 =	vshll.u32 v36, $0x8;
	v43 =	vand.u32 $0x3F, v41;
	v10 =	vshll.u32 v36, $0x7  }
0x26f: {  	v10 =	vand.u32 $0x380, v10;
	v13 =	vadd.s32 v4, v43;
	v12 =	vand.u32 $0x3800, v42  }
0x270: {  	[tilespmem:v7+s25+$0x0] =	vst.idx.msk $0xffff, v8;
	v7 =	vor.u32 v12, v10;
	v8 =	vand.u32 $0xFFFFFF80, v13  }
0x271: {  	v44 =	vand.u32 $0x7F, v13;
	v9 =	vld.idx.msk [tilespmem:v9+s13+$0x0], $0xffff;
	v7 =	vor.u32 v3, v7;
	v8 =	vadd.s32 v5, v8  }
0x272: {  	s18 =	sor.u32 $0x11, s10;
	v8 =	vor.u32 v44, v8  }
0x273: {  	v45 =	vadd.s32 s18, v3  }
0x274: {  	v46 =	vand.u32 $0x3F, v45  }
0x275: {  	v11 =	vshll.u32 v41, $0x8;
	v12 =	vadd.s32 v4, v46  }
0x276: {  	v47 =	vand.u32 $0xFFFFFF80, v12;
	[tilespmem:v7+s25+$0x0] =	vst.idx.msk $0xffff, v9;
	v7 =	vand.u32 $0x3800, v11  }
0x277: {  	v48 =	vand.u32 $0x7F, v12;
	v9 =	vadd.s32 v5, v47;
	v8 =	vld.idx.msk [tilespmem:v8+s13+$0x0], $0xffff;
	v7 =	vor.u32 v7, v6  }
0x278: {  	s17 =	sor.u32 $0x12, s10;
	v9 =	vor.u32 v48, v9  }
0x279: {  	v49 =	vadd.s32 s17, v3  }
0x27a: {  	v50 =	vshll.u32 v45, $0x8;
	v51 =	vand.u32 $0x3F, v49;
	v10 =	vshll.u32 v45, $0x7  }
0x27b: {  	v13 =	vadd.s32 v4, v51;
	v12 =	vand.u32 $0x3800, v50;
	v10 =	vand.u32 $0x380, v10  }
0x27c: {  	[tilespmem:v7+s25+$0x0] =	vst.idx.msk $0xffff, v8;
	v7 =	vor.u32 v12, v10;
	v8 =	vand.u32 $0xFFFFFF80, v13  }
0x27d: {  	v52 =	vand.u32 $0x7F, v13;
	v9 =	vld.idx.msk [tilespmem:v9+s13+$0x0], $0xffff;
	v7 =	vor.u32 v3, v7;
	v8 =	vadd.s32 v5, v8  }
0x27e: {  	s18 =	sor.u32 $0x13, s10;
	v8 =	vor.u32 v52, v8  }
0x27f: {  	v53 =	vadd.s32 s18, v3  }
0x280: {  	v54 =	vshll.u32 v49, $0x8;
	v55 =	vand.u32 $0x3F, v53;
	v11 =	vshll.u32 v49, $0x7  }
0x281: {  	v11 =	vand.u32 $0x380, v11;
	v12 =	vand.u32 $0x3800, v54;
	v13 =	vadd.s32 v4, v55  }
0x282: {  	v56 =	vand.u32 $0xFFFFFF80, v13;
	[tilespmem:v7+s25+$0x0] =	vst.idx.msk $0xffff, v9;
	v7 =	vor.u32 v12, v11  }
0x283: {  	v57 =	vand.u32 $0x7F, v13;
	v9 =	vadd.s32 v5, v56;
	v8 =	vld.idx.msk [tilespmem:v8+s13+$0x0], $0xffff;
	v7 =	vor.u32 v3, v7  }
0x284: {  	s17 =	sor.u32 $0x14, s10;
	v9 =	vor.u32 v57, v9  }
0x285: {  	v58 =	vadd.s32 s17, v3  }
0x286: {  	v59 =	vshll.u32 v53, $0x8;
	v60 =	vand.u32 $0x3F, v58;
	v10 =	vshll.u32 v53, $0x7  }
0x287: {  	v10 =	vand.u32 $0x380, v10;
	v13 =	vadd.s32 v4, v60;
	v12 =	vand.u32 $0x3800, v59  }
0x288: {  	[tilespmem:v7+s25+$0x0] =	vst.idx.msk $0xffff, v8;
	v7 =	vor.u32 v12, v10;
	v8 =	vand.u32 $0xFFFFFF80, v13  }
0x289: {  	v61 =	vand.u32 $0x7F, v13;
	v9 =	vld.idx.msk [tilespmem:v9+s13+$0x0], $0xffff;
	v7 =	vor.u32 v3, v7;
	v8 =	vadd.s32 v5, v8  }
0x28a: {  	s18 =	sor.u32 $0x15, s10;
	v8 =	vor.u32 v61, v8  }
0x28b: {  	v62 =	vadd.s32 s18, v3  }
0x28c: {  	v63 =	vshll.u32 v58, $0x8;
	v16 =	vand.u32 $0x3F, v62;
	v11 =	vshll.u32 v58, $0x7  }
0x28d: {  	v11 =	vand.u32 $0x380, v11;
	v12 =	vand.u32 $0x3800, v63;
	v13 =	vadd.s32 v4, v16  }
0x28e: {  	v17 =	vand.u32 $0xFFFFFF80, v13;
	[tilespmem:v7+s25+$0x0] =	vst.idx.msk $0xffff, v9;
	v7 =	vor.u32 v12, v11  }
0x28f: {  	v18 =	vand.u32 $0x7F, v13;
	v9 =	vadd.s32 v5, v17;
	v8 =	vld.idx.msk [tilespmem:v8+s13+$0x0], $0xffff;
	v7 =	vor.u32 v3, v7  }
0x290: {  	s17 =	sor.u32 $0x16, s10;
	v9 =	vor.u32 v18, v9  }
0x291: {  	v19 =	vadd.s32 s17, v3  }
0x292: {  	v20 =	vshll.u32 v62, $0x8;
	v21 =	vand.u32 $0x3F, v19;
	v10 =	vshll.u32 v62, $0x7  }
0x293: {  	v10 =	vand.u32 $0x380, v10;
	v13 =	vadd.s32 v4, v21;
	v12 =	vand.u32 $0x3800, v20  }
0x294: {  	[tilespmem:v7+s25+$0x0] =	vst.idx.msk $0xffff, v8;
	v7 =	vor.u32 v12, v10;
	v8 =	vand.u32 $0xFFFFFF80, v13  }
0x295: {  	v22 =	vand.u32 $0x7F, v13;
	v9 =	vld.idx.msk [tilespmem:v9+s13+$0x0], $0xffff;
	v7 =	vor.u32 v3, v7;
	v8 =	vadd.s32 v5, v8  }
0x296: {  	s18 =	sor.u32 $0x17, s10;
	v8 =	vor.u32 v22, v8  }
0x297: {  	v23 =	vadd.s32 s18, v3  }
0x298: {  	v24 =	vshll.u32 v19, $0x8;
	v25 =	vand.u32 $0x3F, v23;
	v11 =	vshll.u32 v19, $0x7  }
0x299: {  	v11 =	vand.u32 $0x380, v11;
	v12 =	vand.u32 $0x3800, v24;
	v13 =	vadd.s32 v4, v25  }
0x29a: {  	v26 =	vand.u32 $0xFFFFFF80, v13;
	[tilespmem:v7+s25+$0x0] =	vst.idx.msk $0xffff, v9;
	v7 =	vor.u32 v12, v11  }
0x29b: {  	v27 =	vand.u32 $0x7F, v13;
	v9 =	vadd.s32 v5, v26;
	v8 =	vld.idx.msk [tilespmem:v8+s13+$0x0], $0xffff;
	v7 =	vor.u32 v3, v7  }
0x29c: {  	s17 =	sor.u32 $0x18, s10;
	v9 =	vor.u32 v27, v9  }
0x29d: {  	v28 =	vadd.s32 s17, v3  }
0x29e: {  	v29 =	vshll.u32 v23, $0x8;
	v30 =	vand.u32 $0x3F, v28;
	v10 =	vshll.u32 v23, $0x7  }
0x29f: {  	v10 =	vand.u32 $0x380, v10;
	v13 =	vadd.s32 v4, v30;
	v12 =	vand.u32 $0x3800, v29  }
0x2a0: {  	[tilespmem:v7+s25+$0x0] =	vst.idx.msk $0xffff, v8;
	v7 =	vor.u32 v12, v10;
	v8 =	vand.u32 $0xFFFFFF80, v13  }
0x2a1: {  	v31 =	vand.u32 $0x7F, v13;
	v9 =	vld.idx.msk [tilespmem:v9+s13+$0x0], $0xffff;
	v7 =	vor.u32 v3, v7;
	v8 =	vadd.s32 v5, v8  }
0x2a2: {  	s18 =	sor.u32 $0x19, s10;
	v8 =	vor.u32 v31, v8  }
0x2a3: {  	v32 =	vadd.s32 s18, v3  }
0x2a4: {  	v33 =	vand.u32 $0x3F, v32  }
0x2a5: {  	v11 =	vshll.u32 v28, $0x8;
	v12 =	vadd.s32 v4, v33  }
0x2a6: {  	v34 =	vand.u32 $0xFFFFFF80, v12;
	[tilespmem:v7+s25+$0x0] =	vst.idx.msk $0xffff, v9;
	v7 =	vand.u32 $0x3800, v11  }
0x2a7: {  	v35 =	vand.u32 $0x7F, v12;
	v9 =	vadd.s32 v5, v34;
	v8 =	vld.idx.msk [tilespmem:v8+s13+$0x0], $0xffff;
	v7 =	vor.u32 v7, v6  }
0x2a8: {  	s17 =	sor.u32 $0x1A, s10;
	v9 =	vor.u32 v35, v9  }
0x2a9: {  	v36 =	vadd.s32 s17, v3  }
0x2aa: {  	v37 =	vshll.u32 v32, $0x8;
	v38 =	vand.u32 $0x3F, v36;
	v10 =	vshll.u32 v32, $0x7  }
0x2ab: {  	v13 =	vadd.s32 v4, v38;
	v12 =	vand.u32 $0x3800, v37;
	v10 =	vand.u32 $0x380, v10  }
0x2ac: {  	[tilespmem:v7+s25+$0x0] =	vst.idx.msk $0xffff, v8;
	v7 =	vor.u32 v12, v10;
	v8 =	vand.u32 $0xFFFFFF80, v13  }
0x2ad: {  	v39 =	vand.u32 $0x7F, v13;
	v9 =	vld.idx.msk [tilespmem:v9+s13+$0x0], $0xffff;
	v7 =	vor.u32 v3, v7;
	v8 =	vadd.s32 v5, v8  }
0x2ae: {  	s18 =	sor.u32 $0x1B, s10;
	v8 =	vor.u32 v39, v8  }
0x2af: {  	v40 =	vadd.s32 s18, v3  }
0x2b0: {  	v41 =	vshll.u32 v36, $0x8;
	v42 =	vand.u32 $0x3F, v40;
	v11 =	vshll.u32 v36, $0x7  }
0x2b1: {  	v11 =	vand.u32 $0x380, v11;
	v12 =	vand.u32 $0x3800, v41;
	v13 =	vadd.s32 v4, v42  }
0x2b2: {  	v43 =	vand.u32 $0xFFFFFF80, v13;
	[tilespmem:v7+s25+$0x0] =	vst.idx.msk $0xffff, v9;
	v7 =	vor.u32 v12, v11  }
0x2b3: {  	v44 =	vand.u32 $0x7F, v13;
	v9 =	vadd.s32 v5, v43;
	v8 =	vld.idx.msk [tilespmem:v8+s13+$0x0], $0xffff;
	v7 =	vor.u32 v3, v7  }
0x2b4: {  	s17 =	sor.u32 $0x1C, s10;
	v9 =	vor.u32 v44, v9  }
0x2b5: {  	v45 =	vadd.s32 s17, v3  }
0x2b6: {  	v46 =	vshll.u32 v40, $0x8;
	v47 =	vand.u32 $0x3F, v45;
	v10 =	vshll.u32 v40, $0x7  }
0x2b7: {  	v10 =	vand.u32 $0x380, v10;
	v13 =	vadd.s32 v4, v47;
	v12 =	vand.u32 $0x3800, v46  }
0x2b8: {  	[tilespmem:v7+s25+$0x0] =	vst.idx.msk $0xffff, v8;
	v7 =	vor.u32 v12, v10;
	v8 =	vand.u32 $0xFFFFFF80, v13  }
0x2b9: {  	v48 =	vand.u32 $0x7F, v13;
	v9 =	vld.idx.msk [tilespmem:v9+s13+$0x0], $0xffff;
	v7 =	vor.u32 v3, v7;
	v8 =	vadd.s32 v5, v8  }
0x2ba: {  	s18 =	sor.u32 $0x1D, s10;
	v8 =	vor.u32 v48, v8  }
0x2bb: {  	v49 =	vadd.s32 s18, v3  }
0x2bc: {  	v50 =	vshll.u32 v45, $0x8;
	v51 =	vand.u32 $0x3F, v49;
	v11 =	vshll.u32 v45, $0x7  }
0x2bd: {  	v11 =	vand.u32 $0x380, v11;
	v12 =	vand.u32 $0x3800, v50;
	v13 =	vadd.s32 v4, v51  }
0x2be: {  	v52 =	vand.u32 $0xFFFFFF80, v13;
	[tilespmem:v7+s25+$0x0] =	vst.idx.msk $0xffff, v9;
	v7 =	vor.u32 v12, v11  }
0x2bf: {  	v53 =	vand.u32 $0x7F, v13;
	v9 =	vadd.s32 v5, v52;
	v8 =	vld.idx.msk [tilespmem:v8+s13+$0x0], $0xffff;
	v7 =	vor.u32 v3, v7  }
0x2c0: {  	s17 =	sor.u32 $0x1E, s10;
	v9 =	vor.u32 v53, v9  }
0x2c1: {  	v54 =	vadd.s32 s17, v3  }
0x2c2: {  	v55 =	vshll.u32 v49, $0x8;
	v56 =	vand.u32 $0x3F, v54;
	v10 =	vshll.u32 v49, $0x7  }
0x2c3: {  	v10 =	vand.u32 $0x380, v10;
	v13 =	vadd.s32 v4, v56;
	v12 =	vand.u32 $0x3800, v55  }
0x2c4: {  	[tilespmem:v7+s25+$0x0] =	vst.idx.msk $0xffff, v8;
	v7 =	vor.u32 v12, v10;
	v8 =	vand.u32 $0xFFFFFF80, v13  }
0x2c5: {  	v57 =	vand.u32 $0x7F, v13;
	v9 =	vld.idx.msk [tilespmem:v9+s13+$0x0], $0xffff;
	v7 =	vor.u32 v3, v7;
	v8 =	vadd.s32 v5, v8  }
0x2c6: {  	s18 =	sor.u32 $0x1F, s10;
	v8 =	vor.u32 v57, v8  }
0x2c7: {  	v58 =	vadd.s32 s18, v3  }
0x2c8: {  	v59 =	vshll.u32 v54, $0x8;
	v60 =	vand.u32 $0x3F, v58;
	v11 =	vshll.u32 v54, $0x7  }
0x2c9: {  	v11 =	vand.u32 $0x380, v11;
	v12 =	vand.u32 $0x3800, v59;
	v13 =	vadd.s32 v4, v60  }
0x2ca: {  	v61 =	vand.u32 $0xFFFFFF80, v13;
	[tilespmem:v7+s25+$0x0] =	vst.idx.msk $0xffff, v9;
	v7 =	vor.u32 v12, v11  }
0x2cb: {  	v62 =	vand.u32 $0x7F, v13;
	v9 =	vadd.s32 v5, v61;
	v8 =	vld.idx.msk [tilespmem:v8+s13+$0x0], $0xffff;
	v7 =	vor.u32 v3, v7  }
0x2cc: {  	v9 =	vor.u32 v62, v9;
	_ =	sdelay $0x1  }
0x2cd: {  	v63 =	vshll.u32 v58, $0x8;
	v10 =	vshll.u32 v58, $0x7  }
0x2ce: {  	v10 =	vand.u32 $0x380, v10;
	v11 =	vand.u32 $0x3800, v63  }
0x2cf: {  	[tilespmem:v7+s25+$0x0] =	vst.idx.msk $0xffff, v8;
	v7 =	vor.u32 v11, v10  }
0x2d0: {  	p1 =	por p0, p0;
	v8 =	vld.idx.msk [tilespmem:v9+s13+$0x0], $0xffff;
	v7 =	vor.u32 v3, v7  }
.Ltmp7:
0x2d1: {  	_ = 	snop;
	(pc) =	sbr.rel @p1 .LBB2_16-.Ltmp7, $2  }
0x2d2: {  	_ =	sdelay $0x2  }
0x2d3: {  	p0 =	por $0x0, $0x0;
	s10 =	simm.s32 $0x20;
	[tilespmem:v7+s25+$0x0] =	vst.idx.msk $0xffff, v8  }
0x2d4: {  	_ =	sdelay $0x2  }
0x2d5: {  	s9 =	sor.u32 $0x10, s9  }
0x2d6: {  	v4 =	vld.idx.msk [tilespmem:v2+s9+$0x0 ss:$0x1], $0xffff  }
0x2d7: {  	v3 =	vor.u32 s9, v0  }
0x2d8: {  	p0 =	por $0x1, $0x1;
	v6 =	vor.u32 s9, v1;
	s9 =	simm.s32 $0x0;
	v5 =	vshll.u32 v3, $0x7  }
.LBB2_18:
0x2d9: {  	v7 =	vadd.s32 s9, v3  }
0x2da: {  	v8 =	vand.u32 $0x3F, v7  }
0x2db: {  	v8 =	vadd.s32 v4, v8  }
0x2dc: {  	v9 =	vand.u32 $0xFFFFFF80, v8  }
0x2dd: {  	v8 =	vand.u32 $0x7F, v8;
	v9 =	vadd.s32 v5, v9  }
0x2de: {  	s10 =	sor.u32 $0x1, s9;
	v8 =	vor.u32 v8, v9  }
0x2df: {  	v27 =	vadd.s32 s10, v3  }
0x2e0: {  	v10 =	vand.u32 $0x3F, v27  }
0x2e1: {  	v7 =	vshll.u32 v7, $0x8;
	v10 =	vadd.s32 v4, v10  }
0x2e2: {  	v7 =	vand.u32 $0x3800, v7;
	v11 =	vand.u32 $0xFFFFFF80, v10  }
0x2e3: {  	v7 =	vor.u32 v7, v6;
	v10 =	vand.u32 $0x7F, v10;
	v11 =	vadd.s32 v5, v11;
	v8 =	vld.idx.msk [tilespmem:v8+s13+$0x0], $0xffff  }
0x2e4: {  	s16 =	sor.u32 $0x2, s9;
	v10 =	vor.u32 v10, v11  }
0x2e5: {  	v28 =	vadd.s32 s16, v3  }
0x2e6: {  	v12 =	vshll.u32 v27, $0x8;
	v13 =	vand.u32 $0x3F, v28;
	v9 =	vshll.u32 v27, $0x7  }
0x2e7: {  	v12 =	vand.u32 $0x3800, v12;
	v13 =	vadd.s32 v4, v13;
	v9 =	vand.u32 $0x380, v9  }
0x2e8: {  	[tilespmem:v7+s25+$0x0] =	vst.idx.msk $0xffff, v8;
	v7 =	vor.u32 v12, v9;
	v8 =	vand.u32 $0xFFFFFF80, v13  }
0x2e9: {  	v30 =	vand.u32 $0x7F, v13;
	v29 =	vld.idx.msk [tilespmem:v10+s13+$0x0], $0xffff;
	v7 =	vor.u32 v3, v7;
	v8 =	vadd.s32 v5, v8  }
0x2ea: {  	s17 =	sor.u32 $0x3, s9;
	v8 =	vor.u32 v30, v8  }
0x2eb: {  	v31 =	vadd.s32 s17, v3  }
0x2ec: {  	v32 =	vshll.u32 v28, $0x8;
	v33 =	vand.u32 $0x3F, v31;
	v11 =	vshll.u32 v28, $0x7  }
0x2ed: {  	v11 =	vand.u32 $0x380, v11;
	v12 =	vand.u32 $0x3800, v32;
	v13 =	vadd.s32 v4, v33  }
0x2ee: {  	v34 =	vand.u32 $0xFFFFFF80, v13;
	[tilespmem:v7+s25+$0x0] =	vst.idx.msk $0xffff, v29;
	v7 =	vor.u32 v12, v11  }
0x2ef: {  	v35 =	vand.u32 $0x7F, v13;
	v9 =	vadd.s32 v5, v34;
	v8 =	vld.idx.msk [tilespmem:v8+s13+$0x0], $0xffff;
	v7 =	vor.u32 v3, v7  }
0x2f0: {  	s18 =	sor.u32 $0x4, s9;
	v9 =	vor.u32 v35, v9  }
0x2f1: {  	v36 =	vadd.s32 s18, v3  }
0x2f2: {  	v37 =	vshll.u32 v31, $0x8;
	v38 =	vand.u32 $0x3F, v36;
	v10 =	vshll.u32 v31, $0x7  }
0x2f3: {  	v13 =	vadd.s32 v4, v38;
	v10 =	vand.u32 $0x380, v10;
	v12 =	vand.u32 $0x3800, v37  }
0x2f4: {  	[tilespmem:v7+s25+$0x0] =	vst.idx.msk $0xffff, v8;
	v7 =	vor.u32 v12, v10;
	v8 =	vand.u32 $0xFFFFFF80, v13  }
0x2f5: {  	v39 =	vand.u32 $0x7F, v13;
	v9 =	vld.idx.msk [tilespmem:v9+s13+$0x0], $0xffff;
	v7 =	vor.u32 v3, v7;
	v8 =	vadd.s32 v5, v8  }
0x2f6: {  	s16 =	sor.u32 $0x5, s9;
	v8 =	vor.u32 v39, v8  }
0x2f7: {  	v40 =	vadd.s32 s16, v3  }
0x2f8: {  	v41 =	vshll.u32 v36, $0x8;
	v42 =	vand.u32 $0x3F, v40;
	v11 =	vshll.u32 v36, $0x7  }
0x2f9: {  	v11 =	vand.u32 $0x380, v11;
	v12 =	vand.u32 $0x3800, v41;
	v13 =	vadd.s32 v4, v42  }
0x2fa: {  	v43 =	vand.u32 $0xFFFFFF80, v13;
	[tilespmem:v7+s25+$0x0] =	vst.idx.msk $0xffff, v9;
	v7 =	vor.u32 v12, v11  }
0x2fb: {  	v44 =	vand.u32 $0x7F, v13;
	v9 =	vadd.s32 v5, v43;
	v8 =	vld.idx.msk [tilespmem:v8+s13+$0x0], $0xffff;
	v7 =	vor.u32 v3, v7  }
0x2fc: {  	s17 =	sor.u32 $0x6, s9;
	v9 =	vor.u32 v44, v9  }
0x2fd: {  	v45 =	vadd.s32 s17, v3  }
0x2fe: {  	v46 =	vshll.u32 v40, $0x8;
	v47 =	vand.u32 $0x3F, v45;
	v10 =	vshll.u32 v40, $0x7  }
0x2ff: {  	v10 =	vand.u32 $0x380, v10;
	v13 =	vadd.s32 v4, v47;
	v12 =	vand.u32 $0x3800, v46  }
0x300: {  	[tilespmem:v7+s25+$0x0] =	vst.idx.msk $0xffff, v8;
	v7 =	vor.u32 v12, v10;
	v8 =	vand.u32 $0xFFFFFF80, v13  }
0x301: {  	v48 =	vand.u32 $0x7F, v13;
	v9 =	vld.idx.msk [tilespmem:v9+s13+$0x0], $0xffff;
	v7 =	vor.u32 v3, v7;
	v8 =	vadd.s32 v5, v8  }
0x302: {  	s18 =	sor.u32 $0x7, s9;
	v8 =	vor.u32 v48, v8  }
0x303: {  	v49 =	vadd.s32 s18, v3  }
0x304: {  	v50 =	vshll.u32 v45, $0x8;
	v51 =	vand.u32 $0x3F, v49;
	v11 =	vshll.u32 v45, $0x7  }
0x305: {  	v11 =	vand.u32 $0x380, v11;
	v12 =	vand.u32 $0x3800, v50;
	v13 =	vadd.s32 v4, v51  }
0x306: {  	v52 =	vand.u32 $0xFFFFFF80, v13;
	[tilespmem:v7+s25+$0x0] =	vst.idx.msk $0xffff, v9;
	v7 =	vor.u32 v12, v11  }
0x307: {  	v53 =	vand.u32 $0x7F, v13;
	v9 =	vadd.s32 v5, v52;
	v8 =	vld.idx.msk [tilespmem:v8+s13+$0x0], $0xffff;
	v7 =	vor.u32 v3, v7  }
0x308: {  	s16 =	sor.u32 $0x8, s9;
	v9 =	vor.u32 v53, v9  }
0x309: {  	v54 =	vadd.s32 s16, v3  }
0x30a: {  	v55 =	vshll.u32 v49, $0x8;
	v56 =	vand.u32 $0x3F, v54;
	v10 =	vshll.u32 v49, $0x7  }
0x30b: {  	v10 =	vand.u32 $0x380, v10;
	v13 =	vadd.s32 v4, v56;
	v12 =	vand.u32 $0x3800, v55  }
0x30c: {  	[tilespmem:v7+s25+$0x0] =	vst.idx.msk $0xffff, v8;
	v7 =	vor.u32 v12, v10;
	v8 =	vand.u32 $0xFFFFFF80, v13  }
0x30d: {  	v57 =	vand.u32 $0x7F, v13;
	v9 =	vld.idx.msk [tilespmem:v9+s13+$0x0], $0xffff;
	v7 =	vor.u32 v3, v7;
	v8 =	vadd.s32 v5, v8  }
0x30e: {  	s17 =	sor.u32 $0x9, s9;
	v8 =	vor.u32 v57, v8  }
0x30f: {  	v58 =	vadd.s32 s17, v3  }
0x310: {  	v59 =	vand.u32 $0x3F, v58  }
0x311: {  	v11 =	vshll.u32 v54, $0x8;
	v12 =	vadd.s32 v4, v59  }
0x312: {  	v60 =	vand.u32 $0xFFFFFF80, v12;
	[tilespmem:v7+s25+$0x0] =	vst.idx.msk $0xffff, v9;
	v7 =	vand.u32 $0x3800, v11  }
0x313: {  	v61 =	vand.u32 $0x7F, v12;
	v9 =	vadd.s32 v5, v60;
	v8 =	vld.idx.msk [tilespmem:v8+s13+$0x0], $0xffff;
	v7 =	vor.u32 v7, v6  }
0x314: {  	s18 =	sor.u32 $0xA, s9;
	v9 =	vor.u32 v61, v9  }
0x315: {  	v62 =	vadd.s32 s18, v3  }
0x316: {  	v63 =	vshll.u32 v58, $0x8;
	v16 =	vand.u32 $0x3F, v62;
	v10 =	vshll.u32 v58, $0x7  }
0x317: {  	v13 =	vadd.s32 v4, v16;
	v12 =	vand.u32 $0x3800, v63;
	v10 =	vand.u32 $0x380, v10  }
0x318: {  	[tilespmem:v7+s25+$0x0] =	vst.idx.msk $0xffff, v8;
	v7 =	vor.u32 v12, v10;
	v8 =	vand.u32 $0xFFFFFF80, v13  }
0x319: {  	v17 =	vand.u32 $0x7F, v13;
	v9 =	vld.idx.msk [tilespmem:v9+s13+$0x0], $0xffff;
	v7 =	vor.u32 v3, v7;
	v8 =	vadd.s32 v5, v8  }
0x31a: {  	s16 =	sor.u32 $0xB, s9;
	v8 =	vor.u32 v17, v8  }
0x31b: {  	v18 =	vadd.s32 s16, v3  }
0x31c: {  	v19 =	vshll.u32 v62, $0x8;
	v20 =	vand.u32 $0x3F, v18;
	v11 =	vshll.u32 v62, $0x7  }
0x31d: {  	v11 =	vand.u32 $0x380, v11;
	v12 =	vand.u32 $0x3800, v19;
	v13 =	vadd.s32 v4, v20  }
0x31e: {  	v21 =	vand.u32 $0xFFFFFF80, v13;
	[tilespmem:v7+s25+$0x0] =	vst.idx.msk $0xffff, v9;
	v7 =	vor.u32 v12, v11  }
0x31f: {  	v22 =	vand.u32 $0x7F, v13;
	v9 =	vadd.s32 v5, v21;
	v8 =	vld.idx.msk [tilespmem:v8+s13+$0x0], $0xffff;
	v7 =	vor.u32 v3, v7  }
0x320: {  	s17 =	sor.u32 $0xC, s9;
	v9 =	vor.u32 v22, v9  }
0x321: {  	v23 =	vadd.s32 s17, v3  }
0x322: {  	v24 =	vshll.u32 v18, $0x8;
	v25 =	vand.u32 $0x3F, v23;
	v10 =	vshll.u32 v18, $0x7  }
0x323: {  	v10 =	vand.u32 $0x380, v10;
	v13 =	vadd.s32 v4, v25;
	v12 =	vand.u32 $0x3800, v24  }
0x324: {  	[tilespmem:v7+s25+$0x0] =	vst.idx.msk $0xffff, v8;
	v7 =	vor.u32 v12, v10;
	v8 =	vand.u32 $0xFFFFFF80, v13  }
0x325: {  	v26 =	vand.u32 $0x7F, v13;
	v9 =	vld.idx.msk [tilespmem:v9+s13+$0x0], $0xffff;
	v7 =	vor.u32 v3, v7;
	v8 =	vadd.s32 v5, v8  }
0x326: {  	s18 =	sor.u32 $0xD, s9;
	v8 =	vor.u32 v26, v8  }
0x327: {  	v27 =	vadd.s32 s18, v3  }
0x328: {  	v28 =	vshll.u32 v23, $0x8;
	v29 =	vand.u32 $0x3F, v27;
	v11 =	vshll.u32 v23, $0x7  }
0x329: {  	v11 =	vand.u32 $0x380, v11;
	v12 =	vand.u32 $0x3800, v28;
	v13 =	vadd.s32 v4, v29  }
0x32a: {  	v30 =	vand.u32 $0xFFFFFF80, v13;
	[tilespmem:v7+s25+$0x0] =	vst.idx.msk $0xffff, v9;
	v7 =	vor.u32 v12, v11  }
0x32b: {  	v31 =	vand.u32 $0x7F, v13;
	v9 =	vadd.s32 v5, v30;
	v8 =	vld.idx.msk [tilespmem:v8+s13+$0x0], $0xffff;
	v7 =	vor.u32 v3, v7  }
0x32c: {  	s16 =	sor.u32 $0xE, s9;
	v9 =	vor.u32 v31, v9  }
0x32d: {  	v32 =	vadd.s32 s16, v3  }
0x32e: {  	v33 =	vshll.u32 v27, $0x8;
	v34 =	vand.u32 $0x3F, v32;
	v10 =	vshll.u32 v27, $0x7  }
0x32f: {  	v10 =	vand.u32 $0x380, v10;
	v13 =	vadd.s32 v4, v34;
	v12 =	vand.u32 $0x3800, v33  }
0x330: {  	[tilespmem:v7+s25+$0x0] =	vst.idx.msk $0xffff, v8;
	v7 =	vor.u32 v12, v10;
	v8 =	vand.u32 $0xFFFFFF80, v13  }
0x331: {  	v35 =	vand.u32 $0x7F, v13;
	v9 =	vld.idx.msk [tilespmem:v9+s13+$0x0], $0xffff;
	v7 =	vor.u32 v3, v7;
	v8 =	vadd.s32 v5, v8  }
0x332: {  	s17 =	sor.u32 $0xF, s9;
	v8 =	vor.u32 v35, v8  }
0x333: {  	v36 =	vadd.s32 s17, v3  }
0x334: {  	v37 =	vshll.u32 v32, $0x8;
	v38 =	vand.u32 $0x3F, v36;
	v11 =	vshll.u32 v32, $0x7  }
0x335: {  	v11 =	vand.u32 $0x380, v11;
	v12 =	vand.u32 $0x3800, v37;
	v13 =	vadd.s32 v4, v38  }
0x336: {  	v39 =	vand.u32 $0xFFFFFF80, v13;
	[tilespmem:v7+s25+$0x0] =	vst.idx.msk $0xffff, v9;
	v7 =	vor.u32 v12, v11  }
0x337: {  	v40 =	vand.u32 $0x7F, v13;
	v9 =	vadd.s32 v5, v39;
	v8 =	vld.idx.msk [tilespmem:v8+s13+$0x0], $0xffff;
	v7 =	vor.u32 v3, v7  }
0x338: {  	s18 =	sor.u32 $0x10, s9;
	v9 =	vor.u32 v40, v9  }
0x339: {  	v41 =	vadd.s32 s18, v3  }
0x33a: {  	v42 =	vshll.u32 v36, $0x8;
	v43 =	vand.u32 $0x2F, v41;
	v10 =	vshll.u32 v36, $0x7  }
0x33b: {  	v10 =	vand.u32 $0x380, v10;
	v13 =	vadd.s32 v4, v43;
	v12 =	vand.u32 $0x3800, v42  }
0x33c: {  	[tilespmem:v7+s25+$0x0] =	vst.idx.msk $0xffff, v8;
	v7 =	vor.u32 v12, v10;
	v8 =	vand.u32 $0xFFFFFF80, v13  }
0x33d: {  	v44 =	vand.u32 $0x7F, v13;
	v9 =	vld.idx.msk [tilespmem:v9+s13+$0x0], $0xffff;
	v7 =	vor.u32 v3, v7;
	v8 =	vadd.s32 v5, v8  }
0x33e: {  	s16 =	sor.u32 $0x11, s9;
	v8 =	vor.u32 v44, v8  }
0x33f: {  	v45 =	vadd.s32 s16, v3  }
0x340: {  	v46 =	vand.u32 $0x3F, v45  }
0x341: {  	v11 =	vshll.u32 v41, $0x8;
	v12 =	vadd.s32 v4, v46  }
0x342: {  	v47 =	vand.u32 $0xFFFFFF80, v12;
	[tilespmem:v7+s25+$0x0] =	vst.idx.msk $0xffff, v9;
	v7 =	vand.u32 $0x2800, v11  }
0x343: {  	v48 =	vand.u32 $0x7F, v12;
	v9 =	vadd.s32 v5, v47;
	v8 =	vld.idx.msk [tilespmem:v8+s13+$0x0], $0xffff;
	v7 =	vor.u32 v7, v6  }
0x344: {  	s17 =	sor.u32 $0x12, s9;
	v9 =	vor.u32 v48, v9  }
0x345: {  	v49 =	vadd.s32 s17, v3  }
0x346: {  	v50 =	vshll.u32 v45, $0x8;
	v51 =	vand.u32 $0x3F, v49;
	v10 =	vshll.u32 v45, $0x7  }
0x347: {  	v13 =	vadd.s32 v4, v51;
	v12 =	vand.u32 $0x3800, v50;
	v10 =	vand.u32 $0x380, v10  }
0x348: {  	[tilespmem:v7+s25+$0x0] =	vst.idx.msk $0xffff, v8;
	v7 =	vor.u32 v12, v10;
	v8 =	vand.u32 $0xFFFFFF80, v13  }
0x349: {  	v52 =	vand.u32 $0x7F, v13;
	v9 =	vld.idx.msk [tilespmem:v9+s13+$0x0], $0xffff;
	v7 =	vor.u32 v3, v7;
	v8 =	vadd.s32 v5, v8  }
0x34a: {  	s18 =	sor.u32 $0x13, s9;
	v8 =	vor.u32 v52, v8  }
0x34b: {  	v53 =	vadd.s32 s18, v3  }
0x34c: {  	v54 =	vshll.u32 v49, $0x8;
	v55 =	vand.u32 $0x3F, v53;
	v11 =	vshll.u32 v49, $0x7  }
0x34d: {  	v11 =	vand.u32 $0x380, v11;
	v12 =	vand.u32 $0x3800, v54;
	v13 =	vadd.s32 v4, v55  }
0x34e: {  	v56 =	vand.u32 $0xFFFFFF80, v13;
	[tilespmem:v7+s25+$0x0] =	vst.idx.msk $0xffff, v9;
	v7 =	vor.u32 v12, v11  }
0x34f: {  	v57 =	vand.u32 $0x7F, v13;
	v9 =	vadd.s32 v5, v56;
	v8 =	vld.idx.msk [tilespmem:v8+s13+$0x0], $0xffff;
	v7 =	vor.u32 v3, v7  }
0x350: {  	s16 =	sor.u32 $0x14, s9;
	v9 =	vor.u32 v57, v9  }
0x351: {  	v58 =	vadd.s32 s16, v3  }
0x352: {  	v59 =	vshll.u32 v53, $0x8;
	v60 =	vand.u32 $0x3F, v58;
	v10 =	vshll.u32 v53, $0x7  }
0x353: {  	v10 =	vand.u32 $0x380, v10;
	v13 =	vadd.s32 v4, v60;
	v12 =	vand.u32 $0x3800, v59  }
0x354: {  	[tilespmem:v7+s25+$0x0] =	vst.idx.msk $0xffff, v8;
	v7 =	vor.u32 v12, v10;
	v8 =	vand.u32 $0xFFFFFF80, v13  }
0x355: {  	v61 =	vand.u32 $0x7F, v13;
	v9 =	vld.idx.msk [tilespmem:v9+s13+$0x0], $0xffff;
	v7 =	vor.u32 v3, v7;
	v8 =	vadd.s32 v5, v8  }
0x356: {  	s17 =	sor.u32 $0x15, s9;
	v8 =	vor.u32 v61, v8  }
0x357: {  	v62 =	vadd.s32 s17, v3  }
0x358: {  	v63 =	vshll.u32 v58, $0x8;
	v16 =	vand.u32 $0x3F, v62;
	v11 =	vshll.u32 v58, $0x7  }
0x359: {  	v11 =	vand.u32 $0x380, v11;
	v12 =	vand.u32 $0x3800, v63;
	v13 =	vadd.s32 v4, v16  }
0x35a: {  	v17 =	vand.u32 $0xFFFFFF80, v13;
	[tilespmem:v7+s25+$0x0] =	vst.idx.msk $0xffff, v9;
	v7 =	vor.u32 v12, v11  }
0x35b: {  	v18 =	vand.u32 $0x7F, v13;
	v9 =	vadd.s32 v5, v17;
	v8 =	vld.idx.msk [tilespmem:v8+s13+$0x0], $0xffff;
	v7 =	vor.u32 v3, v7  }
0x35c: {  	s18 =	sor.u32 $0x16, s9;
	v9 =	vor.u32 v18, v9  }
0x35d: {  	v19 =	vadd.s32 s18, v3  }
0x35e: {  	v20 =	vshll.u32 v62, $0x8;
	v21 =	vand.u32 $0x3F, v19;
	v10 =	vshll.u32 v62, $0x7  }
0x35f: {  	v10 =	vand.u32 $0x380, v10;
	v13 =	vadd.s32 v4, v21;
	v12 =	vand.u32 $0x3800, v20  }
0x360: {  	[tilespmem:v7+s25+$0x0] =	vst.idx.msk $0xffff, v8;
	v7 =	vor.u32 v12, v10;
	v8 =	vand.u32 $0xFFFFFF80, v13  }
0x361: {  	v22 =	vand.u32 $0x7F, v13;
	v9 =	vld.idx.msk [tilespmem:v9+s13+$0x0], $0xffff;
	v7 =	vor.u32 v3, v7;
	v8 =	vadd.s32 v5, v8  }
0x362: {  	s16 =	sor.u32 $0x17, s9;
	v8 =	vor.u32 v22, v8  }
0x363: {  	v23 =	vadd.s32 s16, v3  }
0x364: {  	v24 =	vshll.u32 v19, $0x8;
	v25 =	vand.u32 $0x3F, v23;
	v11 =	vshll.u32 v19, $0x7  }
0x365: {  	v11 =	vand.u32 $0x380, v11;
	v12 =	vand.u32 $0x3800, v24;
	v13 =	vadd.s32 v4, v25  }
0x366: {  	v26 =	vand.u32 $0xFFFFFF80, v13;
	[tilespmem:v7+s25+$0x0] =	vst.idx.msk $0xffff, v9;
	v7 =	vor.u32 v12, v11  }
0x367: {  	v27 =	vand.u32 $0x7F, v13;
	v9 =	vadd.s32 v5, v26;
	v8 =	vld.idx.msk [tilespmem:v8+s13+$0x0], $0xffff;
	v7 =	vor.u32 v3, v7  }
0x368: {  	s17 =	sor.u32 $0x18, s9;
	v9 =	vor.u32 v27, v9  }
0x369: {  	v28 =	vadd.s32 s17, v3  }
0x36a: {  	v29 =	vshll.u32 v23, $0x8;
	v30 =	vand.u32 $0x3F, v28;
	v10 =	vshll.u32 v23, $0x7  }
0x36b: {  	v10 =	vand.u32 $0x380, v10;
	v13 =	vadd.s32 v4, v30;
	v12 =	vand.u32 $0x3800, v29  }
0x36c: {  	[tilespmem:v7+s25+$0x0] =	vst.idx.msk $0xffff, v8;
	v7 =	vor.u32 v12, v10;
	v8 =	vand.u32 $0xFFFFFF80, v13  }
0x36d: {  	v31 =	vand.u32 $0x7F, v13;
	v9 =	vld.idx.msk [tilespmem:v9+s13+$0x0], $0xffff;
	v7 =	vor.u32 v3, v7;
	v8 =	vadd.s32 v5, v8  }
0x36e: {  	s18 =	sor.u32 $0x19, s9;
	v8 =	vor.u32 v31, v8  }
0x36f: {  	v32 =	vadd.s32 s18, v3  }
0x370: {  	v33 =	vand.u32 $0x3F, v32  }
0x371: {  	v11 =	vshll.u32 v28, $0x8;
	v12 =	vadd.s32 v4, v33  }
0x372: {  	v34 =	vand.u32 $0xFFFFFF80, v12;
	[tilespmem:v7+s25+$0x0] =	vst.idx.msk $0xffff, v9;
	v7 =	vand.u32 $0x3800, v11  }
0x373: {  	v35 =	vand.u32 $0x7F, v12;
	v9 =	vadd.s32 v5, v34;
	v8 =	vld.idx.msk [tilespmem:v8+s13+$0x0], $0xffff;
	v7 =	vor.u32 v7, v6  }
0x374: {  	s16 =	sor.u32 $0x1A, s9;
	v9 =	vor.u32 v35, v9  }
0x375: {  	v36 =	vadd.s32 s16, v3  }
0x376: {  	v37 =	vshll.u32 v32, $0x8;
	v38 =	vand.u32 $0x3F, v36;
	v10 =	vshll.u32 v32, $0x7  }
0x377: {  	v13 =	vadd.s32 v4, v38;
	v12 =	vand.u32 $0x3800, v37;
	v10 =	vand.u32 $0x380, v10  }
0x378: {  	[tilespmem:v7+s25+$0x0] =	vst.idx.msk $0xffff, v8;
	v7 =	vor.u32 v12, v10;
	v8 =	vand.u32 $0xFFFFFF80, v13  }
0x379: {  	v39 =	vand.u32 $0x7F, v13;
	v9 =	vld.idx.msk [tilespmem:v9+s13+$0x0], $0xffff;
	v7 =	vor.u32 v3, v7;
	v8 =	vadd.s32 v5, v8  }
0x37a: {  	s17 =	sor.u32 $0x1B, s9;
	v8 =	vor.u32 v39, v8  }
0x37b: {  	v40 =	vadd.s32 s17, v3  }
0x37c: {  	v41 =	vshll.u32 v36, $0x8;
	v42 =	vand.u32 $0x3F, v40;
	v11 =	vshll.u32 v36, $0x7  }
0x37d: {  	v11 =	vand.u32 $0x380, v11;
	v12 =	vand.u32 $0x3800, v41;
	v13 =	vadd.s32 v4, v42  }
0x37e: {  	v43 =	vand.u32 $0xFFFFFF80, v13;
	[tilespmem:v7+s25+$0x0] =	vst.idx.msk $0xffff, v9;
	v7 =	vor.u32 v12, v11  }
0x37f: {  	v44 =	vand.u32 $0x7F, v13;
	v9 =	vadd.s32 v5, v43;
	v8 =	vld.idx.msk [tilespmem:v8+s13+$0x0], $0xffff;
	v7 =	vor.u32 v3, v7  }
0x380: {  	s18 =	sor.u32 $0x1C, s9;
	v9 =	vor.u32 v44, v9  }
0x381: {  	v45 =	vadd.s32 s18, v3  }
0x382: {  	v46 =	vshll.u32 v40, $0x8;
	v47 =	vand.u32 $0x3F, v45;
	v10 =	vshll.u32 v40, $0x7  }
0x383: {  	v10 =	vand.u32 $0x380, v10;
	v13 =	vadd.s32 v4, v47;
	v12 =	vand.u32 $0x3800, v46  }
0x384: {  	[tilespmem:v7+s25+$0x0] =	vst.idx.msk $0xffff, v8;
	v7 =	vor.u32 v12, v10;
	v8 =	vand.u32 $0xFFFFFF80, v13  }
0x385: {  	v48 =	vand.u32 $0x7F, v13;
	v9 =	vld.idx.msk [tilespmem:v9+s13+$0x0], $0xffff;
	v7 =	vor.u32 v3, v7;
	v8 =	vadd.s32 v5, v8  }
0x386: {  	s16 =	sor.u32 $0x1D, s9;
	v8 =	vor.u32 v48, v8  }
0x387: {  	v49 =	vadd.s32 s16, v3  }
0x388: {  	v50 =	vshll.u32 v45, $0x8;
	v51 =	vand.u32 $0x3F, v49;
	v11 =	vshll.u32 v45, $0x7  }
0x389: {  	v11 =	vand.u32 $0x380, v11;
	v12 =	vand.u32 $0x3800, v50;
	v13 =	vadd.s32 v4, v51  }
0x38a: {  	v52 =	vand.u32 $0xFFFFFF80, v13;
	[tilespmem:v7+s25+$0x0] =	vst.idx.msk $0xffff, v9;
	v7 =	vor.u32 v12, v11  }
0x38b: {  	v53 =	vand.u32 $0x7F, v13;
	v9 =	vadd.s32 v5, v52;
	v8 =	vld.idx.msk [tilespmem:v8+s13+$0x0], $0xffff;
	v7 =	vor.u32 v3, v7  }
0x38c: {  	s17 =	sor.u32 $0x1E, s9;
	v9 =	vor.u32 v53, v9  }
0x38d: {  	v54 =	vadd.s32 s17, v3  }
0x38e: {  	v55 =	vshll.u32 v49, $0x8;
	v56 =	vand.u32 $0x3F, v54;
	v10 =	vshll.u32 v49, $0x7  }
0x38f: {  	v10 =	vand.u32 $0x380, v10;
	v13 =	vadd.s32 v4, v56;
	v12 =	vand.u32 $0x3800, v55  }
0x390: {  	[tilespmem:v7+s25+$0x0] =	vst.idx.msk $0xffff, v8;
	v7 =	vor.u32 v12, v10;
	v8 =	vand.u32 $0xFFFFFF80, v13  }
0x391: {  	v57 =	vand.u32 $0x7F, v13;
	v9 =	vld.idx.msk [tilespmem:v9+s13+$0x0], $0xffff;
	v7 =	vor.u32 v3, v7;
	v8 =	vadd.s32 v5, v8  }
0x392: {  	s18 =	sor.u32 $0x1F, s9;
	v8 =	vor.u32 v57, v8  }
0x393: {  	v58 =	vadd.s32 s18, v3  }
0x394: {  	v59 =	vshll.u32 v54, $0x8;
	v60 =	vand.u32 $0x3F, v58;
	v11 =	vshll.u32 v54, $0x7  }
0x395: {  	v11 =	vand.u32 $0x380, v11;
	v12 =	vand.u32 $0x3800, v59;
	v13 =	vadd.s32 v4, v60  }
0x396: {  	v61 =	vand.u32 $0xFFFFFF80, v13;
	[tilespmem:v7+s25+$0x0] =	vst.idx.msk $0xffff, v9;
	v7 =	vor.u32 v12, v11  }
0x397: {  	v62 =	vand.u32 $0x7F, v13;
	v9 =	vadd.s32 v5, v61;
	v8 =	vld.idx.msk [tilespmem:v8+s13+$0x0], $0xffff;
	v7 =	vor.u32 v3, v7  }
0x398: {  	v9 =	vor.u32 v62, v9;
	_ =	sdelay $0x1  }
0x399: {  	v63 =	vshll.u32 v58, $0x8;
	v10 =	vshll.u32 v58, $0x7  }
0x39a: {  	v10 =	vand.u32 $0x380, v10;
	v11 =	vand.u32 $0x3800, v63  }
0x39b: {  	[tilespmem:v7+s25+$0x0] =	vst.idx.msk $0xffff, v8;
	v7 =	vor.u32 v11, v10  }
0x39c: {  	p1 =	por p0, p0;
	v8 =	vld.idx.msk [tilespmem:v9+s13+$0x0], $0xffff;
	v7 =	vor.u32 v3, v7  }
.Ltmp8:
0x39d: {  	_ = 	snop;
	(pc) =	sbr.rel @p1 .LBB2_18-.Ltmp8, $2  }
0x39e: {  	_ =	sdelay $0x2  }
0x39f: {  	p0 =	por $0x0, $0x0;
	s9 =	simm.s32 $0x20;
	[tilespmem:v7+s25+$0x0] =	vst.idx.msk $0xffff, v8  }
0x3a0: {  	p0 =	slt.u32 s8, $0x6  }
.Ltmp9:
0x3a1: {  	_ = 	snop;
	(pc) =	sbr.rel @p0 .LBB2_15-.Ltmp9, $3  }
0x3a2: {  	_ =	sdelay $0x1  }
0x3a3: {  	s9 =	sadd.s32 $0x2, s8  }
0x3a4: {  	s8 =	smov.u32 s9  }
0x3a5: {  	s7 =	sshll.u32 s7, $0x12  }
0x3a6: {  	s7 =	sor.u32 s4, s7  }
0x3a7: {  	s7 =	sshrl.u32 s7, $0x3  }
0x3a8: {  	s7 =	sadd.s32 s1, s7  }
0x3a9: {  	[hbm4b:s7+s3] =	stream.linear.scatter [tilespmem:s25], [sflag:$0x4], $0x400, $0x38;
	[tilespmem:$0x1C800] =	vst v63  }
0x3aa: {  	s8 =	sadd.s32 $0x1000, s7  }
0x3ab: {  	[hbm4b:s8+s3] =	stream.linear.scatter [tilespmem:s26], [sflag:$0x4], $0x400, $0x38;
	[tilespmem:$0x1C800] =	vst v63  }
0x3ac: {  	s9 =	sadd.s32 $0x2000, s7  }
0x3ad: {  	[hbm4b:s9+s3] =	stream.linear.scatter [tilespmem:s28], [sflag:$0x4], $0x400, $0x38;
	[tilespmem:$0x1C800] =	vst v63  }
0x3ae: {  	s10 =	sadd.s32 $0x3000, s7  }
0x3af: {  	[hbm4b:s10+s3] =	stream.linear.scatter [tilespmem:s29], [sflag:$0x4], $0x400, $0x38;
	[tilespmem:$0x1C800] =	vst v63  }
0x3b0: {  	s6 =	sadd.s32 $0x1, s6;
	s16 =	sadd.s32 $0x4000, s7  }
0x3b1: {  	[hbm4b:s16+s3] =	stream.linear.scatter [tilespmem:s30], [sflag:$0x4], $0x400, $0x38;
	[tilespmem:$0x1C800] =	vst v63  }
0x3b2: {  	p0 =	sne.s32 s6, $0x64;
	s17 =	sadd.s32 $0x5000, s7  }
0x3b3: {  	[hbm4b:s17+s3] =	stream.linear.scatter [tilespmem:s31], [sflag:$0x4], $0x400, $0x38;
	[tilespmem:$0x1C800] =	vst v63  }
.Ltmp10:
0x3b4: {  	_ = 	snop;
	(pc) =	sbr.rel @p0 .LBB2_4-.Ltmp10, $4  }
0x3b5: {  	s18 =	sadd.s32 $0x6000, s7  }
0x3b6: {  	[hbm4b:s18+s3] =	stream.linear.scatter [tilespmem:s0], [sflag:$0x4], $0x400, $0x38;
	[tilespmem:$0x1C800] =	vst v63  }
0x3b7: {  	s7 =	sadd.s32 $0x7000, s7  }
0x3b8: {  	[hbm4b:s7+s3] =	stream.linear.scatter [tilespmem:s2], [sflag:$0x4], $0x400, $0x38;
	[tilespmem:$0x1C800] =	vst v63  }
0x3b9: {  	s6 =	simm.s32 $0x3  }
0x3ba: {  	_ =	swait.ge [sflag:s6], $0x2000  }
0x3bb: {  	[sflag:s6] =	ssyncset.done $0x0  }
0x3bc: {  	[sflag:s6] =	ssyncadd.s32 $0xFFFFE000  }
0x3bd: {  	_ =	swait.ge [sflag:s24], $0x2000  }
0x3be: {  	s7 =	rddreg [dreg:$0x6]  }
0x3bf: {  	s18 =	rddreg [dreg:$0x5];
	s7 =	sadd.s32 $0x1, s7  }
0x3c0: {  	p0 =	sne.s32 s7, s18  }
.Ltmp11:
0x3c1: {  	_ = 	snop;
	(pc) =	sbr.rel @p0 .LBB2_1-.Ltmp11, $3  }
0x3c2: {  	_ =	sdelay $0x1  }
0x3c3: {  	[sflag:s24] =	ssyncset.done $0x0  }
0x3c4: {  	[sflag:s24] =	ssyncadd.s32 $0xFFFFE000  }
0x3c5: {  	_ =	sfence.sel $0x180000  }
0x3c6: {  	[bflag:$0x0] =	sbarrier.arrive $0xFFFF  }
0x3c7: {  	_ =	strace $0x90000047  }
0x3c8: {  	s0 =	stileid.u32;
	[bflag:$0x2] =	sbarrier.arrive $0xFFFF  }
0x3c9: {  	p0 =	sne.s32 s0, $0x0;
	s0 =	rddreg [dreg:$0x3]  }
0x3ca: {  	s0 =	sadd.s32 @!p0 $0x100000, s0  }
0x3cb: {  	[sflag:s0] =	ssyncadd.tile.s32 @!p0 $0x1;
	_ =	shalt  }
.Lfunc_end2:
_tile_overlayer_lowered:
.L_overlay_start_2:
0x3cc: {  	(tag) =	ssettag $0x2  }
0x3cd: {  	s0 =	rddreg [dreg:$0x0];
	s2 =	stileid.u32  }
0x3ce: {  	s1 =	rddreg [dreg:$0x1];
	p0 =	sne.s32 s2, $0x0  }
0x3cf: {  	s3 =	rddreg [dreg:$0x2];
	[bflag:$0x3] =	sbarrier.arrive $0xFFFF;
	s2 =	simm.s32 @!p0 $0x1C05  }
0x3d0: {  	[timem:s3], [sflag:s2] =	dma.local @!p0 [hbm:s0], s1  }
0x3d1: {  	s0 =	simm.s32 @!p0 $0x5  }
0x3d2: {  	_ =	swait.ge @!p0 [sflag:s0], s1  }
0x3d3: {  	s1 =	ssub.s32 @!p0 $0x0, s1;
	[sflag:s0] =	ssyncset.done @!p0 $0x0  }
0x3d4: {  	[sflag:s0] =	ssyncadd.s32 @!p0 s1  }
0x3d5: {  	[bflag:$0x3] =	sbarrier.arrive $0xFFFF  }
0x3d6: {  	_ =	shalt  }

</sc_bundles>
